<compile_context>
chip_gen: v7x
topology: tpu7x:2x2x1
jax: 0.10.2.dev20260603
libtpu: 0.0.44.dev20260713+nightly
codegen_flags: <defaults>
</compile_context>

<pallas_src>
import functools
import jax
import jax.numpy as jnp
from jax import lax
from jax.experimental import pallas as pl
from jax.experimental.pallas import tpu as pltpu
from jax.experimental.pallas import tpu_sc as plsc

NNODE = 10000
NEDGE = 160000
NKEY = NNODE * NNODE
NC, NS, LN = 2, 16, 16
NW = NC * NS
NPAD = 10240
TRASH = 10000
EW = NEDGE // NW
ET = NEDGE // NS
CH = 128
MCH = 64
MNCH = (ET - 16) // MCH
BN = 400
NB = NNODE // BN

_mesh = plsc.VectorSubcoreMesh(core_axis_name="c", subcore_axis_name="s")


def _iota16():
    return lax.iota(jnp.int32, 16)


def _a1_body(src_hbm, dst_hbm, table_hbm, srcb, dstb, key_buf, eid_buf,
             key_t, eid_t, sem):
    c = lax.axis_index("c")
    s = lax.axis_index("s")
    wid = c * NS + s
    base = wid * EW
    iota = _iota16()
    zeros_i = jnp.zeros((16,), jnp.int32)

    pltpu.sync_copy(src_hbm.at[pl.ds(base, EW)], srcb)
    pltpu.sync_copy(dst_hbm.at[pl.ds(base, EW)], dstb)

    @pl.loop(0, 39)
    def _fire(j):
        for i in range(CH // 16):
            sl = pl.ds(i * 16, 16)
            gsl = pl.ds(j * CH + i * 16, 16)
            key_buf[j, sl] = srcb[gsl] * NNODE + dstb[gsl]
        for r in range(CH):
            eid_buf[j, r] = zeros_i + (base + j * CH + r)
        pltpu.async_copy(eid_buf.at[j], table_hbm.at[key_buf.at[j]], sem)

    toff = EW - 16
    key_t[...] = srcb[pl.ds(toff, 16)] * NNODE + dstb[pl.ds(toff, 16)]

    @pl.loop(0, 16)
    def _teid(r):
        eid_t[r] = zeros_i + (base + toff + r)
    pltpu.async_copy(eid_t, table_hbm.at[key_t], sem)

    @pl.loop(0, 39)
    def _drain(j):
        pltpu.make_async_copy(
            eid_buf.at[j], table_hbm.at[key_buf.at[j]], sem).wait()
    pltpu.make_async_copy(eid_t, table_hbm.at[key_t], sem).wait()


@jax.jit
def _scatter_ids(src, dst):
    return pl.kernel(
        _a1_body,
        out_type=jax.ShapeDtypeStruct((NKEY, 16), jnp.int32),
        compiler_params=pltpu.CompilerParams(use_tc_tiling_on_sc=False),
        mesh=_mesh,
        scratch_types=[
            pltpu.VMEM((EW,), jnp.int32),
            pltpu.VMEM((EW,), jnp.int32),
            pltpu.VMEM((39, CH), jnp.int32),
            pltpu.VMEM((39, CH, 16), jnp.int32),
            pltpu.VMEM((16,), jnp.int32),
            pltpu.VMEM((16, 16), jnp.int32),
            pltpu.SemaphoreType.DMA,
        ],
    )(src, dst)


def _a2_body(src_hbm, dst_hbm, table_hbm, eff_hbm, deg_hbm,
             srcb, dstb, effb, key_buf, win_buf, dst_buf, val_buf,
             key_t, win_t, val_t, dst_t, zstripe, deg_sp, gsem, ssem):
    c = lax.axis_index("c")
    s = lax.axis_index("s")
    wid = c * NS + s
    base = wid * EW
    iota = _iota16()
    zeros_f = jnp.zeros((16,), jnp.float32)
    stripe = NPAD // NS

    @pl.loop(0, stripe // 16)
    def _zs(r):
        zstripe[pl.ds(r * 16, 16)] = zeros_f
    pltpu.sync_copy(zstripe, deg_sp.at[pl.ds(s * stripe, stripe)])

    pltpu.sync_copy(src_hbm.at[pl.ds(base, EW)], srcb)
    pltpu.sync_copy(dst_hbm.at[pl.ds(base, EW)], dstb)

    plsc.subcore_barrier()

    @pl.loop(0, 39)
    def _fire(j):
        for i in range(CH // 16):
            sl = pl.ds(i * 16, 16)
            gsl = pl.ds(j * CH + i * 16, 16)
            key_buf[j, sl] = (srcb[gsl] * NNODE + dstb[gsl]) * 16
            dst_buf[j, sl] = dstb[gsl]
        pltpu.async_copy(table_hbm.at[key_buf.at[j]], win_buf.at[j], gsem)

    toff = EW - 16
    key_t[...] = (srcb[pl.ds(toff, 16)] * NNODE + dstb[pl.ds(toff, 16)]) * 16
    dst_t[...] = dstb[pl.ds(toff, 16)]
    pltpu.async_copy(table_hbm.at[key_t], win_t, gsem)

    @pl.loop(0, 39)
    def _drain(j):
        pltpu.make_async_copy(
            table_hbm.at[key_buf.at[j]], win_buf.at[j], gsem).wait()
    pltpu.make_async_copy(table_hbm.at[key_t], win_t, gsem).wait()

    @pl.loop(0, 39)
    def _proc(j):
        for i in range(CH // 16):
            sl = pl.ds(i * 16, 16)
            gsl = pl.ds(j * CH + i * 16, 16)
            eid = base + j * CH + (i * 16) + iota
            flag = win_buf[j, sl] == eid
            effb[gsl] = jnp.where(flag, dst_buf[j, sl], TRASH)
            val_buf[j, sl] = jnp.where(flag, 1.0, 0.0).astype(jnp.float32)
        pltpu.async_copy(val_buf.at[j], deg_sp.at[dst_buf.at[j]], ssem,
                         add=True)

    eid = base + toff + iota
    flag = win_t[...] == eid
    effb[pl.ds(toff, 16)] = jnp.where(flag, dst_t[...], TRASH)
    new = iota >= 8
    val_t[...] = jnp.where(flag & new, 1.0, 0.0).astype(jnp.float32)
    pltpu.async_copy(val_t, deg_sp.at[dst_t], ssem, add=True)

    pltpu.sync_copy(effb, eff_hbm.at[pl.ds(base, EW)])

    @pl.loop(0, 39)
    def _sdrain(j):
        pltpu.make_async_copy(
            val_buf.at[j], deg_sp.at[dst_buf.at[j]], ssem).wait()
    pltpu.make_async_copy(val_t, deg_sp.at[dst_t], ssem).wait()

    plsc.subcore_barrier()

    row = s * stripe
    pltpu.sync_copy(deg_sp.at[pl.ds(row, stripe)],
                    deg_hbm.at[pl.ds(c * NPAD + row, stripe)])


@jax.jit
def _flags_deg(src, dst, table):
    return pl.kernel(
        _a2_body,
        out_type=(
            jax.ShapeDtypeStruct((NEDGE,), jnp.int32),
            jax.ShapeDtypeStruct((2 * NPAD,), jnp.float32),
        ),
        compiler_params=pltpu.CompilerParams(use_tc_tiling_on_sc=False),
        mesh=_mesh,
        scratch_types=[
            pltpu.VMEM((EW,), jnp.int32),
            pltpu.VMEM((EW,), jnp.int32),
            pltpu.VMEM((EW,), jnp.int32),
            pltpu.VMEM((39, CH), jnp.int32),
            pltpu.VMEM((39, CH), jnp.int32),
            pltpu.VMEM((39, CH), jnp.int32),
            pltpu.VMEM((39, CH), jnp.float32),
            pltpu.VMEM((16,), jnp.int32),
            pltpu.VMEM((16,), jnp.int32),
            pltpu.VMEM((16,), jnp.float32),
            pltpu.VMEM((16,), jnp.int32),
            pltpu.VMEM((NPAD // NS,), jnp.float32),
            pltpu.VMEM_SHARED((NPAD,), jnp.float32),
            pltpu.SemaphoreType.DMA,
            pltpu.SemaphoreType.DMA,
        ],
    )(src, dst, table)


def _msg_body(zs_hbm, src_hbm, eff_hbm, p_hbm,
              srcb, effb, idx_buf, dst_buf, rows,
              idx_t, dst_t, rows_t,
              acc_sp, gsem0, gsem1, gsem2, ssem0, ssem1, ssem2,
              tsem):
    c = lax.axis_index("c")
    s = lax.axis_index("s")
    base = s * ET
    coff = c * NNODE
    zeros_f = jnp.zeros((16,), jnp.float32)
    gsems = (gsem0, gsem1, gsem2)
    ssems = (ssem0, ssem1, ssem2)
    stripe = NPAD // NS

    @pl.loop(0, MCH)
    def _zb(r):
        for k in range(8):
            rows[0, r, pl.ds(k * 16, 16)] = zeros_f

    @pl.loop(0, stripe // MCH)
    def _za(k):
        pltpu.sync_copy(rows.at[0],
                        acc_sp.at[pl.ds(s * stripe + k * MCH, MCH)])

    pltpu.sync_copy(src_hbm.at[pl.ds(base, ET)], srcb)
    pltpu.sync_copy(eff_hbm.at[pl.ds(base, ET)], effb)

    plsc.subcore_barrier()

    def prep(j, b):
        for i in range(MCH // 16):
            sl = pl.ds(i * 16, 16)
            gsl = pl.ds(j * MCH + i * 16, 16)
            idx_buf[b, sl] = srcb[gsl] + coff
            dst_buf[b, sl] = effb[gsl]
        pltpu.async_copy(zs_hbm.at[idx_buf.at[b]], rows.at[b], gsems[b])

    def wait_gather(b):
        pltpu.make_async_copy(
            zs_hbm.at[idx_buf.at[b]], rows.at[b], gsems[b]).wait()

    def fire_scat(b):
        pltpu.async_copy(rows.at[b], acc_sp.at[dst_buf.at[b]], ssems[b],
                         add=True)

    def drain_scat(b):
        pltpu.make_async_copy(
            rows.at[b], acc_sp.at[dst_buf.at[b]], ssems[b]).wait()

    prep(0, 0)

    @pl.loop(0, MNCH // 3)
    def _pipe(g):
        for l in range(3):
            jn = 3 * g + l + 1
            bn_slot = (l + 1) % 3

            @pl.when(jn < MNCH)
            def _():
                @pl.when(jn >= 3)
                def _():
                    drain_scat(bn_slot)
                prep(jn, bn_slot)

            wait_gather(l)
            fire_scat(l)

    for l in range(3):
        drain_scat(l)

    toff = ET - 16
    idx_t[...] = srcb[pl.ds(toff, 16)] + coff
    dst_t[...] = effb[pl.ds(toff, 16)]
    pltpu.async_copy(zs_hbm.at[idx_t], rows_t, tsem).wait()
    pltpu.sync_copy(rows_t, acc_sp.at[dst_t], add=True)

    plsc.subcore_barrier()

    row = s * stripe
    pltpu.sync_copy(acc_sp.at[pl.ds(row, stripe)],
                    p_hbm.at[c, pl.ds(row, stripe)])


@jax.jit
def _msg(zs, src, eff):
    return pl.kernel(
        _msg_body,
        out_type=jax.ShapeDtypeStruct((2, NPAD, 128), jnp.float32),
        mesh=_mesh,
        scratch_types=[
            pltpu.VMEM((ET,), jnp.int32),
            pltpu.VMEM((ET,), jnp.int32),
            pltpu.VMEM((3, MCH), jnp.int32),
            pltpu.VMEM((3, MCH), jnp.int32),
            pltpu.VMEM((3, MCH, 128), jnp.float32),
            pltpu.VMEM((16,), jnp.int32),
            pltpu.VMEM((16,), jnp.int32),
            pltpu.VMEM((16, 128), jnp.float32),
            pltpu.VMEM_SHARED((NPAD, 128), jnp.float32),
            pltpu.SemaphoreType.DMA,
            pltpu.SemaphoreType.DMA,
            pltpu.SemaphoreType.DMA,
            pltpu.SemaphoreType.DMA,
            pltpu.SemaphoreType.DMA,
            pltpu.SemaphoreType.DMA,
            pltpu.SemaphoreType.DMA,
        ],
    )(zs, src, eff)


def _dinv_block(deg0_ref, deg1_ref):
    deg = deg0_ref[...] + deg1_ref[...] + 1.0
    return lax.rsqrt(deg)


def _bias_row(b_ref, j):
    rows = lax.broadcasted_iota(jnp.int32, (2, 128), 0)
    return jnp.sum(jnp.where(rows == j, b_ref[...], 0.0), axis=0,
                   keepdims=True)


def _tc1_body(x_ref, w_ref, b_ref, deg0_ref, deg1_ref, o_ref):
    j = pl.program_id(1)
    dinv = _dinv_block(deg0_ref, deg1_ref)
    b = _bias_row(b_ref, j)
    z = jnp.dot(x_ref[...], w_ref[...], preferred_element_type=jnp.float32)
    o_ref[...] = dinv * (z + b)


@jax.jit
def _tc1(x, W1, b1, deg0, deg1):
    b1r = b1.reshape(2, 128)
    return pl.pallas_call(
        _tc1_body,
        grid=(NB, 2),
        in_specs=[
            pl.BlockSpec((BN, 256), lambda i, j: (i, 0)),
            pl.BlockSpec((256, 128), lambda i, j: (0, j)),
            pl.BlockSpec((2, 128), lambda i, j: (0, 0)),
            pl.BlockSpec((BN, 1), lambda i, j: (i, 0)),
            pl.BlockSpec((BN, 1), lambda i, j: (i, 0)),
        ],
        out_specs=pl.BlockSpec((BN, 128), lambda i, j: (j * NB + i, 0)),
        out_shape=jax.ShapeDtypeStruct((2 * NNODE, 128), jnp.float32),
    )(x, W1, b1r, deg0, deg1)


def _tc2_body(pa_ref, pb_ref, za_ref, zb_ref, w_ref, b_ref,
              deg0_ref, deg1_ref, o_ref):
    j = pl.program_id(1)
    dinv = _dinv_block(deg0_ref, deg1_ref)
    ha = jnp.maximum(dinv * (pa_ref[0] + za_ref[...]), 0.0)
    hb = jnp.maximum(dinv * (pb_ref[0] + zb_ref[...]), 0.0)
    h = jnp.concatenate([ha, hb], axis=1)
    b = _bias_row(b_ref, j)
    z = jnp.dot(h, w_ref[...], preferred_element_type=jnp.float32)
    o_ref[...] = dinv * (z + b)


@jax.jit
def _tc2(p, zs, W2, b2, deg0, deg1):
    b2r = b2.reshape(2, 128)
    return pl.pallas_call(
        _tc2_body,
        grid=(NB, 2),
        in_specs=[
            pl.BlockSpec((1, BN, 128), lambda i, j: (0, i, 0)),
            pl.BlockSpec((1, BN, 128), lambda i, j: (1, i, 0)),
            pl.BlockSpec((BN, 128), lambda i, j: (i, 0)),
            pl.BlockSpec((BN, 128), lambda i, j: (NB + i, 0)),
            pl.BlockSpec((256, 128), lambda i, j: (0, j)),
            pl.BlockSpec((2, 128), lambda i, j: (0, 0)),
            pl.BlockSpec((BN, 1), lambda i, j: (i, 0)),
            pl.BlockSpec((BN, 1), lambda i, j: (i, 0)),
        ],
        out_specs=pl.BlockSpec((BN, 128), lambda i, j: (j * NB + i, 0)),
        out_shape=jax.ShapeDtypeStruct((2 * NNODE, 128), jnp.float32),
    )(p, p, zs, zs, W2, b2r, deg0, deg1)


def _tc3_body(pa_ref, pb_ref, za_ref, zb_ref, w_ref, b_ref,
              deg0_ref, deg1_ref, o_ref):
    dinv = _dinv_block(deg0_ref, deg1_ref)
    ha = jnp.maximum(dinv * (pa_ref[0] + za_ref[...]), 0.0)
    hb = jnp.maximum(dinv * (pb_ref[0] + zb_ref[...]), 0.0)
    h = jnp.concatenate([ha, hb], axis=1)
    logits = jnp.dot(h, w_ref[...], preferred_element_type=jnp.float32)
    logits = logits + b_ref[...]
    m = jnp.max(logits, axis=1, keepdims=True)
    lse = m + jnp.log(jnp.sum(jnp.exp(logits - m), axis=1, keepdims=True))
    o_ref[...] = logits - lse


@jax.jit
def _tc3(p, zs, Wh, bh, deg0, deg1):
    bhr = bh.reshape(1, 2)
    return pl.pallas_call(
        _tc3_body,
        grid=(NB,),
        in_specs=[
            pl.BlockSpec((1, BN, 128), lambda i: (0, i, 0)),
            pl.BlockSpec((1, BN, 128), lambda i: (1, i, 0)),
            pl.BlockSpec((BN, 128), lambda i: (i, 0)),
            pl.BlockSpec((BN, 128), lambda i: (NB + i, 0)),
            pl.BlockSpec((256, 2), lambda i: (0, 0)),
            pl.BlockSpec((1, 2), lambda i: (0, 0)),
            pl.BlockSpec((BN, 1), lambda i: (i, 0)),
            pl.BlockSpec((BN, 1), lambda i: (i, 0)),
        ],
        out_specs=pl.BlockSpec((BN, 2), lambda i: (i, 0)),
        out_shape=jax.ShapeDtypeStruct((NNODE, 2), jnp.float32),
    )(p, p, zs, zs, Wh, bhr, deg0, deg1)


def kernel(x, edge_index, W1, b1, W2, b2, Wh, bh):
    src = edge_index[0]
    dst = edge_index[1]
    table = _scatter_ids(src, dst)
    eff, deg = _flags_deg(src, dst, table.reshape(-1))
    deg0 = deg[:NNODE].reshape(NNODE, 1)
    deg1 = deg[NPAD:NPAD + NNODE].reshape(NNODE, 1)
    zs1 = _tc1(x, W1, b1, deg0, deg1)
    p1 = _msg(zs1, src, eff)
    zs2 = _tc2(p1, zs1, W2, b2, deg0, deg1)
    p2 = _msg(zs2, src, eff)
    return _tc3(p2, zs2, Wh, bh, deg0, deg1)

# --- scband reference (transcript-rebuilt; emitter-appended) ---
"""Pipeline reference for scband-lcam-68951404970039 (READ-ONLY COPY).

The authoritative reference and input builder live on the scoring server;
editing this copy changes nothing except your own understanding.
"""

import jax, jax.numpy as jnp
import numpy as np

N = 10000
E = 160000
D = 256
H = 256
C = 2


def setup_inputs(seed: int = 0) -> dict:
    key = jax.random.key(seed)
    ks = jax.random.split(key, 6)
    x = jax.random.normal(ks[0], (N, D), dtype=jnp.float32)
    edge_index = jax.random.randint(ks[1], (2, E), 0, N, dtype=jnp.int32)
    W1 = (jax.random.truncated_normal(ks[2], -2.0, 2.0, (D, H)) * 0.02).astype(jnp.float32)
    b1 = jnp.zeros((H,), jnp.float32)
    W2 = (jax.random.truncated_normal(ks[3], -2.0, 2.0, (H, H)) * 0.02).astype(jnp.float32)
    b2 = jnp.zeros((H,), jnp.float32)
    Wh = (jax.random.truncated_normal(ks[4], -2.0, 2.0, (H, C)) * 0.02).astype(jnp.float32)
    bh = jnp.zeros((C,), jnp.float32)
    return {"x": x, "edge_index": edge_index, "W1": W1, "b1": b1, "W2": W2, "b2": b2, "Wh": Wh, "bh": bh}


def graph_random_masking(x, edge_index, mask_ratio, key):
    # Faithful translation of LCAM.graph_random_masking (mask_ratio=0 in forward)
    L = x.shape[0]
    len_keep = int(L * (1 - mask_ratio))
    noise = jax.random.uniform(key, (L,))
    ids_shuffle = jnp.argsort(noise)
    ids_shuffle = ids_shuffle.at[:len_keep].set(jnp.sort(ids_shuffle[:len_keep]))
    ids_restore = jnp.argsort(ids_shuffle)
    ids_keep = ids_shuffle[:len_keep]
    x_masked = x[ids_keep]
    adj = jnp.zeros((L, L), dtype=jnp.float32)
    adj = adj.at[edge_index[0, :], edge_index[1, :]].set(1.0)
    adj_masked = adj[:, ids_keep][ids_keep, :]
    rows, cols = jnp.nonzero(adj_masked, size=edge_index.shape[1], fill_value=L)
    edge_index_masked = jnp.stack([rows, cols])
    mask = jnp.ones(L).at[:len_keep].set(0.0)
    mask = mask[ids_restore]
    return x_masked, edge_index_masked, mask, ids_restore, ids_keep


def lcam_conv(x, edge_index, W, b):
    # GCN-style message passing (LCAMConv was not provided in the source; this is
    # the standard symmetric-normalized graph conv: linear -> gather -> scatter-add)
    n = x.shape[0]
    h = x @ W + b
    loop = jnp.arange(n, dtype=edge_index.dtype)
    src = jnp.concatenate([edge_index[0], loop])
    dst = jnp.concatenate([edge_index[1], loop])
    deg = jnp.zeros((n,), jnp.float32).at[dst].add(1.0)
    dinv = jnp.where(deg > 0, 1.0 / jnp.sqrt(deg), 0.0)
    norm = dinv[src] * dinv[dst]
    msgs = h[src] * norm[:, None]
    out = jax.ops.segment_sum(msgs, dst, num_segments=n)
    return out


def reference(x, edge_index, W1, b1, W2, b2, Wh, bh):
    # forward_features with mask_ratio=0 (dropout is identity at inference)
    x_m, ei_m, mask, ids_restore, ids_keep = graph_random_masking(x, edge_index, 0.0, jax.random.key(1))
    h = jax.nn.relu(lcam_conv(x_m, ei_m, W1, b1))
    h = jax.nn.relu(lcam_conv(h, ei_m, W2, b2))
    out = h @ Wh + bh
    return jax.nn.log_softmax(out, axis=1)

if __name__ == "__main__":
    import jax
    _d = setup_inputs()
    print(jax.jit(kernel)(*tuple(_d.values())))

</pallas_src>

<mosaic_0001>
#map = affine_map<(d0, d1) -> (0)>
#map1 = affine_map<(d0, d1) -> (0, 0)>
module attributes {stable_mosaic.version = 14 : i64} {
  func.func @_a1_body(%arg0: i32, %arg1: i32, %arg2: memref<160000xi32, #tpu.memory_space<hbm>>, %arg3: memref<160000xi32, #tpu.memory_space<hbm>>, %arg4: memref<100000000x16xi32, #tpu.memory_space<hbm>>, %arg5: memref<5000xi32, #tpu.memory_space<vmem>>, %arg6: memref<5000xi32, #tpu.memory_space<vmem>>, %arg7: memref<39x128xi32, #tpu.memory_space<vmem>>, %arg8: memref<39x128x16xi32, #tpu.memory_space<vmem>>, %arg9: memref<16xi32, #tpu.memory_space<vmem>>, %arg10: memref<16x16xi32, #tpu.memory_space<vmem>>, %arg11: memref<!tpu.dma_semaphore, #tpu.memory_space<semaphore_mem>>) attributes {dimension_semantics = [#tpu.dimension_semantics<core_parallel>, #tpu.dimension_semantics<subcore_parallel>], iteration_bounds = array<i64: 2, 16>, scalar_prefetch = 0 : i64, scratch_operands = 7 : i64, tpu.core_type = #tpu.core_type<sc_vector_subcore>, window_params = [{transform_indices = #map}, {transform_indices = #map}, {transform_indices = #map1}]} {
    %mul3A = arith.constant 16 : i32
    %mul3A_0 = arith.muli %arg0, %mul3A : i32
    %add3A = arith.addi %mul3A_0, %arg1 : i32
    %mul3A_1 = arith.constant 5000 : i32
    %mul3A_2 = arith.muli %add3A, %mul3A_1 : i32
    %iota3A = tpu.iota {dimensions = array<i32: 0>} : vector<16xi32>
    %broadcast_in_dim3A = arith.constant 0 : i32
    %broadcast_in_dim3A_3 = vector.broadcast %broadcast_in_dim3A : i32 to vector<16xi32>
    "tpu.region"() ({
      %run_scoped3A = tpu.sem_alloc : memref<!tpu.dma_semaphore, #tpu.memory_space<semaphore_mem>>
      %dma_start3A_34 = tpu.memref_slice %arg2[%mul3A_2] : memref<160000xi32, #tpu.memory_space<hbm>> -> memref<5000xi32, #tpu.memory_space<hbm>>
      %dma_start3A_35 = tpu.memref_slice %arg2[%mul3A_2] : memref<160000xi32, #tpu.memory_space<hbm>> -> memref<5000xi32, #tpu.memory_space<hbm>>
      tpu.enqueue_dma source(%dma_start3A_35 : memref<5000xi32, #tpu.memory_space<hbm>>) target(%arg5 : memref<5000xi32, #tpu.memory_space<vmem>>) target_semaphore(%run_scoped3A : memref<!tpu.dma_semaphore, #tpu.memory_space<semaphore_mem>>)
      %dma_wait3A_36 = tpu.memref_slice %arg2[%mul3A_2] : memref<160000xi32, #tpu.memory_space<hbm>> -> memref<5000xi32, #tpu.memory_space<hbm>>
      %dma_wait3A_37 = tpu.memref_slice %arg2[%mul3A_2] : memref<160000xi32, #tpu.memory_space<hbm>> -> memref<5000xi32, #tpu.memory_space<hbm>>
      tpu.wait_dma2 semaphore(%run_scoped3A : memref<!tpu.dma_semaphore, #tpu.memory_space<semaphore_mem>>) src(%dma_wait3A_37 : memref<5000xi32, #tpu.memory_space<hbm>>) dst(%arg5 : memref<5000xi32, #tpu.memory_space<vmem>>)
      tpu.yield
    }) : () -> ()
    "tpu.region"() ({
      %run_scoped3A = tpu.sem_alloc : memref<!tpu.dma_semaphore, #tpu.memory_space<semaphore_mem>>
      %dma_start3A_34 = tpu.memref_slice %arg3[%mul3A_2] : memref<160000xi32, #tpu.memory_space<hbm>> -> memref<5000xi32, #tpu.memory_space<hbm>>
      %dma_start3A_35 = tpu.memref_slice %arg3[%mul3A_2] : memref<160000xi32, #tpu.memory_space<hbm>> -> memref<5000xi32, #tpu.memory_space<hbm>>
      tpu.enqueue_dma source(%dma_start3A_35 : memref<5000xi32, #tpu.memory_space<hbm>>) target(%arg6 : memref<5000xi32, #tpu.memory_space<vmem>>) target_semaphore(%run_scoped3A : memref<!tpu.dma_semaphore, #tpu.memory_space<semaphore_mem>>)
      %dma_wait3A_36 = tpu.memref_slice %arg3[%mul3A_2] : memref<160000xi32, #tpu.memory_space<hbm>> -> memref<5000xi32, #tpu.memory_space<hbm>>
      %dma_wait3A_37 = tpu.memref_slice %arg3[%mul3A_2] : memref<160000xi32, #tpu.memory_space<hbm>> -> memref<5000xi32, #tpu.memory_space<hbm>>
      tpu.wait_dma2 semaphore(%run_scoped3A : memref<!tpu.dma_semaphore, #tpu.memory_space<semaphore_mem>>) src(%dma_wait3A_37 : memref<5000xi32, #tpu.memory_space<hbm>>) dst(%arg6 : memref<5000xi32, #tpu.memory_space<vmem>>)
      tpu.yield
    }) : () -> ()
    %scan3A = arith.constant 0 : i32
    %scan3A_4 = arith.constant 39 : i32
    %scan3A_5 = arith.addi %scan3A, %scan3A_4 : i32
    %scan3A_6 = arith.constant 1 : i32
    scf.for %scan3A_34 = %scan3A to %scan3A_5 step %scan3A_6  : i32 {
      %mul3A_35 = arith.constant 1 : i32
      %mul3A_36 = arith.muli %scan3A_34, %mul3A_35 : i32
      %add3A_37 = arith.constant 0 : i32
      %add3A_38 = arith.addi %add3A_37, %mul3A_36 : i32
      %mul3A_39 = arith.constant 128 : i32
      %mul3A_40 = arith.muli %add3A_38, %mul3A_39 : i32
      %add3A_41 = arith.constant 0 : i32
      %add3A_42 = arith.addi %mul3A_40, %add3A_41 : i32
      %get3A_43 = arith.index_cast %add3A_42 : i32 to index
      %get3A_44 = tpu.vector_load %arg5[%get3A_43] {strides = array<i32>} : memref<5000xi32, #tpu.memory_space<vmem>>, vector<16xi32>,
      %get3A_45 = vector.shape_cast %get3A_44 : vector<16xi32> to vector<16xi32>
      %mul3A_46 = arith.constant 10000 : i32
      %mul3A_47 = vector.broadcast %mul3A_46 : i32 to vector<16xi32>
      %mul3A_48 = arith.muli %get3A_45, %mul3A_47 : vector<16xi32>
      %get3A_49 = arith.index_cast %add3A_42 : i32 to index
      %get3A_50 = tpu.vector_load %arg6[%get3A_49] {strides = array<i32>} : memref<5000xi32, #tpu.memory_space<vmem>>, vector<16xi32>,
      %get3A_51 = vector.shape_cast %get3A_50 : vector<16xi32> to vector<16xi32>
      %add3A_52 = arith.addi %mul3A_48, %get3A_51 : vector<16xi32>
      %swap3A_53 = arith.index_cast %add3A_38 : i32 to index
      %swap3A_54 = arith.constant 0 : index
      %swap3A_55 = tpu.vector_load %arg7[%swap3A_53, %swap3A_54] {strides = array<i32>} : memref<39x128xi32, #tpu.memory_space<vmem>>, vector<1x16xi32>,
      %swap3A_56 = vector.shape_cast %swap3A_55 : vector<1x16xi32> to vector<16xi32>
      %swap3A_57 = vector.shape_cast %add3A_52 : vector<16xi32> to vector<1x16xi32>
      tpu.vector_store %arg7[%swap3A_53, %swap3A_54], %swap3A_57 {strides = array<i32>} : memref<39x128xi32, #tpu.memory_space<vmem>>, vector<1x16xi32>,
      %mul3A_58 = arith.constant 128 : i32
      %mul3A_59 = arith.muli %add3A_38, %mul3A_58 : i32
      %add3A_60 = arith.constant 16 : i32
      %add3A_61 = arith.addi %mul3A_59, %add3A_60 : i32
      %get3A_62 = arith.index_cast %add3A_61 : i32 to index
      %get3A_63 = tpu.vector_load %arg5[%get3A_62] {strides = array<i32>} : memref<5000xi32, #tpu.memory_space<vmem>>, vector<16xi32>,
      %get3A_64 = vector.shape_cast %get3A_63 : vector<16xi32> to vector<16xi32>
      %mul3A_65 = arith.constant 10000 : i32
      %mul3A_66 = vector.broadcast %mul3A_65 : i32 to vector<16xi32>
      %mul3A_67 = arith.muli %get3A_64, %mul3A_66 : vector<16xi32>
      %get3A_68 = arith.index_cast %add3A_61 : i32 to index
      %get3A_69 = tpu.vector_load %arg6[%get3A_68] {strides = array<i32>} : memref<5000xi32, #tpu.memory_space<vmem>>, vector<16xi32>,
      %get3A_70 = vector.shape_cast %get3A_69 : vector<16xi32> to vector<16xi32>
      %add3A_71 = arith.addi %mul3A_67, %get3A_70 : vector<16xi32>
      %swap3A_72 = arith.index_cast %add3A_38 : i32 to index
      %swap3A_73 = arith.constant 16 : index
      %swap3A_74 = tpu.vector_load %arg7[%swap3A_72, %swap3A_73] {strides = array<i32>} : memref<39x128xi32, #tpu.memory_space<vmem>>, vector<1x16xi32>,
      %swap3A_75 = vector.shape_cast %swap3A_74 : vector<1x16xi32> to vector<16xi32>
      %swap3A_76 = vector.shape_cast %add3A_71 : vector<16xi32> to vector<1x16xi32>
      tpu.vector_store %arg7[%swap3A_72, %swap3A_73], %swap3A_76 {strides = array<i32>} : memref<39x128xi32, #tpu.memory_space<vmem>>, vector<1x16xi32>,
      %mul3A_77 = arith.constant 128 : i32
      %mul3A_78 = arith.muli %add3A_38, %mul3A_77 : i32
      %add3A_79 = arith.constant 32 : i32
      %add3A_80 = arith.addi %mul3A_78, %add3A_79 : i32
      %get3A_81 = arith.index_cast %add3A_80 : i32 to index
      %get3A_82 = tpu.vector_load %arg5[%get3A_81] {strides = array<i32>} : memref<5000xi32, #tpu.memory_space<vmem>>, vector<16xi32>,
      %get3A_83 = vector.shape_cast %get3A_82 : vector<16xi32> to vector<16xi32>
      %mul3A_84 = arith.constant 10000 : i32
      %mul3A_85 = vector.broadcast %mul3A_84 : i32 to vector<16xi32>
      %mul3A_86 = arith.muli %get3A_83, %mul3A_85 : vector<16xi32>
      %get3A_87 = arith.index_cast %add3A_80 : i32 to index
      %get3A_88 = tpu.vector_load %arg6[%get3A_87] {strides = array<i32>} : memref<5000xi32, #tpu.memory_space<vmem>>, vector<16xi32>,
      %get3A_89 = vector.shape_cast %get3A_88 : vector<16xi32> to vector<16xi32>
      %add3A_90 = arith.addi %mul3A_86, %get3A_89 : vector<16xi32>
      %swap3A_91 = arith.index_cast %add3A_38 : i32 to index
      %swap3A_92 = arith.constant 32 : index
      %swap3A_93 = tpu.vector_load %arg7[%swap3A_91, %swap3A_92] {strides = array<i32>} : memref<39x128xi32, #tpu.memory_space<vmem>>, vector<1x16xi32>,
      %swap3A_94 = vector.shape_cast %swap3A_93 : vector<1x16xi32> to vector<16xi32>
      %swap3A_95 = vector.shape_cast %add3A_90 : vector<16xi32> to vector<1x16xi32>
      tpu.vector_store %arg7[%swap3A_91, %swap3A_92], %swap3A_95 {strides = array<i32>} : memref<39x128xi32, #tpu.memory_space<vmem>>, vector<1x16xi32>,
      %mul3A_96 = arith.constant 128 : i32
      %mul3A_97 = arith.muli %add3A_38, %mul3A_96 : i32
      %add3A_98 = arith.constant 48 : i32
      %add3A_99 = arith.addi %mul3A_97, %add3A_98 : i32
      %get3A_100 = arith.index_cast %add3A_99 : i32 to index
      %get3A_101 = tpu.vector_load %arg5[%get3A_100] {strides = array<i32>} : memref<5000xi32, #tpu.memory_space<vmem>>, vector<16xi32>,
      %get3A_102 = vector.shape_cast %get3A_101 : vector<16xi32> to vector<16xi32>
      %mul3A_103 = arith.constant 10000 : i32
      %mul3A_104 = vector.broadcast %mul3A_103 : i32 to vector<16xi32>
      %mul3A_105 = arith.muli %get3A_102, %mul3A_104 : vector<16xi32>
      %get3A_106 = arith.index_cast %add3A_99 : i32 to index
      %get3A_107 = tpu.vector_load %arg6[%get3A_106] {strides = array<i32>} : memref<5000xi32, #tpu.memory_space<vmem>>, vector<16xi32>,
      %get3A_108 = vector.shape_cast %get3A_107 : vector<16xi32> to vector<16xi32>
      %add3A_109 = arith.addi %mul3A_105, %get3A_108 : vector<16xi32>
      %swap3A_110 = arith.index_cast %add3A_38 : i32 to index
      %swap3A_111 = arith.constant 48 : index
      %swap3A_112 = tpu.vector_load %arg7[%swap3A_110, %swap3A_111] {strides = array<i32>} : memref<39x128xi32, #tpu.memory_space<vmem>>, vector<1x16xi32>,
      %swap3A_113 = vector.shape_cast %swap3A_112 : vector<1x16xi32> to vector<16xi32>
      %swap3A_114 = vector.shape_cast %add3A_109 : vector<16xi32> to vector<1x16xi32>
      tpu.vector_store %arg7[%swap3A_110, %swap3A_111], %swap3A_114 {strides = array<i32>} : memref<39x128xi32, #tpu.memory_space<vmem>>, vector<1x16xi32>,
      %mul3A_115 = arith.constant 128 : i32
      %mul3A_116 = arith.muli %add3A_38, %mul3A_115 : i32
      %add3A_117 = arith.constant 64 : i32
      %add3A_118 = arith.addi %mul3A_116, %add3A_117 : i32
      %get3A_119 = arith.index_cast %add3A_118 : i32 to index
      %get3A_120 = tpu.vector_load %arg5[%get3A_119] {strides = array<i32>} : memref<5000xi32, #tpu.memory_space<vmem>>, vector<16xi32>,
      %get3A_121 = vector.shape_cast %get3A_120 : vector<16xi32> to vector<16xi32>
      %mul3A_122 = arith.constant 10000 : i32
      %mul3A_123 = vector.broadcast %mul3A_122 : i32 to vector<16xi32>
      %mul3A_124 = arith.muli %get3A_121, %mul3A_123 : vector<16xi32>
      %get3A_125 = arith.index_cast %add3A_118 : i32 to index
      %get3A_126 = tpu.vector_load %arg6[%get3A_125] {strides = array<i32>} : memref<5000xi32, #tpu.memory_space<vmem>>, vector<16xi32>,
      %get3A_127 = vector.shape_cast %get3A_126 : vector<16xi32> to vector<16xi32>
      %add3A_128 = arith.addi %mul3A_124, %get3A_127 : vector<16xi32>
      %swap3A_129 = arith.index_cast %add3A_38 : i32 to index
      %swap3A_130 = arith.constant 64 : index
      %swap3A_131 = tpu.vector_load %arg7[%swap3A_129, %swap3A_130] {strides = array<i32>} : memref<39x128xi32, #tpu.memory_space<vmem>>, vector<1x16xi32>,
      %swap3A_132 = vector.shape_cast %swap3A_131 : vector<1x16xi32> to vector<16xi32>
      %swap3A_133 = vector.shape_cast %add3A_128 : vector<16xi32> to vector<1x16xi32>
      tpu.vector_store %arg7[%swap3A_129, %swap3A_130], %swap3A_133 {strides = array<i32>} : memref<39x128xi32, #tpu.memory_space<vmem>>, vector<1x16xi32>,
      %mul3A_134 = arith.constant 128 : i32
      %mul3A_135 = arith.muli %add3A_38, %mul3A_134 : i32
      %add3A_136 = arith.constant 80 : i32
      %add3A_137 = arith.addi %mul3A_135, %add3A_136 : i32
      %get3A_138 = arith.index_cast %add3A_137 : i32 to index
      %get3A_139 = tpu.vector_load %arg5[%get3A_138] {strides = array<i32>} : memref<5000xi32, #tpu.memory_space<vmem>>, vector<16xi32>,
      %get3A_140 = vector.shape_cast %get3A_139 : vector<16xi32> to vector<16xi32>
      %mul3A_141 = arith.constant 10000 : i32
      %mul3A_142 = vector.broadcast %mul3A_141 : i32 to vector<16xi32>
      %mul3A_143 = arith.muli %get3A_140, %mul3A_142 : vector<16xi32>
      %get3A_144 = arith.index_cast %add3A_137 : i32 to index
      %get3A_145 = tpu.vector_load %arg6[%get3A_144] {strides = array<i32>} : memref<5000xi32, #tpu.memory_space<vmem>>, vector<16xi32>,
      %get3A_146 = vector.shape_cast %get3A_145 : vector<16xi32> to vector<16xi32>
      %add3A_147 = arith.addi %mul3A_143, %get3A_146 : vector<16xi32>
      %swap3A_148 = arith.index_cast %add3A_38 : i32 to index
      %swap3A_149 = arith.constant 80 : index
      %swap3A_150 = tpu.vector_load %arg7[%swap3A_148, %swap3A_149] {strides = array<i32>} : memref<39x128xi32, #tpu.memory_space<vmem>>, vector<1x16xi32>,
      %swap3A_151 = vector.shape_cast %swap3A_150 : vector<1x16xi32> to vector<16xi32>
      %swap3A_152 = vector.shape_cast %add3A_147 : vector<16xi32> to vector<1x16xi32>
      tpu.vector_store %arg7[%swap3A_148, %swap3A_149], %swap3A_152 {strides = array<i32>} : memref<39x128xi32, #tpu.memory_space<vmem>>, vector<1x16xi32>,
      %mul3A_153 = arith.constant 128 : i32
      %mul3A_154 = arith.muli %add3A_38, %mul3A_153 : i32
      %add3A_155 = arith.constant 96 : i32
      %add3A_156 = arith.addi %mul3A_154, %add3A_155 : i32
      %get3A_157 = arith.index_cast %add3A_156 : i32 to index
      %get3A_158 = tpu.vector_load %arg5[%get3A_157] {strides = array<i32>} : memref<5000xi32, #tpu.memory_space<vmem>>, vector<16xi32>,
      %get3A_159 = vector.shape_cast %get3A_158 : vector<16xi32> to vector<16xi32>
      %mul3A_160 = arith.constant 10000 : i32
      %mul3A_161 = vector.broadcast %mul3A_160 : i32 to vector<16xi32>
      %mul3A_162 = arith.muli %get3A_159, %mul3A_161 : vector<16xi32>
      %get3A_163 = arith.index_cast %add3A_156 : i32 to index
      %get3A_164 = tpu.vector_load %arg6[%get3A_163] {strides = array<i32>} : memref<5000xi32, #tpu.memory_space<vmem>>, vector<16xi32>,
      %get3A_165 = vector.shape_cast %get3A_164 : vector<16xi32> to vector<16xi32>
      %add3A_166 = arith.addi %mul3A_162, %get3A_165 : vector<16xi32>
      %swap3A_167 = arith.index_cast %add3A_38 : i32 to index
      %swap3A_168 = arith.constant 96 : index
      %swap3A_169 = tpu.vector_load %arg7[%swap3A_167, %swap3A_168] {strides = array<i32>} : memref<39x128xi32, #tpu.memory_space<vmem>>, vector<1x16xi32>,
      %swap3A_170 = vector.shape_cast %swap3A_169 : vector<1x16xi32> to vector<16xi32>
      %swap3A_171 = vector.shape_cast %add3A_166 : vector<16xi32> to vector<1x16xi32>
      tpu.vector_store %arg7[%swap3A_167, %swap3A_168], %swap3A_171 {strides = array<i32>} : memref<39x128xi32, #tpu.memory_space<vmem>>, vector<1x16xi32>,
      %mul3A_172 = arith.constant 128 : i32
      %mul3A_173 = arith.muli %add3A_38, %mul3A_172 : i32
      %add3A_174 = arith.constant 112 : i32
      %add3A_175 = arith.addi %mul3A_173, %add3A_174 : i32
      %get3A_176 = arith.index_cast %add3A_175 : i32 to index
      %get3A_177 = tpu.vector_load %arg5[%get3A_176] {strides = array<i32>} : memref<5000xi32, #tpu.memory_space<vmem>>, vector<16xi32>,
      %get3A_178 = vector.shape_cast %get3A_177 : vector<16xi32> to vector<16xi32>
      %mul3A_179 = arith.constant 10000 : i32
      %mul3A_180 = vector.broadcast %mul3A_179 : i32 to vector<16xi32>
      %mul3A_181 = arith.muli %get3A_178, %mul3A_180 : vector<16xi32>
      %get3A_182 = arith.index_cast %add3A_175 : i32 to index
      %get3A_183 = tpu.vector_load %arg6[%get3A_182] {strides = array<i32>} : memref<5000xi32, #tpu.memory_space<vmem>>, vector<16xi32>,
      %get3A_184 = vector.shape_cast %get3A_183 : vector<16xi32> to vector<16xi32>
      %add3A_185 = arith.addi %mul3A_181, %get3A_184 : vector<16xi32>
      %swap3A_186 = arith.index_cast %add3A_38 : i32 to index
      %swap3A_187 = arith.constant 112 : index
      %swap3A_188 = tpu.vector_load %arg7[%swap3A_186, %swap3A_187] {strides = array<i32>} : memref<39x128xi32, #tpu.memory_space<vmem>>, vector<1x16xi32>,
      %swap3A_189 = vector.shape_cast %swap3A_188 : vector<1x16xi32> to vector<16xi32>
      %swap3A_190 = vector.shape_cast %add3A_185 : vector<16xi32> to vector<1x16xi32>
      tpu.vector_store %arg7[%swap3A_186, %swap3A_187], %swap3A_190 {strides = array<i32>} : memref<39x128xi32, #tpu.memory_space<vmem>>, vector<1x16xi32>,
      %mul3A_191 = arith.constant 128 : i32
      %mul3A_192 = arith.muli %add3A_38, %mul3A_191 : i32
      %add3A_193 = arith.addi %mul3A_2, %mul3A_192 : i32
      %add3A_194 = arith.constant 0 : i32
      %add3A_195 = arith.addi %add3A_193, %add3A_194 : i32
      %add3A_196 = vector.broadcast %add3A_195 : i32 to vector<16xi32>
      %add3A_197 = arith.addi %broadcast_in_dim3A_3, %add3A_196 : vector<16xi32>
      %swap3A_198 = arith.constant 0 : i32
      %swap3A_199 = arith.index_cast %add3A_38 : i32 to index
      %swap3A_200 = arith.index_cast %swap3A_198 : i32 to index
      %swap3A_201 = arith.constant 0 : index
      %swap3A_202 = tpu.vector_load %arg8[%swap3A_199, %swap3A_200, %swap3A_201] {strides = array<i32>} : memref<39x128x16xi32, #tpu.memory_space<vmem>>, vector<1x1x16xi32>,
      %swap3A_203 = vector.shape_cast %swap3A_202 : vector<1x1x16xi32> to vector<16xi32>
      %swap3A_204 = vector.shape_cast %add3A_197 : vector<16xi32> to vector<1x1x16xi32>
      tpu.vector_store %arg8[%swap3A_199, %swap3A_200, %swap3A_201], %swap3A_204 {strides = array<i32>} : memref<39x128x16xi32, #tpu.memory_space<vmem>>, vector<1x1x16xi32>,
      %mul3A_205 = arith.constant 128 : i32
      %mul3A_206 = arith.muli %add3A_38, %mul3A_205 : i32
      %add3A_207 = arith.addi %mul3A_2, %mul3A_206 : i32
      %add3A_208 = arith.constant 1 : i32
      %add3A_209 = arith.addi %add3A_207, %add3A_208 : i32
      %add3A_210 = vector.broadcast %add3A_209 : i32 to vector<16xi32>
      %add3A_211 = arith.addi %broadcast_in_dim3A_3, %add3A_210 : vector<16xi32>
      %swap3A_212 = arith.constant 1 : i32
      %swap3A_213 = arith.index_cast %add3A_38 : i32 to index
      %swap3A_214 = arith.index_cast %swap3A_212 : i32 to index
      %swap3A_215 = arith.constant 0 : index
      %swap3A_216 = tpu.vector_load %arg8[%swap3A_213, %swap3A_214, %swap3A_215] {strides = array<i32>} : memref<39x128x16xi32, #tpu.memory_space<vmem>>, vector<1x1x16xi32>,
      %swap3A_217 = vector.shape_cast %swap3A_216 : vector<1x1x16xi32> to vector<16xi32>
      %swap3A_218 = vector.shape_cast %add3A_211 : vector<16xi32> to vector<1x1x16xi32>
      tpu.vector_store %arg8[%swap3A_213, %swap3A_214, %swap3A_215], %swap3A_218 {strides = array<i32>} : memref<39x128x16xi32, #tpu.memory_space<vmem>>, vector<1x1x16xi32>,
      %mul3A_219 = arith.constant 128 : i32
      %mul3A_220 = arith.muli %add3A_38, %mul3A_219 : i32
      %add3A_221 = arith.addi %mul3A_2, %mul3A_220 : i32
      %add3A_222 = arith.constant 2 : i32
      %add3A_223 = arith.addi %add3A_221, %add3A_222 : i32
      %add3A_224 = vector.broadcast %add3A_223 : i32 to vector<16xi32>
      %add3A_225 = arith.addi %broadcast_in_dim3A_3, %add3A_224 : vector<16xi32>
      %swap3A_226 = arith.constant 2 : i32
      %swap3A_227 = arith.index_cast %add3A_38 : i32 to index
      %swap3A_228 = arith.index_cast %swap3A_226 : i32 to index
      %swap3A_229 = arith.constant 0 : index
      %swap3A_230 = tpu.vector_load %arg8[%swap3A_227, %swap3A_228, %swap3A_229] {strides = array<i32>} : memref<39x128x16xi32, #tpu.memory_space<vmem>>, vector<1x1x16xi32>,
      %swap3A_231 = vector.shape_cast %swap3A_230 : vector<1x1x16xi32> to vector<16xi32>
      %swap3A_232 = vector.shape_cast %add3A_225 : vector<16xi32> to vector<1x1x16xi32>
      tpu.vector_store %arg8[%swap3A_227, %swap3A_228, %swap3A_229], %swap3A_232 {strides = array<i32>} : memref<39x128x16xi32, #tpu.memory_space<vmem>>, vector<1x1x16xi32>,
      %mul3A_233 = arith.constant 128 : i32
      %mul3A_234 = arith.muli %add3A_38, %mul3A_233 : i32
      %add3A_235 = arith.addi %mul3A_2, %mul3A_234 : i32
      %add3A_236 = arith.constant 3 : i32
      %add3A_237 = arith.addi %add3A_235, %add3A_236 : i32
      %add3A_238 = vector.broadcast %add3A_237 : i32 to vector<16xi32>
      %add3A_239 = arith.addi %broadcast_in_dim3A_3, %add3A_238 : vector<16xi32>
      %swap3A_240 = arith.constant 3 : i32
      %swap3A_241 = arith.index_cast %add3A_38 : i32 to index
      %swap3A_242 = arith.index_cast %swap3A_240 : i32 to index
      %swap3A_243 = arith.constant 0 : index
      %swap3A_244 = tpu.vector_load %arg8[%swap3A_241, %swap3A_242, %swap3A_243] {strides = array<i32>} : memref<39x128x16xi32, #tpu.memory_space<vmem>>, vector<1x1x16xi32>,
      %swap3A_245 = vector.shape_cast %swap3A_244 : vector<1x1x16xi32> to vector<16xi32>
      %swap3A_246 = vector.shape_cast %add3A_239 : vector<16xi32> to vector<1x1x16xi32>
      tpu.vector_store %arg8[%swap3A_241, %swap3A_242, %swap3A_243], %swap3A_246 {strides = array<i32>} : memref<39x128x16xi32, #tpu.memory_space<vmem>>, vector<1x1x16xi32>,
      %mul3A_247 = arith.constant 128 : i32
      %mul3A_248 = arith.muli %add3A_38, %mul3A_247 : i32
      %add3A_249 = arith.addi %mul3A_2, %mul3A_248 : i32
      %add3A_250 = arith.constant 4 : i32
      %add3A_251 = arith.addi %add3A_249, %add3A_250 : i32
      %add3A_252 = vector.broadcast %add3A_251 : i32 to vector<16xi32>
      %add3A_253 = arith.addi %broadcast_in_dim3A_3, %add3A_252 : vector<16xi32>
      %swap3A_254 = arith.constant 4 : i32
      %swap3A_255 = arith.index_cast %add3A_38 : i32 to index
      %swap3A_256 = arith.index_cast %swap3A_254 : i32 to index
      %swap3A_257 = arith.constant 0 : index
      %swap3A_258 = tpu.vector_load %arg8[%swap3A_255, %swap3A_256, %swap3A_257] {strides = array<i32>} : memref<39x128x16xi32, #tpu.memory_space<vmem>>, vector<1x1x16xi32>,
      %swap3A_259 = vector.shape_cast %swap3A_258 : vector<1x1x16xi32> to vector<16xi32>
      %swap3A_260 = vector.shape_cast %add3A_253 : vector<16xi32> to vector<1x1x16xi32>
      tpu.vector_store %arg8[%swap3A_255, %swap3A_256, %swap3A_257], %swap3A_260 {strides = array<i32>} : memref<39x128x16xi32, #tpu.memory_space<vmem>>, vector<1x1x16xi32>,
      %mul3A_261 = arith.constant 128 : i32
      %mul3A_262 = arith.muli %add3A_38, %mul3A_261 : i32
      %add3A_263 = arith.addi %mul3A_2, %mul3A_262 : i32
      %add3A_264 = arith.constant 5 : i32
      %add3A_265 = arith.addi %add3A_263, %add3A_264 : i32
      %add3A_266 = vector.broadcast %add3A_265 : i32 to vector<16xi32>
      %add3A_267 = arith.addi %broadcast_in_dim3A_3, %add3A_266 : vector<16xi32>
      %swap3A_268 = arith.constant 5 : i32
      %swap3A_269 = arith.index_cast %add3A_38 : i32 to index
      %swap3A_270 = arith.index_cast %swap3A_268 : i32 to index
      %swap3A_271 = arith.constant 0 : index
      %swap3A_272 = tpu.vector_load %arg8[%swap3A_269, %swap3A_270, %swap3A_271] {strides = array<i32>} : memref<39x128x16xi32, #tpu.memory_space<vmem>>, vector<1x1x16xi32>,
      %swap3A_273 = vector.shape_cast %swap3A_272 : vector<1x1x16xi32> to vector<16xi32>
      %swap3A_274 = vector.shape_cast %add3A_267 : vector<16xi32> to vector<1x1x16xi32>
      tpu.vector_store %arg8[%swap3A_269, %swap3A_270, %swap3A_271], %swap3A_274 {strides = array<i32>} : memref<39x128x16xi32, #tpu.memory_space<vmem>>, vector<1x1x16xi32>,
      %mul3A_275 = arith.constant 128 : i32
      %mul3A_276 = arith.muli %add3A_38, %mul3A_275 : i32
      %add3A_277 = arith.addi %mul3A_2, %mul3A_276 : i32
      %add3A_278 = arith.constant 6 : i32
      %add3A_279 = arith.addi %add3A_277, %add3A_278 : i32
      %add3A_280 = vector.broadcast %add3A_279 : i32 to vector<16xi32>
      %add3A_281 = arith.addi %broadcast_in_dim3A_3, %add3A_280 : vector<16xi32>
      %swap3A_282 = arith.constant 6 : i32
      %swap3A_283 = arith.index_cast %add3A_38 : i32 to index
      %swap3A_284 = arith.index_cast %swap3A_282 : i32 to index
      %swap3A_285 = arith.constant 0 : index
      %swap3A_286 = tpu.vector_load %arg8[%swap3A_283, %swap3A_284, %swap3A_285] {strides = array<i32>} : memref<39x128x16xi32, #tpu.memory_space<vmem>>, vector<1x1x16xi32>,
      %swap3A_287 = vector.shape_cast %swap3A_286 : vector<1x1x16xi32> to vector<16xi32>
      %swap3A_288 = vector.shape_cast %add3A_281 : vector<16xi32> to vector<1x1x16xi32>
      tpu.vector_store %arg8[%swap3A_283, %swap3A_284, %swap3A_285], %swap3A_288 {strides = array<i32>} : memref<39x128x16xi32, #tpu.memory_space<vmem>>, vector<1x1x16xi32>,
      %mul3A_289 = arith.constant 128 : i32
      %mul3A_290 = arith.muli %add3A_38, %mul3A_289 : i32
      %add3A_291 = arith.addi %mul3A_2, %mul3A_290 : i32
      %add3A_292 = arith.constant 7 : i32
      %add3A_293 = arith.addi %add3A_291, %add3A_292 : i32
      %add3A_294 = vector.broadcast %add3A_293 : i32 to vector<16xi32>
      %add3A_295 = arith.addi %broadcast_in_dim3A_3, %add3A_294 : vector<16xi32>
      %swap3A_296 = arith.constant 7 : i32
      %swap3A_297 = arith.index_cast %add3A_38 : i32 to index
      %swap3A_298 = arith.index_cast %swap3A_296 : i32 to index
      %swap3A_299 = arith.constant 0 : index
      %swap3A_300 = tpu.vector_load %arg8[%swap3A_297, %swap3A_298, %swap3A_299] {strides = array<i32>} : memref<39x128x16xi32, #tpu.memory_space<vmem>>, vector<1x1x16xi32>,
      %swap3A_301 = vector.shape_cast %swap3A_300 : vector<1x1x16xi32> to vector<16xi32>
      %swap3A_302 = vector.shape_cast %add3A_295 : vector<16xi32> to vector<1x1x16xi32>
      tpu.vector_store %arg8[%swap3A_297, %swap3A_298, %swap3A_299], %swap3A_302 {strides = array<i32>} : memref<39x128x16xi32, #tpu.memory_space<vmem>>, vector<1x1x16xi32>,
      %mul3A_303 = arith.constant 128 : i32
      %mul3A_304 = arith.muli %add3A_38, %mul3A_303 : i32
      %add3A_305 = arith.addi %mul3A_2, %mul3A_304 : i32
      %add3A_306 = arith.constant 8 : i32
      %add3A_307 = arith.addi %add3A_305, %add3A_306 : i32
      %add3A_308 = vector.broadcast %add3A_307 : i32 to vector<16xi32>
      %add3A_309 = arith.addi %broadcast_in_dim3A_3, %add3A_308 : vector<16xi32>
      %swap3A_310 = arith.constant 8 : i32
      %swap3A_311 = arith.index_cast %add3A_38 : i32 to index
      %swap3A_312 = arith.index_cast %swap3A_310 : i32 to index
      %swap3A_313 = arith.constant 0 : index
      %swap3A_314 = tpu.vector_load %arg8[%swap3A_311, %swap3A_312, %swap3A_313] {strides = array<i32>} : memref<39x128x16xi32, #tpu.memory_space<vmem>>, vector<1x1x16xi32>,
      %swap3A_315 = vector.shape_cast %swap3A_314 : vector<1x1x16xi32> to vector<16xi32>
      %swap3A_316 = vector.shape_cast %add3A_309 : vector<16xi32> to vector<1x1x16xi32>
      tpu.vector_store %arg8[%swap3A_311, %swap3A_312, %swap3A_313], %swap3A_316 {strides = array<i32>} : memref<39x128x16xi32, #tpu.memory_space<vmem>>, vector<1x1x16xi32>,
      %mul3A_317 = arith.constant 128 : i32
      %mul3A_318 = arith.muli %add3A_38, %mul3A_317 : i32
      %add3A_319 = arith.addi %mul3A_2, %mul3A_318 : i32
      %add3A_320 = arith.constant 9 : i32
      %add3A_321 = arith.addi %add3A_319, %add3A_320 : i32
      %add3A_322 = vector.broadcast %add3A_321 : i32 to vector<16xi32>
      %add3A_323 = arith.addi %broadcast_in_dim3A_3, %add3A_322 : vector<16xi32>
      %swap3A_324 = arith.constant 9 : i32
      %swap3A_325 = arith.index_cast %add3A_38 : i32 to index
      %swap3A_326 = arith.index_cast %swap3A_324 : i32 to index
      %swap3A_327 = arith.constant 0 : index
      %swap3A_328 = tpu.vector_load %arg8[%swap3A_325, %swap3A_326, %swap3A_327] {strides = array<i32>} : memref<39x128x16xi32, #tpu.memory_space<vmem>>, vector<1x1x16xi32>,
      %swap3A_329 = vector.shape_cast %swap3A_328 : vector<1x1x16xi32> to vector<16xi32>
      %swap3A_330 = vector.shape_cast %add3A_323 : vector<16xi32> to vector<1x1x16xi32>
      tpu.vector_store %arg8[%swap3A_325, %swap3A_326, %swap3A_327], %swap3A_330 {strides = array<i32>} : memref<39x128x16xi32, #tpu.memory_space<vmem>>, vector<1x1x16xi32>,
      %mul3A_331 = arith.constant 128 : i32
      %mul3A_332 = arith.muli %add3A_38, %mul3A_331 : i32
      %add3A_333 = arith.addi %mul3A_2, %mul3A_332 : i32
      %add3A_334 = arith.constant 10 : i32
      %add3A_335 = arith.addi %add3A_333, %add3A_334 : i32
      %add3A_336 = vector.broadcast %add3A_335 : i32 to vector<16xi32>
      %add3A_337 = arith.addi %broadcast_in_dim3A_3, %add3A_336 : vector<16xi32>
      %swap3A_338 = arith.constant 10 : i32
      %swap3A_339 = arith.index_cast %add3A_38 : i32 to index
      %swap3A_340 = arith.index_cast %swap3A_338 : i32 to index
      %swap3A_341 = arith.constant 0 : index
      %swap3A_342 = tpu.vector_load %arg8[%swap3A_339, %swap3A_340, %swap3A_341] {strides = array<i32>} : memref<39x128x16xi32, #tpu.memory_space<vmem>>, vector<1x1x16xi32>,
      %swap3A_343 = vector.shape_cast %swap3A_342 : vector<1x1x16xi32> to vector<16xi32>
      %swap3A_344 = vector.shape_cast %add3A_337 : vector<16xi32> to vector<1x1x16xi32>
      tpu.vector_store %arg8[%swap3A_339, %swap3A_340, %swap3A_341], %swap3A_344 {strides = array<i32>} : memref<39x128x16xi32, #tpu.memory_space<vmem>>, vector<1x1x16xi32>,
      %mul3A_345 = arith.constant 128 : i32
      %mul3A_346 = arith.muli %add3A_38, %mul3A_345 : i32
      %add3A_347 = arith.addi %mul3A_2, %mul3A_346 : i32
      %add3A_348 = arith.constant 11 : i32
      %add3A_349 = arith.addi %add3A_347, %add3A_348 : i32
      %add3A_350 = vector.broadcast %add3A_349 : i32 to vector<16xi32>
      %add3A_351 = arith.addi %broadcast_in_dim3A_3, %add3A_350 : vector<16xi32>
      %swap3A_352 = arith.constant 11 : i32
      %swap3A_353 = arith.index_cast %add3A_38 : i32 to index
      %swap3A_354 = arith.index_cast %swap3A_352 : i32 to index
      %swap3A_355 = arith.constant 0 : index
      %swap3A_356 = tpu.vector_load %arg8[%swap3A_353, %swap3A_354, %swap3A_355] {strides = array<i32>} : memref<39x128x16xi32, #tpu.memory_space<vmem>>, vector<1x1x16xi32>,
      %swap3A_357 = vector.shape_cast %swap3A_356 : vector<1x1x16xi32> to vector<16xi32>
      %swap3A_358 = vector.shape_cast %add3A_351 : vector<16xi32> to vector<1x1x16xi32>
      tpu.vector_store %arg8[%swap3A_353, %swap3A_354, %swap3A_355], %swap3A_358 {strides = array<i32>} : memref<39x128x16xi32, #tpu.memory_space<vmem>>, vector<1x1x16xi32>,
      %mul3A_359 = arith.constant 128 : i32
      %mul3A_360 = arith.muli %add3A_38, %mul3A_359 : i32
      %add3A_361 = arith.addi %mul3A_2, %mul3A_360 : i32
      %add3A_362 = arith.constant 12 : i32
      %add3A_363 = arith.addi %add3A_361, %add3A_362 : i32
      %add3A_364 = vector.broadcast %add3A_363 : i32 to vector<16xi32>
      %add3A_365 = arith.addi %broadcast_in_dim3A_3, %add3A_364 : vector<16xi32>
      %swap3A_366 = arith.constant 12 : i32
      %swap3A_367 = arith.index_cast %add3A_38 : i32 to index
      %swap3A_368 = arith.index_cast %swap3A_366 : i32 to index
      %swap3A_369 = arith.constant 0 : index
      %swap3A_370 = tpu.vector_load %arg8[%swap3A_367, %swap3A_368, %swap3A_369] {strides = array<i32>} : memref<39x128x16xi32, #tpu.memory_space<vmem>>, vector<1x1x16xi32>,
      %swap3A_371 = vector.shape_cast %swap3A_370 : vector<1x1x16xi32> to vector<16xi32>
      %swap3A_372 = vector.shape_cast %add3A_365 : vector<16xi32> to vector<1x1x16xi32>
      tpu.vector_store %arg8[%swap3A_367, %swap3A_368, %swap3A_369], %swap3A_372 {strides = array<i32>} : memref<39x128x16xi32, #tpu.memory_space<vmem>>, vector<1x1x16xi32>,
      %mul3A_373 = arith.constant 128 : i32
      %mul3A_374 = arith.muli %add3A_38, %mul3A_373 : i32
      %add3A_375 = arith.addi %mul3A_2, %mul3A_374 : i32
      %add3A_376 = arith.constant 13 : i32
      %add3A_377 = arith.addi %add3A_375, %add3A_376 : i32
      %add3A_378 = vector.broadcast %add3A_377 : i32 to vector<16xi32>
      %add3A_379 = arith.addi %broadcast_in_dim3A_3, %add3A_378 : vector<16xi32>
      %swap3A_380 = arith.constant 13 : i32
      %swap3A_381 = arith.index_cast %add3A_38 : i32 to index
      %swap3A_382 = arith.index_cast %swap3A_380 : i32 to index
      %swap3A_383 = arith.constant 0 : index
      %swap3A_384 = tpu.vector_load %arg8[%swap3A_381, %swap3A_382, %swap3A_383] {strides = array<i32>} : memref<39x128x16xi32, #tpu.memory_space<vmem>>, vector<1x1x16xi32>,
      %swap3A_385 = vector.shape_cast %swap3A_384 : vector<1x1x16xi32> to vector<16xi32>
      %swap3A_386 = vector.shape_cast %add3A_379 : vector<16xi32> to vector<1x1x16xi32>
      tpu.vector_store %arg8[%swap3A_381, %swap3A_382, %swap3A_383], %swap3A_386 {strides = array<i32>} : memref<39x128x16xi32, #tpu.memory_space<vmem>>, vector<1x1x16xi32>,
      %mul3A_387 = arith.constant 128 : i32
      %mul3A_388 = arith.muli %add3A_38, %mul3A_387 : i32
      %add3A_389 = arith.addi %mul3A_2, %mul3A_388 : i32
      %add3A_390 = arith.constant 14 : i32
      %add3A_391 = arith.addi %add3A_389, %add3A_390 : i32
      %add3A_392 = vector.broadcast %add3A_391 : i32 to vector<16xi32>
      %add3A_393 = arith.addi %broadcast_in_dim3A_3, %add3A_392 : vector<16xi32>
      %swap3A_394 = arith.constant 14 : i32
      %swap3A_395 = arith.index_cast %add3A_38 : i32 to index
      %swap3A_396 = arith.index_cast %swap3A_394 : i32 to index
      %swap3A_397 = arith.constant 0 : index
      %swap3A_398 = tpu.vector_load %arg8[%swap3A_395, %swap3A_396, %swap3A_397] {strides = array<i32>} : memref<39x128x16xi32, #tpu.memory_space<vmem>>, vector<1x1x16xi32>,
      %swap3A_399 = vector.shape_cast %swap3A_398 : vector<1x1x16xi32> to vector<16xi32>
      %swap3A_400 = vector.shape_cast %add3A_393 : vector<16xi32> to vector<1x1x16xi32>
      tpu.vector_store %arg8[%swap3A_395, %swap3A_396, %swap3A_397], %swap3A_400 {strides = array<i32>} : memref<39x128x16xi32, #tpu.memory_space<vmem>>, vector<1x1x16xi32>,
      %mul3A_401 = arith.constant 128 : i32
      %mul3A_402 = arith.muli %add3A_38, %mul3A_401 : i32
      %add3A_403 = arith.addi %mul3A_2, %mul3A_402 : i32
      %add3A_404 = arith.constant 15 : i32
      %add3A_405 = arith.addi %add3A_403, %add3A_404 : i32
      %add3A_406 = vector.broadcast %add3A_405 : i32 to vector<16xi32>
      %add3A_407 = arith.addi %broadcast_in_dim3A_3, %add3A_406 : vector<16xi32>
      %swap3A_408 = arith.constant 15 : i32
      %swap3A_409 = arith.index_cast %add3A_38 : i32 to index
      %swap3A_410 = arith.index_cast %swap3A_408 : i32 to index
      %swap3A_411 = arith.constant 0 : index
      %swap3A_412 = tpu.vector_load %arg8[%swap3A_409, %swap3A_410, %swap3A_411] {strides = array<i32>} : memref<39x128x16xi32, #tpu.memory_space<vmem>>, vector<1x1x16xi32>,
      %swap3A_413 = vector.shape_cast %swap3A_412 : vector<1x1x16xi32> to vector<16xi32>
      %swap3A_414 = vector.shape_cast %add3A_407 : vector<16xi32> to vector<1x1x16xi32>
      tpu.vector_store %arg8[%swap3A_409, %swap3A_410, %swap3A_411], %swap3A_414 {strides = array<i32>} : memref<39x128x16xi32, #tpu.memory_space<vmem>>, vector<1x1x16xi32>,
      %mul3A_415 = arith.constant 128 : i32
      %mul3A_416 = arith.muli %add3A_38, %mul3A_415 : i32
      %add3A_417 = arith.addi %mul3A_2, %mul3A_416 : i32
      %add3A_418 = arith.constant 16 : i32
      %add3A_419 = arith.addi %add3A_417, %add3A_418 : i32
      %add3A_420 = vector.broadcast %add3A_419 : i32 to vector<16xi32>
      %add3A_421 = arith.addi %broadcast_in_dim3A_3, %add3A_420 : vector<16xi32>
      %swap3A_422 = arith.constant 16 : i32
      %swap3A_423 = arith.index_cast %add3A_38 : i32 to index
      %swap3A_424 = arith.index_cast %swap3A_422 : i32 to index
      %swap3A_425 = arith.constant 0 : index
      %swap3A_426 = tpu.vector_load %arg8[%swap3A_423, %swap3A_424, %swap3A_425] {strides = array<i32>} : memref<39x128x16xi32, #tpu.memory_space<vmem>>, vector<1x1x16xi32>,
      %swap3A_427 = vector.shape_cast %swap3A_426 : vector<1x1x16xi32> to vector<16xi32>
      %swap3A_428 = vector.shape_cast %add3A_421 : vector<16xi32> to vector<1x1x16xi32>
      tpu.vector_store %arg8[%swap3A_423, %swap3A_424, %swap3A_425], %swap3A_428 {strides = array<i32>} : memref<39x128x16xi32, #tpu.memory_space<vmem>>, vector<1x1x16xi32>,
      %mul3A_429 = arith.constant 128 : i32
      %mul3A_430 = arith.muli %add3A_38, %mul3A_429 : i32
      %add3A_431 = arith.addi %mul3A_2, %mul3A_430 : i32
      %add3A_432 = arith.constant 17 : i32
      %add3A_433 = arith.addi %add3A_431, %add3A_432 : i32
      %add3A_434 = vector.broadcast %add3A_433 : i32 to vector<16xi32>
      %add3A_435 = arith.addi %broadcast_in_dim3A_3, %add3A_434 : vector<16xi32>
      %swap3A_436 = arith.constant 17 : i32
      %swap3A_437 = arith.index_cast %add3A_38 : i32 to index
      %swap3A_438 = arith.index_cast %swap3A_436 : i32 to index
      %swap3A_439 = arith.constant 0 : index
      %swap3A_440 = tpu.vector_load %arg8[%swap3A_437, %swap3A_438, %swap3A_439] {strides = array<i32>} : memref<39x128x16xi32, #tpu.memory_space<vmem>>, vector<1x1x16xi32>,
      %swap3A_441 = vector.shape_cast %swap3A_440 : vector<1x1x16xi32> to vector<16xi32>
      %swap3A_442 = vector.shape_cast %add3A_435 : vector<16xi32> to vector<1x1x16xi32>
      tpu.vector_store %arg8[%swap3A_437, %swap3A_438, %swap3A_439], %swap3A_442 {strides = array<i32>} : memref<39x128x16xi32, #tpu.memory_space<vmem>>, vector<1x1x16xi32>,
      %mul3A_443 = arith.constant 128 : i32
      %mul3A_444 = arith.muli %add3A_38, %mul3A_443 : i32
      %add3A_445 = arith.addi %mul3A_2, %mul3A_444 : i32
      %add3A_446 = arith.constant 18 : i32
      %add3A_447 = arith.addi %add3A_445, %add3A_446 : i32
      %add3A_448 = vector.broadcast %add3A_447 : i32 to vector<16xi32>
      %add3A_449 = arith.addi %broadcast_in_dim3A_3, %add3A_448 : vector<16xi32>
      %swap3A_450 = arith.constant 18 : i32
      %swap3A_451 = arith.index_cast %add3A_38 : i32 to index
      %swap3A_452 = arith.index_cast %swap3A_450 : i32 to index
      %swap3A_453 = arith.constant 0 : index
      %swap3A_454 = tpu.vector_load %arg8[%swap3A_451, %swap3A_452, %swap3A_453] {strides = array<i32>} : memref<39x128x16xi32, #tpu.memory_space<vmem>>, vector<1x1x16xi32>,
      %swap3A_455 = vector.shape_cast %swap3A_454 : vector<1x1x16xi32> to vector<16xi32>
      %swap3A_456 = vector.shape_cast %add3A_449 : vector<16xi32> to vector<1x1x16xi32>
      tpu.vector_store %arg8[%swap3A_451, %swap3A_452, %swap3A_453], %swap3A_456 {strides = array<i32>} : memref<39x128x16xi32, #tpu.memory_space<vmem>>, vector<1x1x16xi32>,
      %mul3A_457 = arith.constant 128 : i32
      %mul3A_458 = arith.muli %add3A_38, %mul3A_457 : i32
      %add3A_459 = arith.addi %mul3A_2, %mul3A_458 : i32
      %add3A_460 = arith.constant 19 : i32
      %add3A_461 = arith.addi %add3A_459, %add3A_460 : i32
      %add3A_462 = vector.broadcast %add3A_461 : i32 to vector<16xi32>
      %add3A_463 = arith.addi %broadcast_in_dim3A_3, %add3A_462 : vector<16xi32>
      %swap3A_464 = arith.constant 19 : i32
      %swap3A_465 = arith.index_cast %add3A_38 : i32 to index
      %swap3A_466 = arith.index_cast %swap3A_464 : i32 to index
      %swap3A_467 = arith.constant 0 : index
      %swap3A_468 = tpu.vector_load %arg8[%swap3A_465, %swap3A_466, %swap3A_467] {strides = array<i32>} : memref<39x128x16xi32, #tpu.memory_space<vmem>>, vector<1x1x16xi32>,
      %swap3A_469 = vector.shape_cast %swap3A_468 : vector<1x1x16xi32> to vector<16xi32>
      %swap3A_470 = vector.shape_cast %add3A_463 : vector<16xi32> to vector<1x1x16xi32>
      tpu.vector_store %arg8[%swap3A_465, %swap3A_466, %swap3A_467], %swap3A_470 {strides = array<i32>} : memref<39x128x16xi32, #tpu.memory_space<vmem>>, vector<1x1x16xi32>,
      %mul3A_471 = arith.constant 128 : i32
      %mul3A_472 = arith.muli %add3A_38, %mul3A_471 : i32
      %add3A_473 = arith.addi %mul3A_2, %mul3A_472 : i32
      %add3A_474 = arith.constant 20 : i32
      %add3A_475 = arith.addi %add3A_473, %add3A_474 : i32
      %add3A_476 = vector.broadcast %add3A_475 : i32 to vector<16xi32>
      %add3A_477 = arith.addi %broadcast_in_dim3A_3, %add3A_476 : vector<16xi32>
      %swap3A_478 = arith.constant 20 : i32
      %swap3A_479 = arith.index_cast %add3A_38 : i32 to index
      %swap3A_480 = arith.index_cast %swap3A_478 : i32 to index
      %swap3A_481 = arith.constant 0 : index
      %swap3A_482 = tpu.vector_load %arg8[%swap3A_479, %swap3A_480, %swap3A_481] {strides = array<i32>} : memref<39x128x16xi32, #tpu.memory_space<vmem>>, vector<1x1x16xi32>,
      %swap3A_483 = vector.shape_cast %swap3A_482 : vector<1x1x16xi32> to vector<16xi32>
      %swap3A_484 = vector.shape_cast %add3A_477 : vector<16xi32> to vector<1x1x16xi32>
      tpu.vector_store %arg8[%swap3A_479, %swap3A_480, %swap3A_481], %swap3A_484 {strides = array<i32>} : memref<39x128x16xi32, #tpu.memory_space<vmem>>, vector<1x1x16xi32>,
      %mul3A_485 = arith.constant 128 : i32
      %mul3A_486 = arith.muli %add3A_38, %mul3A_485 : i32
      %add3A_487 = arith.addi %mul3A_2, %mul3A_486 : i32
      %add3A_488 = arith.constant 21 : i32
      %add3A_489 = arith.addi %add3A_487, %add3A_488 : i32
      %add3A_490 = vector.broadcast %add3A_489 : i32 to vector<16xi32>
      %add3A_491 = arith.addi %broadcast_in_dim3A_3, %add3A_490 : vector<16xi32>
      %swap3A_492 = arith.constant 21 : i32
      %swap3A_493 = arith.index_cast %add3A_38 : i32 to index
      %swap3A_494 = arith.index_cast %swap3A_492 : i32 to index
      %swap3A_495 = arith.constant 0 : index
      %swap3A_496 = tpu.vector_load %arg8[%swap3A_493, %swap3A_494, %swap3A_495] {strides = array<i32>} : memref<39x128x16xi32, #tpu.memory_space<vmem>>, vector<1x1x16xi32>,
      %swap3A_497 = vector.shape_cast %swap3A_496 : vector<1x1x16xi32> to vector<16xi32>
      %swap3A_498 = vector.shape_cast %add3A_491 : vector<16xi32> to vector<1x1x16xi32>
      tpu.vector_store %arg8[%swap3A_493, %swap3A_494, %swap3A_495], %swap3A_498 {strides = array<i32>} : memref<39x128x16xi32, #tpu.memory_space<vmem>>, vector<1x1x16xi32>,
      %mul3A_499 = arith.constant 128 : i32
      %mul3A_500 = arith.muli %add3A_38, %mul3A_499 : i32
      %add3A_501 = arith.addi %mul3A_2, %mul3A_500 : i32
      %add3A_502 = arith.constant 22 : i32
      %add3A_503 = arith.addi %add3A_501, %add3A_502 : i32
      %add3A_504 = vector.broadcast %add3A_503 : i32 to vector<16xi32>
      %add3A_505 = arith.addi %broadcast_in_dim3A_3, %add3A_504 : vector<16xi32>
      %swap3A_506 = arith.constant 22 : i32
      %swap3A_507 = arith.index_cast %add3A_38 : i32 to index
      %swap3A_508 = arith.index_cast %swap3A_506 : i32 to index
      %swap3A_509 = arith.constant 0 : index
      %swap3A_510 = tpu.vector_load %arg8[%swap3A_507, %swap3A_508, %swap3A_509] {strides = array<i32>} : memref<39x128x16xi32, #tpu.memory_space<vmem>>, vector<1x1x16xi32>,
      %swap3A_511 = vector.shape_cast %swap3A_510 : vector<1x1x16xi32> to vector<16xi32>
      %swap3A_512 = vector.shape_cast %add3A_505 : vector<16xi32> to vector<1x1x16xi32>
      tpu.vector_store %arg8[%swap3A_507, %swap3A_508, %swap3A_509], %swap3A_512 {strides = array<i32>} : memref<39x128x16xi32, #tpu.memory_space<vmem>>, vector<1x1x16xi32>,
      %mul3A_513 = arith.constant 128 : i32
      %mul3A_514 = arith.muli %add3A_38, %mul3A_513 : i32
      %add3A_515 = arith.addi %mul3A_2, %mul3A_514 : i32
      %add3A_516 = arith.constant 23 : i32
      %add3A_517 = arith.addi %add3A_515, %add3A_516 : i32
      %add3A_518 = vector.broadcast %add3A_517 : i32 to vector<16xi32>
      %add3A_519 = arith.addi %broadcast_in_dim3A_3, %add3A_518 : vector<16xi32>
      %swap3A_520 = arith.constant 23 : i32
      %swap3A_521 = arith.index_cast %add3A_38 : i32 to index
      %swap3A_522 = arith.index_cast %swap3A_520 : i32 to index
      %swap3A_523 = arith.constant 0 : index
      %swap3A_524 = tpu.vector_load %arg8[%swap3A_521, %swap3A_522, %swap3A_523] {strides = array<i32>} : memref<39x128x16xi32, #tpu.memory_space<vmem>>, vector<1x1x16xi32>,
      %swap3A_525 = vector.shape_cast %swap3A_524 : vector<1x1x16xi32> to vector<16xi32>
      %swap3A_526 = vector.shape_cast %add3A_519 : vector<16xi32> to vector<1x1x16xi32>
      tpu.vector_store %arg8[%swap3A_521, %swap3A_522, %swap3A_523], %swap3A_526 {strides = array<i32>} : memref<39x128x16xi32, #tpu.memory_space<vmem>>, vector<1x1x16xi32>,
      %mul3A_527 = arith.constant 128 : i32
      %mul3A_528 = arith.muli %add3A_38, %mul3A_527 : i32
      %add3A_529 = arith.addi %mul3A_2, %mul3A_528 : i32
      %add3A_530 = arith.constant 24 : i32
      %add3A_531 = arith.addi %add3A_529, %add3A_530 : i32
      %add3A_532 = vector.broadcast %add3A_531 : i32 to vector<16xi32>
      %add3A_533 = arith.addi %broadcast_in_dim3A_3, %add3A_532 : vector<16xi32>
      %swap3A_534 = arith.constant 24 : i32
      %swap3A_535 = arith.index_cast %add3A_38 : i32 to index
      %swap3A_536 = arith.index_cast %swap3A_534 : i32 to index
      %swap3A_537 = arith.constant 0 : index
      %swap3A_538 = tpu.vector_load %arg8[%swap3A_535, %swap3A_536, %swap3A_537] {strides = array<i32>} : memref<39x128x16xi32, #tpu.memory_space<vmem>>, vector<1x1x16xi32>,
      %swap3A_539 = vector.shape_cast %swap3A_538 : vector<1x1x16xi32> to vector<16xi32>
      %swap3A_540 = vector.shape_cast %add3A_533 : vector<16xi32> to vector<1x1x16xi32>
      tpu.vector_store %arg8[%swap3A_535, %swap3A_536, %swap3A_537], %swap3A_540 {strides = array<i32>} : memref<39x128x16xi32, #tpu.memory_space<vmem>>, vector<1x1x16xi32>,
      %mul3A_541 = arith.constant 128 : i32
      %mul3A_542 = arith.muli %add3A_38, %mul3A_541 : i32
      %add3A_543 = arith.addi %mul3A_2, %mul3A_542 : i32
      %add3A_544 = arith.constant 25 : i32
      %add3A_545 = arith.addi %add3A_543, %add3A_544 : i32
      %add3A_546 = vector.broadcast %add3A_545 : i32 to vector<16xi32>
      %add3A_547 = arith.addi %broadcast_in_dim3A_3, %add3A_546 : vector<16xi32>
      %swap3A_548 = arith.constant 25 : i32
      %swap3A_549 = arith.index_cast %add3A_38 : i32 to index
      %swap3A_550 = arith.index_cast %swap3A_548 : i32 to index
      %swap3A_551 = arith.constant 0 : index
      %swap3A_552 = tpu.vector_load %arg8[%swap3A_549, %swap3A_550, %swap3A_551] {strides = array<i32>} : memref<39x128x16xi32, #tpu.memory_space<vmem>>, vector<1x1x16xi32>,
      %swap3A_553 = vector.shape_cast %swap3A_552 : vector<1x1x16xi32> to vector<16xi32>
      %swap3A_554 = vector.shape_cast %add3A_547 : vector<16xi32> to vector<1x1x16xi32>
      tpu.vector_store %arg8[%swap3A_549, %swap3A_550, %swap3A_551], %swap3A_554 {strides = array<i32>} : memref<39x128x16xi32, #tpu.memory_space<vmem>>, vector<1x1x16xi32>,
      %mul3A_555 = arith.constant 128 : i32
      %mul3A_556 = arith.muli %add3A_38, %mul3A_555 : i32
      %add3A_557 = arith.addi %mul3A_2, %mul3A_556 : i32
      %add3A_558 = arith.constant 26 : i32
      %add3A_559 = arith.addi %add3A_557, %add3A_558 : i32
      %add3A_560 = vector.broadcast %add3A_559 : i32 to vector<16xi32>
      %add3A_561 = arith.addi %broadcast_in_dim3A_3, %add3A_560 : vector<16xi32>
      %swap3A_562 = arith.constant 26 : i32
      %swap3A_563 = arith.index_cast %add3A_38 : i32 to index
      %swap3A_564 = arith.index_cast %swap3A_562 : i32 to index
      %swap3A_565 = arith.constant 0 : index
      %swap3A_566 = tpu.vector_load %arg8[%swap3A_563, %swap3A_564, %swap3A_565] {strides = array<i32>} : memref<39x128x16xi32, #tpu.memory_space<vmem>>, vector<1x1x16xi32>,
      %swap3A_567 = vector.shape_cast %swap3A_566 : vector<1x1x16xi32> to vector<16xi32>
      %swap3A_568 = vector.shape_cast %add3A_561 : vector<16xi32> to vector<1x1x16xi32>
      tpu.vector_store %arg8[%swap3A_563, %swap3A_564, %swap3A_565], %swap3A_568 {strides = array<i32>} : memref<39x128x16xi32, #tpu.memory_space<vmem>>, vector<1x1x16xi32>,
      %mul3A_569 = arith.constant 128 : i32
      %mul3A_570 = arith.muli %add3A_38, %mul3A_569 : i32
      %add3A_571 = arith.addi %mul3A_2, %mul3A_570 : i32
      %add3A_572 = arith.constant 27 : i32
      %add3A_573 = arith.addi %add3A_571, %add3A_572 : i32
      %add3A_574 = vector.broadcast %add3A_573 : i32 to vector<16xi32>
      %add3A_575 = arith.addi %broadcast_in_dim3A_3, %add3A_574 : vector<16xi32>
      %swap3A_576 = arith.constant 27 : i32
      %swap3A_577 = arith.index_cast %add3A_38 : i32 to index
      %swap3A_578 = arith.index_cast %swap3A_576 : i32 to index
      %swap3A_579 = arith.constant 0 : index
      %swap3A_580 = tpu.vector_load %arg8[%swap3A_577, %swap3A_578, %swap3A_579] {strides = array<i32>} : memref<39x128x16xi32, #tpu.memory_space<vmem>>, vector<1x1x16xi32>,
      %swap3A_581 = vector.shape_cast %swap3A_580 : vector<1x1x16xi32> to vector<16xi32>
      %swap3A_582 = vector.shape_cast %add3A_575 : vector<16xi32> to vector<1x1x16xi32>
      tpu.vector_store %arg8[%swap3A_577, %swap3A_578, %swap3A_579], %swap3A_582 {strides = array<i32>} : memref<39x128x16xi32, #tpu.memory_space<vmem>>, vector<1x1x16xi32>,
      %mul3A_583 = arith.constant 128 : i32
      %mul3A_584 = arith.muli %add3A_38, %mul3A_583 : i32
      %add3A_585 = arith.addi %mul3A_2, %mul3A_584 : i32
      %add3A_586 = arith.constant 28 : i32
      %add3A_587 = arith.addi %add3A_585, %add3A_586 : i32
      %add3A_588 = vector.broadcast %add3A_587 : i32 to vector<16xi32>
      %add3A_589 = arith.addi %broadcast_in_dim3A_3, %add3A_588 : vector<16xi32>
      %swap3A_590 = arith.constant 28 : i32
      %swap3A_591 = arith.index_cast %add3A_38 : i32 to index
      %swap3A_592 = arith.index_cast %swap3A_590 : i32 to index
      %swap3A_593 = arith.constant 0 : index
      %swap3A_594 = tpu.vector_load %arg8[%swap3A_591, %swap3A_592, %swap3A_593] {strides = array<i32>} : memref<39x128x16xi32, #tpu.memory_space<vmem>>, vector<1x1x16xi32>,
      %swap3A_595 = vector.shape_cast %swap3A_594 : vector<1x1x16xi32> to vector<16xi32>
      %swap3A_596 = vector.shape_cast %add3A_589 : vector<16xi32> to vector<1x1x16xi32>
      tpu.vector_store %arg8[%swap3A_591, %swap3A_592, %swap3A_593], %swap3A_596 {strides = array<i32>} : memref<39x128x16xi32, #tpu.memory_space<vmem>>, vector<1x1x16xi32>,
      %mul3A_597 = arith.constant 128 : i32
      %mul3A_598 = arith.muli %add3A_38, %mul3A_597 : i32
      %add3A_599 = arith.addi %mul3A_2, %mul3A_598 : i32
      %add3A_600 = arith.constant 29 : i32
      %add3A_601 = arith.addi %add3A_599, %add3A_600 : i32
      %add3A_602 = vector.broadcast %add3A_601 : i32 to vector<16xi32>
      %add3A_603 = arith.addi %broadcast_in_dim3A_3, %add3A_602 : vector<16xi32>
      %swap3A_604 = arith.constant 29 : i32
      %swap3A_605 = arith.index_cast %add3A_38 : i32 to index
      %swap3A_606 = arith.index_cast %swap3A_604 : i32 to index
      %swap3A_607 = arith.constant 0 : index
      %swap3A_608 = tpu.vector_load %arg8[%swap3A_605, %swap3A_606, %swap3A_607] {strides = array<i32>} : memref<39x128x16xi32, #tpu.memory_space<vmem>>, vector<1x1x16xi32>,
      %swap3A_609 = vector.shape_cast %swap3A_608 : vector<1x1x16xi32> to vector<16xi32>
      %swap3A_610 = vector.shape_cast %add3A_603 : vector<16xi32> to vector<1x1x16xi32>
      tpu.vector_store %arg8[%swap3A_605, %swap3A_606, %swap3A_607], %swap3A_610 {strides = array<i32>} : memref<39x128x16xi32, #tpu.memory_space<vmem>>, vector<1x1x16xi32>,
      %mul3A_611 = arith.constant 128 : i32
      %mul3A_612 = arith.muli %add3A_38, %mul3A_611 : i32
      %add3A_613 = arith.addi %mul3A_2, %mul3A_612 : i32
      %add3A_614 = arith.constant 30 : i32
      %add3A_615 = arith.addi %add3A_613, %add3A_614 : i32
      %add3A_616 = vector.broadcast %add3A_615 : i32 to vector<16xi32>
      %add3A_617 = arith.addi %broadcast_in_dim3A_3, %add3A_616 : vector<16xi32>
      %swap3A_618 = arith.constant 30 : i32
      %swap3A_619 = arith.index_cast %add3A_38 : i32 to index
      %swap3A_620 = arith.index_cast %swap3A_618 : i32 to index
      %swap3A_621 = arith.constant 0 : index
      %swap3A_622 = tpu.vector_load %arg8[%swap3A_619, %swap3A_620, %swap3A_621] {strides = array<i32>} : memref<39x128x16xi32, #tpu.memory_space<vmem>>, vector<1x1x16xi32>,
      %swap3A_623 = vector.shape_cast %swap3A_622 : vector<1x1x16xi32> to vector<16xi32>
      %swap3A_624 = vector.shape_cast %add3A_617 : vector<16xi32> to vector<1x1x16xi32>
      tpu.vector_store %arg8[%swap3A_619, %swap3A_620, %swap3A_621], %swap3A_624 {strides = array<i32>} : memref<39x128x16xi32, #tpu.memory_space<vmem>>, vector<1x1x16xi32>,
      %mul3A_625 = arith.constant 128 : i32
      %mul3A_626 = arith.muli %add3A_38, %mul3A_625 : i32
      %add3A_627 = arith.addi %mul3A_2, %mul3A_626 : i32
      %add3A_628 = arith.constant 31 : i32
      %add3A_629 = arith.addi %add3A_627, %add3A_628 : i32
      %add3A_630 = vector.broadcast %add3A_629 : i32 to vector<16xi32>
      %add3A_631 = arith.addi %broadcast_in_dim3A_3, %add3A_630 : vector<16xi32>
      %swap3A_632 = arith.constant 31 : i32
      %swap3A_633 = arith.index_cast %add3A_38 : i32 to index
      %swap3A_634 = arith.index_cast %swap3A_632 : i32 to index
      %swap3A_635 = arith.constant 0 : index
      %swap3A_636 = tpu.vector_load %arg8[%swap3A_633, %swap3A_634, %swap3A_635] {strides = array<i32>} : memref<39x128x16xi32, #tpu.memory_space<vmem>>, vector<1x1x16xi32>,
      %swap3A_637 = vector.shape_cast %swap3A_636 : vector<1x1x16xi32> to vector<16xi32>
      %swap3A_638 = vector.shape_cast %add3A_631 : vector<16xi32> to vector<1x1x16xi32>
      tpu.vector_store %arg8[%swap3A_633, %swap3A_634, %swap3A_635], %swap3A_638 {strides = array<i32>} : memref<39x128x16xi32, #tpu.memory_space<vmem>>, vector<1x1x16xi32>,
      %mul3A_639 = arith.constant 128 : i32
      %mul3A_640 = arith.muli %add3A_38, %mul3A_639 : i32
      %add3A_641 = arith.addi %mul3A_2, %mul3A_640 : i32
      %add3A_642 = arith.constant 32 : i32
      %add3A_643 = arith.addi %add3A_641, %add3A_642 : i32
      %add3A_644 = vector.broadcast %add3A_643 : i32 to vector<16xi32>
      %add3A_645 = arith.addi %broadcast_in_dim3A_3, %add3A_644 : vector<16xi32>
      %swap3A_646 = arith.constant 32 : i32
      %swap3A_647 = arith.index_cast %add3A_38 : i32 to index
      %swap3A_648 = arith.index_cast %swap3A_646 : i32 to index
      %swap3A_649 = arith.constant 0 : index
      %swap3A_650 = tpu.vector_load %arg8[%swap3A_647, %swap3A_648, %swap3A_649] {strides = array<i32>} : memref<39x128x16xi32, #tpu.memory_space<vmem>>, vector<1x1x16xi32>,
      %swap3A_651 = vector.shape_cast %swap3A_650 : vector<1x1x16xi32> to vector<16xi32>
      %swap3A_652 = vector.shape_cast %add3A_645 : vector<16xi32> to vector<1x1x16xi32>
      tpu.vector_store %arg8[%swap3A_647, %swap3A_648, %swap3A_649], %swap3A_652 {strides = array<i32>} : memref<39x128x16xi32, #tpu.memory_space<vmem>>, vector<1x1x16xi32>,
      %mul3A_653 = arith.constant 128 : i32
      %mul3A_654 = arith.muli %add3A_38, %mul3A_653 : i32
      %add3A_655 = arith.addi %mul3A_2, %mul3A_654 : i32
      %add3A_656 = arith.constant 33 : i32
      %add3A_657 = arith.addi %add3A_655, %add3A_656 : i32
      %add3A_658 = vector.broadcast %add3A_657 : i32 to vector<16xi32>
      %add3A_659 = arith.addi %broadcast_in_dim3A_3, %add3A_658 : vector<16xi32>
      %swap3A_660 = arith.constant 33 : i32
      %swap3A_661 = arith.index_cast %add3A_38 : i32 to index
      %swap3A_662 = arith.index_cast %swap3A_660 : i32 to index
      %swap3A_663 = arith.constant 0 : index
      %swap3A_664 = tpu.vector_load %arg8[%swap3A_661, %swap3A_662, %swap3A_663] {strides = array<i32>} : memref<39x128x16xi32, #tpu.memory_space<vmem>>, vector<1x1x16xi32>,
      %swap3A_665 = vector.shape_cast %swap3A_664 : vector<1x1x16xi32> to vector<16xi32>
      %swap3A_666 = vector.shape_cast %add3A_659 : vector<16xi32> to vector<1x1x16xi32>
      tpu.vector_store %arg8[%swap3A_661, %swap3A_662, %swap3A_663], %swap3A_666 {strides = array<i32>} : memref<39x128x16xi32, #tpu.memory_space<vmem>>, vector<1x1x16xi32>,
      %mul3A_667 = arith.constant 128 : i32
      %mul3A_668 = arith.muli %add3A_38, %mul3A_667 : i32
      %add3A_669 = arith.addi %mul3A_2, %mul3A_668 : i32
      %add3A_670 = arith.constant 34 : i32
      %add3A_671 = arith.addi %add3A_669, %add3A_670 : i32
      %add3A_672 = vector.broadcast %add3A_671 : i32 to vector<16xi32>
      %add3A_673 = arith.addi %broadcast_in_dim3A_3, %add3A_672 : vector<16xi32>
      %swap3A_674 = arith.constant 34 : i32
      %swap3A_675 = arith.index_cast %add3A_38 : i32 to index
      %swap3A_676 = arith.index_cast %swap3A_674 : i32 to index
      %swap3A_677 = arith.constant 0 : index
      %swap3A_678 = tpu.vector_load %arg8[%swap3A_675, %swap3A_676, %swap3A_677] {strides = array<i32>} : memref<39x128x16xi32, #tpu.memory_space<vmem>>, vector<1x1x16xi32>,
      %swap3A_679 = vector.shape_cast %swap3A_678 : vector<1x1x16xi32> to vector<16xi32>
      %swap3A_680 = vector.shape_cast %add3A_673 : vector<16xi32> to vector<1x1x16xi32>
      tpu.vector_store %arg8[%swap3A_675, %swap3A_676, %swap3A_677], %swap3A_680 {strides = array<i32>} : memref<39x128x16xi32, #tpu.memory_space<vmem>>, vector<1x1x16xi32>,
      %mul3A_681 = arith.constant 128 : i32
      %mul3A_682 = arith.muli %add3A_38, %mul3A_681 : i32
      %add3A_683 = arith.addi %mul3A_2, %mul3A_682 : i32
      %add3A_684 = arith.constant 35 : i32
      %add3A_685 = arith.addi %add3A_683, %add3A_684 : i32
      %add3A_686 = vector.broadcast %add3A_685 : i32 to vector<16xi32>
      %add3A_687 = arith.addi %broadcast_in_dim3A_3, %add3A_686 : vector<16xi32>
      %swap3A_688 = arith.constant 35 : i32
      %swap3A_689 = arith.index_cast %add3A_38 : i32 to index
      %swap3A_690 = arith.index_cast %swap3A_688 : i32 to index
      %swap3A_691 = arith.constant 0 : index
      %swap3A_692 = tpu.vector_load %arg8[%swap3A_689, %swap3A_690, %swap3A_691] {strides = array<i32>} : memref<39x128x16xi32, #tpu.memory_space<vmem>>, vector<1x1x16xi32>,
      %swap3A_693 = vector.shape_cast %swap3A_692 : vector<1x1x16xi32> to vector<16xi32>
      %swap3A_694 = vector.shape_cast %add3A_687 : vector<16xi32> to vector<1x1x16xi32>
      tpu.vector_store %arg8[%swap3A_689, %swap3A_690, %swap3A_691], %swap3A_694 {strides = array<i32>} : memref<39x128x16xi32, #tpu.memory_space<vmem>>, vector<1x1x16xi32>,
      %mul3A_695 = arith.constant 128 : i32
      %mul3A_696 = arith.muli %add3A_38, %mul3A_695 : i32
      %add3A_697 = arith.addi %mul3A_2, %mul3A_696 : i32
      %add3A_698 = arith.constant 36 : i32
      %add3A_699 = arith.addi %add3A_697, %add3A_698 : i32
      %add3A_700 = vector.broadcast %add3A_699 : i32 to vector<16xi32>
      %add3A_701 = arith.addi %broadcast_in_dim3A_3, %add3A_700 : vector<16xi32>
      %swap3A_702 = arith.constant 36 : i32
      %swap3A_703 = arith.index_cast %add3A_38 : i32 to index
      %swap3A_704 = arith.index_cast %swap3A_702 : i32 to index
      %swap3A_705 = arith.constant 0 : index
      %swap3A_706 = tpu.vector_load %arg8[%swap3A_703, %swap3A_704, %swap3A_705] {strides = array<i32>} : memref<39x128x16xi32, #tpu.memory_space<vmem>>, vector<1x1x16xi32>,
      %swap3A_707 = vector.shape_cast %swap3A_706 : vector<1x1x16xi32> to vector<16xi32>
      %swap3A_708 = vector.shape_cast %add3A_701 : vector<16xi32> to vector<1x1x16xi32>
      tpu.vector_store %arg8[%swap3A_703, %swap3A_704, %swap3A_705], %swap3A_708 {strides = array<i32>} : memref<39x128x16xi32, #tpu.memory_space<vmem>>, vector<1x1x16xi32>,
      %mul3A_709 = arith.constant 128 : i32
      %mul3A_710 = arith.muli %add3A_38, %mul3A_709 : i32
      %add3A_711 = arith.addi %mul3A_2, %mul3A_710 : i32
      %add3A_712 = arith.constant 37 : i32
      %add3A_713 = arith.addi %add3A_711, %add3A_712 : i32
      %add3A_714 = vector.broadcast %add3A_713 : i32 to vector<16xi32>
      %add3A_715 = arith.addi %broadcast_in_dim3A_3, %add3A_714 : vector<16xi32>
      %swap3A_716 = arith.constant 37 : i32
      %swap3A_717 = arith.index_cast %add3A_38 : i32 to index
      %swap3A_718 = arith.index_cast %swap3A_716 : i32 to index
      %swap3A_719 = arith.constant 0 : index
      %swap3A_720 = tpu.vector_load %arg8[%swap3A_717, %swap3A_718, %swap3A_719] {strides = array<i32>} : memref<39x128x16xi32, #tpu.memory_space<vmem>>, vector<1x1x16xi32>,
      %swap3A_721 = vector.shape_cast %swap3A_720 : vector<1x1x16xi32> to vector<16xi32>
      %swap3A_722 = vector.shape_cast %add3A_715 : vector<16xi32> to vector<1x1x16xi32>
      tpu.vector_store %arg8[%swap3A_717, %swap3A_718, %swap3A_719], %swap3A_722 {strides = array<i32>} : memref<39x128x16xi32, #tpu.memory_space<vmem>>, vector<1x1x16xi32>,
      %mul3A_723 = arith.constant 128 : i32
      %mul3A_724 = arith.muli %add3A_38, %mul3A_723 : i32
      %add3A_725 = arith.addi %mul3A_2, %mul3A_724 : i32
      %add3A_726 = arith.constant 38 : i32
      %add3A_727 = arith.addi %add3A_725, %add3A_726 : i32
      %add3A_728 = vector.broadcast %add3A_727 : i32 to vector<16xi32>
      %add3A_729 = arith.addi %broadcast_in_dim3A_3, %add3A_728 : vector<16xi32>
      %swap3A_730 = arith.constant 38 : i32
      %swap3A_731 = arith.index_cast %add3A_38 : i32 to index
      %swap3A_732 = arith.index_cast %swap3A_730 : i32 to index
      %swap3A_733 = arith.constant 0 : index
      %swap3A_734 = tpu.vector_load %arg8[%swap3A_731, %swap3A_732, %swap3A_733] {strides = array<i32>} : memref<39x128x16xi32, #tpu.memory_space<vmem>>, vector<1x1x16xi32>,
      %swap3A_735 = vector.shape_cast %swap3A_734 : vector<1x1x16xi32> to vector<16xi32>
      %swap3A_736 = vector.shape_cast %add3A_729 : vector<16xi32> to vector<1x1x16xi32>
      tpu.vector_store %arg8[%swap3A_731, %swap3A_732, %swap3A_733], %swap3A_736 {strides = array<i32>} : memref<39x128x16xi32, #tpu.memory_space<vmem>>, vector<1x1x16xi32>,
      %mul3A_737 = arith.constant 128 : i32
      %mul3A_738 = arith.muli %add3A_38, %mul3A_737 : i32
      %add3A_739 = arith.addi %mul3A_2, %mul3A_738 : i32
      %add3A_740 = arith.constant 39 : i32
      %add3A_741 = arith.addi %add3A_739, %add3A_740 : i32
      %add3A_742 = vector.broadcast %add3A_741 : i32 to vector<16xi32>
      %add3A_743 = arith.addi %broadcast_in_dim3A_3, %add3A_742 : vector<16xi32>
      %swap3A_744 = arith.constant 39 : i32
      %swap3A_745 = arith.index_cast %add3A_38 : i32 to index
      %swap3A_746 = arith.index_cast %swap3A_744 : i32 to index
      %swap3A_747 = arith.constant 0 : index
      %swap3A_748 = tpu.vector_load %arg8[%swap3A_745, %swap3A_746, %swap3A_747] {strides = array<i32>} : memref<39x128x16xi32, #tpu.memory_space<vmem>>, vector<1x1x16xi32>,
      %swap3A_749 = vector.shape_cast %swap3A_748 : vector<1x1x16xi32> to vector<16xi32>
      %swap3A_750 = vector.shape_cast %add3A_743 : vector<16xi32> to vector<1x1x16xi32>
      tpu.vector_store %arg8[%swap3A_745, %swap3A_746, %swap3A_747], %swap3A_750 {strides = array<i32>} : memref<39x128x16xi32, #tpu.memory_space<vmem>>, vector<1x1x16xi32>,
      %mul3A_751 = arith.constant 128 : i32
      %mul3A_752 = arith.muli %add3A_38, %mul3A_751 : i32
      %add3A_753 = arith.addi %mul3A_2, %mul3A_752 : i32
      %add3A_754 = arith.constant 40 : i32
      %add3A_755 = arith.addi %add3A_753, %add3A_754 : i32
      %add3A_756 = vector.broadcast %add3A_755 : i32 to vector<16xi32>
      %add3A_757 = arith.addi %broadcast_in_dim3A_3, %add3A_756 : vector<16xi32>
      %swap3A_758 = arith.constant 40 : i32
      %swap3A_759 = arith.index_cast %add3A_38 : i32 to index
      %swap3A_760 = arith.index_cast %swap3A_758 : i32 to index
      %swap3A_761 = arith.constant 0 : index
      %swap3A_762 = tpu.vector_load %arg8[%swap3A_759, %swap3A_760, %swap3A_761] {strides = array<i32>} : memref<39x128x16xi32, #tpu.memory_space<vmem>>, vector<1x1x16xi32>,
      %swap3A_763 = vector.shape_cast %swap3A_762 : vector<1x1x16xi32> to vector<16xi32>
      %swap3A_764 = vector.shape_cast %add3A_757 : vector<16xi32> to vector<1x1x16xi32>
      tpu.vector_store %arg8[%swap3A_759, %swap3A_760, %swap3A_761], %swap3A_764 {strides = array<i32>} : memref<39x128x16xi32, #tpu.memory_space<vmem>>, vector<1x1x16xi32>,
      %mul3A_765 = arith.constant 128 : i32
      %mul3A_766 = arith.muli %add3A_38, %mul3A_765 : i32
      %add3A_767 = arith.addi %mul3A_2, %mul3A_766 : i32
      %add3A_768 = arith.constant 41 : i32
      %add3A_769 = arith.addi %add3A_767, %add3A_768 : i32
      %add3A_770 = vector.broadcast %add3A_769 : i32 to vector<16xi32>
      %add3A_771 = arith.addi %broadcast_in_dim3A_3, %add3A_770 : vector<16xi32>
      %swap3A_772 = arith.constant 41 : i32
      %swap3A_773 = arith.index_cast %add3A_38 : i32 to index
      %swap3A_774 = arith.index_cast %swap3A_772 : i32 to index
      %swap3A_775 = arith.constant 0 : index
      %swap3A_776 = tpu.vector_load %arg8[%swap3A_773, %swap3A_774, %swap3A_775] {strides = array<i32>} : memref<39x128x16xi32, #tpu.memory_space<vmem>>, vector<1x1x16xi32>,
      %swap3A_777 = vector.shape_cast %swap3A_776 : vector<1x1x16xi32> to vector<16xi32>
      %swap3A_778 = vector.shape_cast %add3A_771 : vector<16xi32> to vector<1x1x16xi32>
      tpu.vector_store %arg8[%swap3A_773, %swap3A_774, %swap3A_775], %swap3A_778 {strides = array<i32>} : memref<39x128x16xi32, #tpu.memory_space<vmem>>, vector<1x1x16xi32>,
      %mul3A_779 = arith.constant 128 : i32
      %mul3A_780 = arith.muli %add3A_38, %mul3A_779 : i32
      %add3A_781 = arith.addi %mul3A_2, %mul3A_780 : i32
      %add3A_782 = arith.constant 42 : i32
      %add3A_783 = arith.addi %add3A_781, %add3A_782 : i32
      %add3A_784 = vector.broadcast %add3A_783 : i32 to vector<16xi32>
      %add3A_785 = arith.addi %broadcast_in_dim3A_3, %add3A_784 : vector<16xi32>
      %swap3A_786 = arith.constant 42 : i32
      %swap3A_787 = arith.index_cast %add3A_38 : i32 to index
      %swap3A_788 = arith.index_cast %swap3A_786 : i32 to index
      %swap3A_789 = arith.constant 0 : index
      %swap3A_790 = tpu.vector_load %arg8[%swap3A_787, %swap3A_788, %swap3A_789] {strides = array<i32>} : memref<39x128x16xi32, #tpu.memory_space<vmem>>, vector<1x1x16xi32>,
      %swap3A_791 = vector.shape_cast %swap3A_790 : vector<1x1x16xi32> to vector<16xi32>
      %swap3A_792 = vector.shape_cast %add3A_785 : vector<16xi32> to vector<1x1x16xi32>
      tpu.vector_store %arg8[%swap3A_787, %swap3A_788, %swap3A_789], %swap3A_792 {strides = array<i32>} : memref<39x128x16xi32, #tpu.memory_space<vmem>>, vector<1x1x16xi32>,
      %mul3A_793 = arith.constant 128 : i32
      %mul3A_794 = arith.muli %add3A_38, %mul3A_793 : i32
      %add3A_795 = arith.addi %mul3A_2, %mul3A_794 : i32
      %add3A_796 = arith.constant 43 : i32
      %add3A_797 = arith.addi %add3A_795, %add3A_796 : i32
      %add3A_798 = vector.broadcast %add3A_797 : i32 to vector<16xi32>
      %add3A_799 = arith.addi %broadcast_in_dim3A_3, %add3A_798 : vector<16xi32>
      %swap3A_800 = arith.constant 43 : i32
      %swap3A_801 = arith.index_cast %add3A_38 : i32 to index
      %swap3A_802 = arith.index_cast %swap3A_800 : i32 to index
      %swap3A_803 = arith.constant 0 : index
      %swap3A_804 = tpu.vector_load %arg8[%swap3A_801, %swap3A_802, %swap3A_803] {strides = array<i32>} : memref<39x128x16xi32, #tpu.memory_space<vmem>>, vector<1x1x16xi32>,
      %swap3A_805 = vector.shape_cast %swap3A_804 : vector<1x1x16xi32> to vector<16xi32>
      %swap3A_806 = vector.shape_cast %add3A_799 : vector<16xi32> to vector<1x1x16xi32>
      tpu.vector_store %arg8[%swap3A_801, %swap3A_802, %swap3A_803], %swap3A_806 {strides = array<i32>} : memref<39x128x16xi32, #tpu.memory_space<vmem>>, vector<1x1x16xi32>,
      %mul3A_807 = arith.constant 128 : i32
      %mul3A_808 = arith.muli %add3A_38, %mul3A_807 : i32
      %add3A_809 = arith.addi %mul3A_2, %mul3A_808 : i32
      %add3A_810 = arith.constant 44 : i32
      %add3A_811 = arith.addi %add3A_809, %add3A_810 : i32
      %add3A_812 = vector.broadcast %add3A_811 : i32 to vector<16xi32>
      %add3A_813 = arith.addi %broadcast_in_dim3A_3, %add3A_812 : vector<16xi32>
      %swap3A_814 = arith.constant 44 : i32
      %swap3A_815 = arith.index_cast %add3A_38 : i32 to index
      %swap3A_816 = arith.index_cast %swap3A_814 : i32 to index
      %swap3A_817 = arith.constant 0 : index
      %swap3A_818 = tpu.vector_load %arg8[%swap3A_815, %swap3A_816, %swap3A_817] {strides = array<i32>} : memref<39x128x16xi32, #tpu.memory_space<vmem>>, vector<1x1x16xi32>,
      %swap3A_819 = vector.shape_cast %swap3A_818 : vector<1x1x16xi32> to vector<16xi32>
      %swap3A_820 = vector.shape_cast %add3A_813 : vector<16xi32> to vector<1x1x16xi32>
      tpu.vector_store %arg8[%swap3A_815, %swap3A_816, %swap3A_817], %swap3A_820 {strides = array<i32>} : memref<39x128x16xi32, #tpu.memory_space<vmem>>, vector<1x1x16xi32>,
      %mul3A_821 = arith.constant 128 : i32
      %mul3A_822 = arith.muli %add3A_38, %mul3A_821 : i32
      %add3A_823 = arith.addi %mul3A_2, %mul3A_822 : i32
      %add3A_824 = arith.constant 45 : i32
      %add3A_825 = arith.addi %add3A_823, %add3A_824 : i32
      %add3A_826 = vector.broadcast %add3A_825 : i32 to vector<16xi32>
      %add3A_827 = arith.addi %broadcast_in_dim3A_3, %add3A_826 : vector<16xi32>
      %swap3A_828 = arith.constant 45 : i32
      %swap3A_829 = arith.index_cast %add3A_38 : i32 to index
      %swap3A_830 = arith.index_cast %swap3A_828 : i32 to index
      %swap3A_831 = arith.constant 0 : index
      %swap3A_832 = tpu.vector_load %arg8[%swap3A_829, %swap3A_830, %swap3A_831] {strides = array<i32>} : memref<39x128x16xi32, #tpu.memory_space<vmem>>, vector<1x1x16xi32>,
      %swap3A_833 = vector.shape_cast %swap3A_832 : vector<1x1x16xi32> to vector<16xi32>
      %swap3A_834 = vector.shape_cast %add3A_827 : vector<16xi32> to vector<1x1x16xi32>
      tpu.vector_store %arg8[%swap3A_829, %swap3A_830, %swap3A_831], %swap3A_834 {strides = array<i32>} : memref<39x128x16xi32, #tpu.memory_space<vmem>>, vector<1x1x16xi32>,
      %mul3A_835 = arith.constant 128 : i32
      %mul3A_836 = arith.muli %add3A_38, %mul3A_835 : i32
      %add3A_837 = arith.addi %mul3A_2, %mul3A_836 : i32
      %add3A_838 = arith.constant 46 : i32
      %add3A_839 = arith.addi %add3A_837, %add3A_838 : i32
      %add3A_840 = vector.broadcast %add3A_839 : i32 to vector<16xi32>
      %add3A_841 = arith.addi %broadcast_in_dim3A_3, %add3A_840 : vector<16xi32>
      %swap3A_842 = arith.constant 46 : i32
      %swap3A_843 = arith.index_cast %add3A_38 : i32 to index
      %swap3A_844 = arith.index_cast %swap3A_842 : i32 to index
      %swap3A_845 = arith.constant 0 : index
      %swap3A_846 = tpu.vector_load %arg8[%swap3A_843, %swap3A_844, %swap3A_845] {strides = array<i32>} : memref<39x128x16xi32, #tpu.memory_space<vmem>>, vector<1x1x16xi32>,
      %swap3A_847 = vector.shape_cast %swap3A_846 : vector<1x1x16xi32> to vector<16xi32>
      %swap3A_848 = vector.shape_cast %add3A_841 : vector<16xi32> to vector<1x1x16xi32>
      tpu.vector_store %arg8[%swap3A_843, %swap3A_844, %swap3A_845], %swap3A_848 {strides = array<i32>} : memref<39x128x16xi32, #tpu.memory_space<vmem>>, vector<1x1x16xi32>,
      %mul3A_849 = arith.constant 128 : i32
      %mul3A_850 = arith.muli %add3A_38, %mul3A_849 : i32
      %add3A_851 = arith.addi %mul3A_2, %mul3A_850 : i32
      %add3A_852 = arith.constant 47 : i32
      %add3A_853 = arith.addi %add3A_851, %add3A_852 : i32
      %add3A_854 = vector.broadcast %add3A_853 : i32 to vector<16xi32>
      %add3A_855 = arith.addi %broadcast_in_dim3A_3, %add3A_854 : vector<16xi32>
      %swap3A_856 = arith.constant 47 : i32
      %swap3A_857 = arith.index_cast %add3A_38 : i32 to index
      %swap3A_858 = arith.index_cast %swap3A_856 : i32 to index
      %swap3A_859 = arith.constant 0 : index
      %swap3A_860 = tpu.vector_load %arg8[%swap3A_857, %swap3A_858, %swap3A_859] {strides = array<i32>} : memref<39x128x16xi32, #tpu.memory_space<vmem>>, vector<1x1x16xi32>,
      %swap3A_861 = vector.shape_cast %swap3A_860 : vector<1x1x16xi32> to vector<16xi32>
      %swap3A_862 = vector.shape_cast %add3A_855 : vector<16xi32> to vector<1x1x16xi32>
      tpu.vector_store %arg8[%swap3A_857, %swap3A_858, %swap3A_859], %swap3A_862 {strides = array<i32>} : memref<39x128x16xi32, #tpu.memory_space<vmem>>, vector<1x1x16xi32>,
      %mul3A_863 = arith.constant 128 : i32
      %mul3A_864 = arith.muli %add3A_38, %mul3A_863 : i32
      %add3A_865 = arith.addi %mul3A_2, %mul3A_864 : i32
      %add3A_866 = arith.constant 48 : i32
      %add3A_867 = arith.addi %add3A_865, %add3A_866 : i32
      %add3A_868 = vector.broadcast %add3A_867 : i32 to vector<16xi32>
      %add3A_869 = arith.addi %broadcast_in_dim3A_3, %add3A_868 : vector<16xi32>
      %swap3A_870 = arith.constant 48 : i32
      %swap3A_871 = arith.index_cast %add3A_38 : i32 to index
      %swap3A_872 = arith.index_cast %swap3A_870 : i32 to index
      %swap3A_873 = arith.constant 0 : index
      %swap3A_874 = tpu.vector_load %arg8[%swap3A_871, %swap3A_872, %swap3A_873] {strides = array<i32>} : memref<39x128x16xi32, #tpu.memory_space<vmem>>, vector<1x1x16xi32>,
      %swap3A_875 = vector.shape_cast %swap3A_874 : vector<1x1x16xi32> to vector<16xi32>
      %swap3A_876 = vector.shape_cast %add3A_869 : vector<16xi32> to vector<1x1x16xi32>
      tpu.vector_store %arg8[%swap3A_871, %swap3A_872, %swap3A_873], %swap3A_876 {strides = array<i32>} : memref<39x128x16xi32, #tpu.memory_space<vmem>>, vector<1x1x16xi32>,
      %mul3A_877 = arith.constant 128 : i32
      %mul3A_878 = arith.muli %add3A_38, %mul3A_877 : i32
      %add3A_879 = arith.addi %mul3A_2, %mul3A_878 : i32
      %add3A_880 = arith.constant 49 : i32
      %add3A_881 = arith.addi %add3A_879, %add3A_880 : i32
      %add3A_882 = vector.broadcast %add3A_881 : i32 to vector<16xi32>
      %add3A_883 = arith.addi %broadcast_in_dim3A_3, %add3A_882 : vector<16xi32>
      %swap3A_884 = arith.constant 49 : i32
      %swap3A_885 = arith.index_cast %add3A_38 : i32 to index
      %swap3A_886 = arith.index_cast %swap3A_884 : i32 to index
      %swap3A_887 = arith.constant 0 : index
      %swap3A_888 = tpu.vector_load %arg8[%swap3A_885, %swap3A_886, %swap3A_887] {strides = array<i32>} : memref<39x128x16xi32, #tpu.memory_space<vmem>>, vector<1x1x16xi32>,
      %swap3A_889 = vector.shape_cast %swap3A_888 : vector<1x1x16xi32> to vector<16xi32>
      %swap3A_890 = vector.shape_cast %add3A_883 : vector<16xi32> to vector<1x1x16xi32>
      tpu.vector_store %arg8[%swap3A_885, %swap3A_886, %swap3A_887], %swap3A_890 {strides = array<i32>} : memref<39x128x16xi32, #tpu.memory_space<vmem>>, vector<1x1x16xi32>,
      %mul3A_891 = arith.constant 128 : i32
      %mul3A_892 = arith.muli %add3A_38, %mul3A_891 : i32
      %add3A_893 = arith.addi %mul3A_2, %mul3A_892 : i32
      %add3A_894 = arith.constant 50 : i32
      %add3A_895 = arith.addi %add3A_893, %add3A_894 : i32
      %add3A_896 = vector.broadcast %add3A_895 : i32 to vector<16xi32>
      %add3A_897 = arith.addi %broadcast_in_dim3A_3, %add3A_896 : vector<16xi32>
      %swap3A_898 = arith.constant 50 : i32
      %swap3A_899 = arith.index_cast %add3A_38 : i32 to index
      %swap3A_900 = arith.index_cast %swap3A_898 : i32 to index
      %swap3A_901 = arith.constant 0 : index
      %swap3A_902 = tpu.vector_load %arg8[%swap3A_899, %swap3A_900, %swap3A_901] {strides = array<i32>} : memref<39x128x16xi32, #tpu.memory_space<vmem>>, vector<1x1x16xi32>,
      %swap3A_903 = vector.shape_cast %swap3A_902 : vector<1x1x16xi32> to vector<16xi32>
      %swap3A_904 = vector.shape_cast %add3A_897 : vector<16xi32> to vector<1x1x16xi32>
      tpu.vector_store %arg8[%swap3A_899, %swap3A_900, %swap3A_901], %swap3A_904 {strides = array<i32>} : memref<39x128x16xi32, #tpu.memory_space<vmem>>, vector<1x1x16xi32>,
      %mul3A_905 = arith.constant 128 : i32
      %mul3A_906 = arith.muli %add3A_38, %mul3A_905 : i32
      %add3A_907 = arith.addi %mul3A_2, %mul3A_906 : i32
      %add3A_908 = arith.constant 51 : i32
      %add3A_909 = arith.addi %add3A_907, %add3A_908 : i32
      %add3A_910 = vector.broadcast %add3A_909 : i32 to vector<16xi32>
      %add3A_911 = arith.addi %broadcast_in_dim3A_3, %add3A_910 : vector<16xi32>
      %swap3A_912 = arith.constant 51 : i32
      %swap3A_913 = arith.index_cast %add3A_38 : i32 to index
      %swap3A_914 = arith.index_cast %swap3A_912 : i32 to index
      %swap3A_915 = arith.constant 0 : index
      %swap3A_916 = tpu.vector_load %arg8[%swap3A_913, %swap3A_914, %swap3A_915] {strides = array<i32>} : memref<39x128x16xi32, #tpu.memory_space<vmem>>, vector<1x1x16xi32>,
      %swap3A_917 = vector.shape_cast %swap3A_916 : vector<1x1x16xi32> to vector<16xi32>
      %swap3A_918 = vector.shape_cast %add3A_911 : vector<16xi32> to vector<1x1x16xi32>
      tpu.vector_store %arg8[%swap3A_913, %swap3A_914, %swap3A_915], %swap3A_918 {strides = array<i32>} : memref<39x128x16xi32, #tpu.memory_space<vmem>>, vector<1x1x16xi32>,
      %mul3A_919 = arith.constant 128 : i32
      %mul3A_920 = arith.muli %add3A_38, %mul3A_919 : i32
      %add3A_921 = arith.addi %mul3A_2, %mul3A_920 : i32
      %add3A_922 = arith.constant 52 : i32
      %add3A_923 = arith.addi %add3A_921, %add3A_922 : i32
      %add3A_924 = vector.broadcast %add3A_923 : i32 to vector<16xi32>
      %add3A_925 = arith.addi %broadcast_in_dim3A_3, %add3A_924 : vector<16xi32>
      %swap3A_926 = arith.constant 52 : i32
      %swap3A_927 = arith.index_cast %add3A_38 : i32 to index
      %swap3A_928 = arith.index_cast %swap3A_926 : i32 to index
      %swap3A_929 = arith.constant 0 : index
      %swap3A_930 = tpu.vector_load %arg8[%swap3A_927, %swap3A_928, %swap3A_929] {strides = array<i32>} : memref<39x128x16xi32, #tpu.memory_space<vmem>>, vector<1x1x16xi32>,
      %swap3A_931 = vector.shape_cast %swap3A_930 : vector<1x1x16xi32> to vector<16xi32>
      %swap3A_932 = vector.shape_cast %add3A_925 : vector<16xi32> to vector<1x1x16xi32>
      tpu.vector_store %arg8[%swap3A_927, %swap3A_928, %swap3A_929], %swap3A_932 {strides = array<i32>} : memref<39x128x16xi32, #tpu.memory_space<vmem>>, vector<1x1x16xi32>,
      %mul3A_933 = arith.constant 128 : i32
      %mul3A_934 = arith.muli %add3A_38, %mul3A_933 : i32
      %add3A_935 = arith.addi %mul3A_2, %mul3A_934 : i32
      %add3A_936 = arith.constant 53 : i32
      %add3A_937 = arith.addi %add3A_935, %add3A_936 : i32
      %add3A_938 = vector.broadcast %add3A_937 : i32 to vector<16xi32>
      %add3A_939 = arith.addi %broadcast_in_dim3A_3, %add3A_938 : vector<16xi32>
      %swap3A_940 = arith.constant 53 : i32
      %swap3A_941 = arith.index_cast %add3A_38 : i32 to index
      %swap3A_942 = arith.index_cast %swap3A_940 : i32 to index
      %swap3A_943 = arith.constant 0 : index
      %swap3A_944 = tpu.vector_load %arg8[%swap3A_941, %swap3A_942, %swap3A_943] {strides = array<i32>} : memref<39x128x16xi32, #tpu.memory_space<vmem>>, vector<1x1x16xi32>,
      %swap3A_945 = vector.shape_cast %swap3A_944 : vector<1x1x16xi32> to vector<16xi32>
      %swap3A_946 = vector.shape_cast %add3A_939 : vector<16xi32> to vector<1x1x16xi32>
      tpu.vector_store %arg8[%swap3A_941, %swap3A_942, %swap3A_943], %swap3A_946 {strides = array<i32>} : memref<39x128x16xi32, #tpu.memory_space<vmem>>, vector<1x1x16xi32>,
      %mul3A_947 = arith.constant 128 : i32
      %mul3A_948 = arith.muli %add3A_38, %mul3A_947 : i32
      %add3A_949 = arith.addi %mul3A_2, %mul3A_948 : i32
      %add3A_950 = arith.constant 54 : i32
      %add3A_951 = arith.addi %add3A_949, %add3A_950 : i32
      %add3A_952 = vector.broadcast %add3A_951 : i32 to vector<16xi32>
      %add3A_953 = arith.addi %broadcast_in_dim3A_3, %add3A_952 : vector<16xi32>
      %swap3A_954 = arith.constant 54 : i32
      %swap3A_955 = arith.index_cast %add3A_38 : i32 to index
      %swap3A_956 = arith.index_cast %swap3A_954 : i32 to index
      %swap3A_957 = arith.constant 0 : index
      %swap3A_958 = tpu.vector_load %arg8[%swap3A_955, %swap3A_956, %swap3A_957] {strides = array<i32>} : memref<39x128x16xi32, #tpu.memory_space<vmem>>, vector<1x1x16xi32>,
      %swap3A_959 = vector.shape_cast %swap3A_958 : vector<1x1x16xi32> to vector<16xi32>
      %swap3A_960 = vector.shape_cast %add3A_953 : vector<16xi32> to vector<1x1x16xi32>
      tpu.vector_store %arg8[%swap3A_955, %swap3A_956, %swap3A_957], %swap3A_960 {strides = array<i32>} : memref<39x128x16xi32, #tpu.memory_space<vmem>>, vector<1x1x16xi32>,
      %mul3A_961 = arith.constant 128 : i32
      %mul3A_962 = arith.muli %add3A_38, %mul3A_961 : i32
      %add3A_963 = arith.addi %mul3A_2, %mul3A_962 : i32
      %add3A_964 = arith.constant 55 : i32
      %add3A_965 = arith.addi %add3A_963, %add3A_964 : i32
      %add3A_966 = vector.broadcast %add3A_965 : i32 to vector<16xi32>
      %add3A_967 = arith.addi %broadcast_in_dim3A_3, %add3A_966 : vector<16xi32>
      %swap3A_968 = arith.constant 55 : i32
      %swap3A_969 = arith.index_cast %add3A_38 : i32 to index
      %swap3A_970 = arith.index_cast %swap3A_968 : i32 to index
      %swap3A_971 = arith.constant 0 : index
      %swap3A_972 = tpu.vector_load %arg8[%swap3A_969, %swap3A_970, %swap3A_971] {strides = array<i32>} : memref<39x128x16xi32, #tpu.memory_space<vmem>>, vector<1x1x16xi32>,
      %swap3A_973 = vector.shape_cast %swap3A_972 : vector<1x1x16xi32> to vector<16xi32>
      %swap3A_974 = vector.shape_cast %add3A_967 : vector<16xi32> to vector<1x1x16xi32>
      tpu.vector_store %arg8[%swap3A_969, %swap3A_970, %swap3A_971], %swap3A_974 {strides = array<i32>} : memref<39x128x16xi32, #tpu.memory_space<vmem>>, vector<1x1x16xi32>,
      %mul3A_975 = arith.constant 128 : i32
      %mul3A_976 = arith.muli %add3A_38, %mul3A_975 : i32
      %add3A_977 = arith.addi %mul3A_2, %mul3A_976 : i32
      %add3A_978 = arith.constant 56 : i32
      %add3A_979 = arith.addi %add3A_977, %add3A_978 : i32
      %add3A_980 = vector.broadcast %add3A_979 : i32 to vector<16xi32>
      %add3A_981 = arith.addi %broadcast_in_dim3A_3, %add3A_980 : vector<16xi32>
      %swap3A_982 = arith.constant 56 : i32
      %swap3A_983 = arith.index_cast %add3A_38 : i32 to index
      %swap3A_984 = arith.index_cast %swap3A_982 : i32 to index
      %swap3A_985 = arith.constant 0 : index
      %swap3A_986 = tpu.vector_load %arg8[%swap3A_983, %swap3A_984, %swap3A_985] {strides = array<i32>} : memref<39x128x16xi32, #tpu.memory_space<vmem>>, vector<1x1x16xi32>,
      %swap3A_987 = vector.shape_cast %swap3A_986 : vector<1x1x16xi32> to vector<16xi32>
      %swap3A_988 = vector.shape_cast %add3A_981 : vector<16xi32> to vector<1x1x16xi32>
      tpu.vector_store %arg8[%swap3A_983, %swap3A_984, %swap3A_985], %swap3A_988 {strides = array<i32>} : memref<39x128x16xi32, #tpu.memory_space<vmem>>, vector<1x1x16xi32>,
      %mul3A_989 = arith.constant 128 : i32
      %mul3A_990 = arith.muli %add3A_38, %mul3A_989 : i32
      %add3A_991 = arith.addi %mul3A_2, %mul3A_990 : i32
      %add3A_992 = arith.constant 57 : i32
      %add3A_993 = arith.addi %add3A_991, %add3A_992 : i32
      %add3A_994 = vector.broadcast %add3A_993 : i32 to vector<16xi32>
      %add3A_995 = arith.addi %broadcast_in_dim3A_3, %add3A_994 : vector<16xi32>
      %swap3A_996 = arith.constant 57 : i32
      %swap3A_997 = arith.index_cast %add3A_38 : i32 to index
      %swap3A_998 = arith.index_cast %swap3A_996 : i32 to index
      %swap3A_999 = arith.constant 0 : index
      %swap3A_1000 = tpu.vector_load %arg8[%swap3A_997, %swap3A_998, %swap3A_999] {strides = array<i32>} : memref<39x128x16xi32, #tpu.memory_space<vmem>>, vector<1x1x16xi32>,
      %swap3A_1001 = vector.shape_cast %swap3A_1000 : vector<1x1x16xi32> to vector<16xi32>
      %swap3A_1002 = vector.shape_cast %add3A_995 : vector<16xi32> to vector<1x1x16xi32>
      tpu.vector_store %arg8[%swap3A_997, %swap3A_998, %swap3A_999], %swap3A_1002 {strides = array<i32>} : memref<39x128x16xi32, #tpu.memory_space<vmem>>, vector<1x1x16xi32>,
      %mul3A_1003 = arith.constant 128 : i32
      %mul3A_1004 = arith.muli %add3A_38, %mul3A_1003 : i32
      %add3A_1005 = arith.addi %mul3A_2, %mul3A_1004 : i32
      %add3A_1006 = arith.constant 58 : i32
      %add3A_1007 = arith.addi %add3A_1005, %add3A_1006 : i32
      %add3A_1008 = vector.broadcast %add3A_1007 : i32 to vector<16xi32>
      %add3A_1009 = arith.addi %broadcast_in_dim3A_3, %add3A_1008 : vector<16xi32>
      %swap3A_1010 = arith.constant 58 : i32
      %swap3A_1011 = arith.index_cast %add3A_38 : i32 to index
      %swap3A_1012 = arith.index_cast %swap3A_1010 : i32 to index
      %swap3A_1013 = arith.constant 0 : index
      %swap3A_1014 = tpu.vector_load %arg8[%swap3A_1011, %swap3A_1012, %swap3A_1013] {strides = array<i32>} : memref<39x128x16xi32, #tpu.memory_space<vmem>>, vector<1x1x16xi32>,
      %swap3A_1015 = vector.shape_cast %swap3A_1014 : vector<1x1x16xi32> to vector<16xi32>
      %swap3A_1016 = vector.shape_cast %add3A_1009 : vector<16xi32> to vector<1x1x16xi32>
      tpu.vector_store %arg8[%swap3A_1011, %swap3A_1012, %swap3A_1013], %swap3A_1016 {strides = array<i32>} : memref<39x128x16xi32, #tpu.memory_space<vmem>>, vector<1x1x16xi32>,
      %mul3A_1017 = arith.constant 128 : i32
      %mul3A_1018 = arith.muli %add3A_38, %mul3A_1017 : i32
      %add3A_1019 = arith.addi %mul3A_2, %mul3A_1018 : i32
      %add3A_1020 = arith.constant 59 : i32
      %add3A_1021 = arith.addi %add3A_1019, %add3A_1020 : i32
      %add3A_1022 = vector.broadcast %add3A_1021 : i32 to vector<16xi32>
      %add3A_1023 = arith.addi %broadcast_in_dim3A_3, %add3A_1022 : vector<16xi32>
      %swap3A_1024 = arith.constant 59 : i32
      %swap3A_1025 = arith.index_cast %add3A_38 : i32 to index
      %swap3A_1026 = arith.index_cast %swap3A_1024 : i32 to index
      %swap3A_1027 = arith.constant 0 : index
      %swap3A_1028 = tpu.vector_load %arg8[%swap3A_1025, %swap3A_1026, %swap3A_1027] {strides = array<i32>} : memref<39x128x16xi32, #tpu.memory_space<vmem>>, vector<1x1x16xi32>,
      %swap3A_1029 = vector.shape_cast %swap3A_1028 : vector<1x1x16xi32> to vector<16xi32>
      %swap3A_1030 = vector.shape_cast %add3A_1023 : vector<16xi32> to vector<1x1x16xi32>
      tpu.vector_store %arg8[%swap3A_1025, %swap3A_1026, %swap3A_1027], %swap3A_1030 {strides = array<i32>} : memref<39x128x16xi32, #tpu.memory_space<vmem>>, vector<1x1x16xi32>,
      %mul3A_1031 = arith.constant 128 : i32
      %mul3A_1032 = arith.muli %add3A_38, %mul3A_1031 : i32
      %add3A_1033 = arith.addi %mul3A_2, %mul3A_1032 : i32
      %add3A_1034 = arith.constant 60 : i32
      %add3A_1035 = arith.addi %add3A_1033, %add3A_1034 : i32
      %add3A_1036 = vector.broadcast %add3A_1035 : i32 to vector<16xi32>
      %add3A_1037 = arith.addi %broadcast_in_dim3A_3, %add3A_1036 : vector<16xi32>
      %swap3A_1038 = arith.constant 60 : i32
      %swap3A_1039 = arith.index_cast %add3A_38 : i32 to index
      %swap3A_1040 = arith.index_cast %swap3A_1038 : i32 to index
      %swap3A_1041 = arith.constant 0 : index
      %swap3A_1042 = tpu.vector_load %arg8[%swap3A_1039, %swap3A_1040, %swap3A_1041] {strides = array<i32>} : memref<39x128x16xi32, #tpu.memory_space<vmem>>, vector<1x1x16xi32>,
      %swap3A_1043 = vector.shape_cast %swap3A_1042 : vector<1x1x16xi32> to vector<16xi32>
      %swap3A_1044 = vector.shape_cast %add3A_1037 : vector<16xi32> to vector<1x1x16xi32>
      tpu.vector_store %arg8[%swap3A_1039, %swap3A_1040, %swap3A_1041], %swap3A_1044 {strides = array<i32>} : memref<39x128x16xi32, #tpu.memory_space<vmem>>, vector<1x1x16xi32>,
      %mul3A_1045 = arith.constant 128 : i32
      %mul3A_1046 = arith.muli %add3A_38, %mul3A_1045 : i32
      %add3A_1047 = arith.addi %mul3A_2, %mul3A_1046 : i32
      %add3A_1048 = arith.constant 61 : i32
      %add3A_1049 = arith.addi %add3A_1047, %add3A_1048 : i32
      %add3A_1050 = vector.broadcast %add3A_1049 : i32 to vector<16xi32>
      %add3A_1051 = arith.addi %broadcast_in_dim3A_3, %add3A_1050 : vector<16xi32>
      %swap3A_1052 = arith.constant 61 : i32
      %swap3A_1053 = arith.index_cast %add3A_38 : i32 to index
      %swap3A_1054 = arith.index_cast %swap3A_1052 : i32 to index
      %swap3A_1055 = arith.constant 0 : index
      %swap3A_1056 = tpu.vector_load %arg8[%swap3A_1053, %swap3A_1054, %swap3A_1055] {strides = array<i32>} : memref<39x128x16xi32, #tpu.memory_space<vmem>>, vector<1x1x16xi32>,
      %swap3A_1057 = vector.shape_cast %swap3A_1056 : vector<1x1x16xi32> to vector<16xi32>
      %swap3A_1058 = vector.shape_cast %add3A_1051 : vector<16xi32> to vector<1x1x16xi32>
      tpu.vector_store %arg8[%swap3A_1053, %swap3A_1054, %swap3A_1055], %swap3A_1058 {strides = array<i32>} : memref<39x128x16xi32, #tpu.memory_space<vmem>>, vector<1x1x16xi32>,
      %mul3A_1059 = arith.constant 128 : i32
      %mul3A_1060 = arith.muli %add3A_38, %mul3A_1059 : i32
      %add3A_1061 = arith.addi %mul3A_2, %mul3A_1060 : i32
      %add3A_1062 = arith.constant 62 : i32
      %add3A_1063 = arith.addi %add3A_1061, %add3A_1062 : i32
      %add3A_1064 = vector.broadcast %add3A_1063 : i32 to vector<16xi32>
      %add3A_1065 = arith.addi %broadcast_in_dim3A_3, %add3A_1064 : vector<16xi32>
      %swap3A_1066 = arith.constant 62 : i32
      %swap3A_1067 = arith.index_cast %add3A_38 : i32 to index
      %swap3A_1068 = arith.index_cast %swap3A_1066 : i32 to index
      %swap3A_1069 = arith.constant 0 : index
      %swap3A_1070 = tpu.vector_load %arg8[%swap3A_1067, %swap3A_1068, %swap3A_1069] {strides = array<i32>} : memref<39x128x16xi32, #tpu.memory_space<vmem>>, vector<1x1x16xi32>,
      %swap3A_1071 = vector.shape_cast %swap3A_1070 : vector<1x1x16xi32> to vector<16xi32>
      %swap3A_1072 = vector.shape_cast %add3A_1065 : vector<16xi32> to vector<1x1x16xi32>
      tpu.vector_store %arg8[%swap3A_1067, %swap3A_1068, %swap3A_1069], %swap3A_1072 {strides = array<i32>} : memref<39x128x16xi32, #tpu.memory_space<vmem>>, vector<1x1x16xi32>,
      %mul3A_1073 = arith.constant 128 : i32
      %mul3A_1074 = arith.muli %add3A_38, %mul3A_1073 : i32
      %add3A_1075 = arith.addi %mul3A_2, %mul3A_1074 : i32
      %add3A_1076 = arith.constant 63 : i32
      %add3A_1077 = arith.addi %add3A_1075, %add3A_1076 : i32
      %add3A_1078 = vector.broadcast %add3A_1077 : i32 to vector<16xi32>
      %add3A_1079 = arith.addi %broadcast_in_dim3A_3, %add3A_1078 : vector<16xi32>
      %swap3A_1080 = arith.constant 63 : i32
      %swap3A_1081 = arith.index_cast %add3A_38 : i32 to index
      %swap3A_1082 = arith.index_cast %swap3A_1080 : i32 to index
      %swap3A_1083 = arith.constant 0 : index
      %swap3A_1084 = tpu.vector_load %arg8[%swap3A_1081, %swap3A_1082, %swap3A_1083] {strides = array<i32>} : memref<39x128x16xi32, #tpu.memory_space<vmem>>, vector<1x1x16xi32>,
      %swap3A_1085 = vector.shape_cast %swap3A_1084 : vector<1x1x16xi32> to vector<16xi32>
      %swap3A_1086 = vector.shape_cast %add3A_1079 : vector<16xi32> to vector<1x1x16xi32>
      tpu.vector_store %arg8[%swap3A_1081, %swap3A_1082, %swap3A_1083], %swap3A_1086 {strides = array<i32>} : memref<39x128x16xi32, #tpu.memory_space<vmem>>, vector<1x1x16xi32>,
      %mul3A_1087 = arith.constant 128 : i32
      %mul3A_1088 = arith.muli %add3A_38, %mul3A_1087 : i32
      %add3A_1089 = arith.addi %mul3A_2, %mul3A_1088 : i32
      %add3A_1090 = arith.constant 64 : i32
      %add3A_1091 = arith.addi %add3A_1089, %add3A_1090 : i32
      %add3A_1092 = vector.broadcast %add3A_1091 : i32 to vector<16xi32>
      %add3A_1093 = arith.addi %broadcast_in_dim3A_3, %add3A_1092 : vector<16xi32>
      %swap3A_1094 = arith.constant 64 : i32
      %swap3A_1095 = arith.index_cast %add3A_38 : i32 to index
      %swap3A_1096 = arith.index_cast %swap3A_1094 : i32 to index
      %swap3A_1097 = arith.constant 0 : index
      %swap3A_1098 = tpu.vector_load %arg8[%swap3A_1095, %swap3A_1096, %swap3A_1097] {strides = array<i32>} : memref<39x128x16xi32, #tpu.memory_space<vmem>>, vector<1x1x16xi32>,
      %swap3A_1099 = vector.shape_cast %swap3A_1098 : vector<1x1x16xi32> to vector<16xi32>
      %swap3A_1100 = vector.shape_cast %add3A_1093 : vector<16xi32> to vector<1x1x16xi32>
      tpu.vector_store %arg8[%swap3A_1095, %swap3A_1096, %swap3A_1097], %swap3A_1100 {strides = array<i32>} : memref<39x128x16xi32, #tpu.memory_space<vmem>>, vector<1x1x16xi32>,
      %mul3A_1101 = arith.constant 128 : i32
      %mul3A_1102 = arith.muli %add3A_38, %mul3A_1101 : i32
      %add3A_1103 = arith.addi %mul3A_2, %mul3A_1102 : i32
      %add3A_1104 = arith.constant 65 : i32
      %add3A_1105 = arith.addi %add3A_1103, %add3A_1104 : i32
      %add3A_1106 = vector.broadcast %add3A_1105 : i32 to vector<16xi32>
      %add3A_1107 = arith.addi %broadcast_in_dim3A_3, %add3A_1106 : vector<16xi32>
      %swap3A_1108 = arith.constant 65 : i32
      %swap3A_1109 = arith.index_cast %add3A_38 : i32 to index
      %swap3A_1110 = arith.index_cast %swap3A_1108 : i32 to index
      %swap3A_1111 = arith.constant 0 : index
      %swap3A_1112 = tpu.vector_load %arg8[%swap3A_1109, %swap3A_1110, %swap3A_1111] {strides = array<i32>} : memref<39x128x16xi32, #tpu.memory_space<vmem>>, vector<1x1x16xi32>,
      %swap3A_1113 = vector.shape_cast %swap3A_1112 : vector<1x1x16xi32> to vector<16xi32>
      %swap3A_1114 = vector.shape_cast %add3A_1107 : vector<16xi32> to vector<1x1x16xi32>
      tpu.vector_store %arg8[%swap3A_1109, %swap3A_1110, %swap3A_1111], %swap3A_1114 {strides = array<i32>} : memref<39x128x16xi32, #tpu.memory_space<vmem>>, vector<1x1x16xi32>,
      %mul3A_1115 = arith.constant 128 : i32
      %mul3A_1116 = arith.muli %add3A_38, %mul3A_1115 : i32
      %add3A_1117 = arith.addi %mul3A_2, %mul3A_1116 : i32
      %add3A_1118 = arith.constant 66 : i32
      %add3A_1119 = arith.addi %add3A_1117, %add3A_1118 : i32
      %add3A_1120 = vector.broadcast %add3A_1119 : i32 to vector<16xi32>
      %add3A_1121 = arith.addi %broadcast_in_dim3A_3, %add3A_1120 : vector<16xi32>
      %swap3A_1122 = arith.constant 66 : i32
      %swap3A_1123 = arith.index_cast %add3A_38 : i32 to index
      %swap3A_1124 = arith.index_cast %swap3A_1122 : i32 to index
      %swap3A_1125 = arith.constant 0 : index
      %swap3A_1126 = tpu.vector_load %arg8[%swap3A_1123, %swap3A_1124, %swap3A_1125] {strides = array<i32>} : memref<39x128x16xi32, #tpu.memory_space<vmem>>, vector<1x1x16xi32>,
      %swap3A_1127 = vector.shape_cast %swap3A_1126 : vector<1x1x16xi32> to vector<16xi32>
      %swap3A_1128 = vector.shape_cast %add3A_1121 : vector<16xi32> to vector<1x1x16xi32>
      tpu.vector_store %arg8[%swap3A_1123, %swap3A_1124, %swap3A_1125], %swap3A_1128 {strides = array<i32>} : memref<39x128x16xi32, #tpu.memory_space<vmem>>, vector<1x1x16xi32>,
      %mul3A_1129 = arith.constant 128 : i32
      %mul3A_1130 = arith.muli %add3A_38, %mul3A_1129 : i32
      %add3A_1131 = arith.addi %mul3A_2, %mul3A_1130 : i32
      %add3A_1132 = arith.constant 67 : i32
      %add3A_1133 = arith.addi %add3A_1131, %add3A_1132 : i32
      %add3A_1134 = vector.broadcast %add3A_1133 : i32 to vector<16xi32>
      %add3A_1135 = arith.addi %broadcast_in_dim3A_3, %add3A_1134 : vector<16xi32>
      %swap3A_1136 = arith.constant 67 : i32
      %swap3A_1137 = arith.index_cast %add3A_38 : i32 to index
      %swap3A_1138 = arith.index_cast %swap3A_1136 : i32 to index
      %swap3A_1139 = arith.constant 0 : index
      %swap3A_1140 = tpu.vector_load %arg8[%swap3A_1137, %swap3A_1138, %swap3A_1139] {strides = array<i32>} : memref<39x128x16xi32, #tpu.memory_space<vmem>>, vector<1x1x16xi32>,
      %swap3A_1141 = vector.shape_cast %swap3A_1140 : vector<1x1x16xi32> to vector<16xi32>
      %swap3A_1142 = vector.shape_cast %add3A_1135 : vector<16xi32> to vector<1x1x16xi32>
      tpu.vector_store %arg8[%swap3A_1137, %swap3A_1138, %swap3A_1139], %swap3A_1142 {strides = array<i32>} : memref<39x128x16xi32, #tpu.memory_space<vmem>>, vector<1x1x16xi32>,
      %mul3A_1143 = arith.constant 128 : i32
      %mul3A_1144 = arith.muli %add3A_38, %mul3A_1143 : i32
      %add3A_1145 = arith.addi %mul3A_2, %mul3A_1144 : i32
      %add3A_1146 = arith.constant 68 : i32
      %add3A_1147 = arith.addi %add3A_1145, %add3A_1146 : i32
      %add3A_1148 = vector.broadcast %add3A_1147 : i32 to vector<16xi32>
      %add3A_1149 = arith.addi %broadcast_in_dim3A_3, %add3A_1148 : vector<16xi32>
      %swap3A_1150 = arith.constant 68 : i32
      %swap3A_1151 = arith.index_cast %add3A_38 : i32 to index
      %swap3A_1152 = arith.index_cast %swap3A_1150 : i32 to index
      %swap3A_1153 = arith.constant 0 : index
      %swap3A_1154 = tpu.vector_load %arg8[%swap3A_1151, %swap3A_1152, %swap3A_1153] {strides = array<i32>} : memref<39x128x16xi32, #tpu.memory_space<vmem>>, vector<1x1x16xi32>,
      %swap3A_1155 = vector.shape_cast %swap3A_1154 : vector<1x1x16xi32> to vector<16xi32>
      %swap3A_1156 = vector.shape_cast %add3A_1149 : vector<16xi32> to vector<1x1x16xi32>
      tpu.vector_store %arg8[%swap3A_1151, %swap3A_1152, %swap3A_1153], %swap3A_1156 {strides = array<i32>} : memref<39x128x16xi32, #tpu.memory_space<vmem>>, vector<1x1x16xi32>,
      %mul3A_1157 = arith.constant 128 : i32
      %mul3A_1158 = arith.muli %add3A_38, %mul3A_1157 : i32
      %add3A_1159 = arith.addi %mul3A_2, %mul3A_1158 : i32
      %add3A_1160 = arith.constant 69 : i32
      %add3A_1161 = arith.addi %add3A_1159, %add3A_1160 : i32
      %add3A_1162 = vector.broadcast %add3A_1161 : i32 to vector<16xi32>
      %add3A_1163 = arith.addi %broadcast_in_dim3A_3, %add3A_1162 : vector<16xi32>
      %swap3A_1164 = arith.constant 69 : i32
      %swap3A_1165 = arith.index_cast %add3A_38 : i32 to index
      %swap3A_1166 = arith.index_cast %swap3A_1164 : i32 to index
      %swap3A_1167 = arith.constant 0 : index
      %swap3A_1168 = tpu.vector_load %arg8[%swap3A_1165, %swap3A_1166, %swap3A_1167] {strides = array<i32>} : memref<39x128x16xi32, #tpu.memory_space<vmem>>, vector<1x1x16xi32>,
      %swap3A_1169 = vector.shape_cast %swap3A_1168 : vector<1x1x16xi32> to vector<16xi32>
      %swap3A_1170 = vector.shape_cast %add3A_1163 : vector<16xi32> to vector<1x1x16xi32>
      tpu.vector_store %arg8[%swap3A_1165, %swap3A_1166, %swap3A_1167], %swap3A_1170 {strides = array<i32>} : memref<39x128x16xi32, #tpu.memory_space<vmem>>, vector<1x1x16xi32>,
      %mul3A_1171 = arith.constant 128 : i32
      %mul3A_1172 = arith.muli %add3A_38, %mul3A_1171 : i32
      %add3A_1173 = arith.addi %mul3A_2, %mul3A_1172 : i32
      %add3A_1174 = arith.constant 70 : i32
      %add3A_1175 = arith.addi %add3A_1173, %add3A_1174 : i32
      %add3A_1176 = vector.broadcast %add3A_1175 : i32 to vector<16xi32>
      %add3A_1177 = arith.addi %broadcast_in_dim3A_3, %add3A_1176 : vector<16xi32>
      %swap3A_1178 = arith.constant 70 : i32
      %swap3A_1179 = arith.index_cast %add3A_38 : i32 to index
      %swap3A_1180 = arith.index_cast %swap3A_1178 : i32 to index
      %swap3A_1181 = arith.constant 0 : index
      %swap3A_1182 = tpu.vector_load %arg8[%swap3A_1179, %swap3A_1180, %swap3A_1181] {strides = array<i32>} : memref<39x128x16xi32, #tpu.memory_space<vmem>>, vector<1x1x16xi32>,
      %swap3A_1183 = vector.shape_cast %swap3A_1182 : vector<1x1x16xi32> to vector<16xi32>
      %swap3A_1184 = vector.shape_cast %add3A_1177 : vector<16xi32> to vector<1x1x16xi32>
      tpu.vector_store %arg8[%swap3A_1179, %swap3A_1180, %swap3A_1181], %swap3A_1184 {strides = array<i32>} : memref<39x128x16xi32, #tpu.memory_space<vmem>>, vector<1x1x16xi32>,
      %mul3A_1185 = arith.constant 128 : i32
      %mul3A_1186 = arith.muli %add3A_38, %mul3A_1185 : i32
      %add3A_1187 = arith.addi %mul3A_2, %mul3A_1186 : i32
      %add3A_1188 = arith.constant 71 : i32
      %add3A_1189 = arith.addi %add3A_1187, %add3A_1188 : i32
      %add3A_1190 = vector.broadcast %add3A_1189 : i32 to vector<16xi32>
      %add3A_1191 = arith.addi %broadcast_in_dim3A_3, %add3A_1190 : vector<16xi32>
      %swap3A_1192 = arith.constant 71 : i32
      %swap3A_1193 = arith.index_cast %add3A_38 : i32 to index
      %swap3A_1194 = arith.index_cast %swap3A_1192 : i32 to index
      %swap3A_1195 = arith.constant 0 : index
      %swap3A_1196 = tpu.vector_load %arg8[%swap3A_1193, %swap3A_1194, %swap3A_1195] {strides = array<i32>} : memref<39x128x16xi32, #tpu.memory_space<vmem>>, vector<1x1x16xi32>,
      %swap3A_1197 = vector.shape_cast %swap3A_1196 : vector<1x1x16xi32> to vector<16xi32>
      %swap3A_1198 = vector.shape_cast %add3A_1191 : vector<16xi32> to vector<1x1x16xi32>
      tpu.vector_store %arg8[%swap3A_1193, %swap3A_1194, %swap3A_1195], %swap3A_1198 {strides = array<i32>} : memref<39x128x16xi32, #tpu.memory_space<vmem>>, vector<1x1x16xi32>,
      %mul3A_1199 = arith.constant 128 : i32
      %mul3A_1200 = arith.muli %add3A_38, %mul3A_1199 : i32
      %add3A_1201 = arith.addi %mul3A_2, %mul3A_1200 : i32
      %add3A_1202 = arith.constant 72 : i32
      %add3A_1203 = arith.addi %add3A_1201, %add3A_1202 : i32
      %add3A_1204 = vector.broadcast %add3A_1203 : i32 to vector<16xi32>
      %add3A_1205 = arith.addi %broadcast_in_dim3A_3, %add3A_1204 : vector<16xi32>
      %swap3A_1206 = arith.constant 72 : i32
      %swap3A_1207 = arith.index_cast %add3A_38 : i32 to index
      %swap3A_1208 = arith.index_cast %swap3A_1206 : i32 to index
      %swap3A_1209 = arith.constant 0 : index
      %swap3A_1210 = tpu.vector_load %arg8[%swap3A_1207, %swap3A_1208, %swap3A_1209] {strides = array<i32>} : memref<39x128x16xi32, #tpu.memory_space<vmem>>, vector<1x1x16xi32>,
      %swap3A_1211 = vector.shape_cast %swap3A_1210 : vector<1x1x16xi32> to vector<16xi32>
      %swap3A_1212 = vector.shape_cast %add3A_1205 : vector<16xi32> to vector<1x1x16xi32>
      tpu.vector_store %arg8[%swap3A_1207, %swap3A_1208, %swap3A_1209], %swap3A_1212 {strides = array<i32>} : memref<39x128x16xi32, #tpu.memory_space<vmem>>, vector<1x1x16xi32>,
      %mul3A_1213 = arith.constant 128 : i32
      %mul3A_1214 = arith.muli %add3A_38, %mul3A_1213 : i32
      %add3A_1215 = arith.addi %mul3A_2, %mul3A_1214 : i32
      %add3A_1216 = arith.constant 73 : i32
      %add3A_1217 = arith.addi %add3A_1215, %add3A_1216 : i32
      %add3A_1218 = vector.broadcast %add3A_1217 : i32 to vector<16xi32>
      %add3A_1219 = arith.addi %broadcast_in_dim3A_3, %add3A_1218 : vector<16xi32>
      %swap3A_1220 = arith.constant 73 : i32
      %swap3A_1221 = arith.index_cast %add3A_38 : i32 to index
      %swap3A_1222 = arith.index_cast %swap3A_1220 : i32 to index
      %swap3A_1223 = arith.constant 0 : index
      %swap3A_1224 = tpu.vector_load %arg8[%swap3A_1221, %swap3A_1222, %swap3A_1223] {strides = array<i32>} : memref<39x128x16xi32, #tpu.memory_space<vmem>>, vector<1x1x16xi32>,
      %swap3A_1225 = vector.shape_cast %swap3A_1224 : vector<1x1x16xi32> to vector<16xi32>
      %swap3A_1226 = vector.shape_cast %add3A_1219 : vector<16xi32> to vector<1x1x16xi32>
      tpu.vector_store %arg8[%swap3A_1221, %swap3A_1222, %swap3A_1223], %swap3A_1226 {strides = array<i32>} : memref<39x128x16xi32, #tpu.memory_space<vmem>>, vector<1x1x16xi32>,
      %mul3A_1227 = arith.constant 128 : i32
      %mul3A_1228 = arith.muli %add3A_38, %mul3A_1227 : i32
      %add3A_1229 = arith.addi %mul3A_2, %mul3A_1228 : i32
      %add3A_1230 = arith.constant 74 : i32
      %add3A_1231 = arith.addi %add3A_1229, %add3A_1230 : i32
      %add3A_1232 = vector.broadcast %add3A_1231 : i32 to vector<16xi32>
      %add3A_1233 = arith.addi %broadcast_in_dim3A_3, %add3A_1232 : vector<16xi32>
      %swap3A_1234 = arith.constant 74 : i32
      %swap3A_1235 = arith.index_cast %add3A_38 : i32 to index
      %swap3A_1236 = arith.index_cast %swap3A_1234 : i32 to index
      %swap3A_1237 = arith.constant 0 : index
      %swap3A_1238 = tpu.vector_load %arg8[%swap3A_1235, %swap3A_1236, %swap3A_1237] {strides = array<i32>} : memref<39x128x16xi32, #tpu.memory_space<vmem>>, vector<1x1x16xi32>,
      %swap3A_1239 = vector.shape_cast %swap3A_1238 : vector<1x1x16xi32> to vector<16xi32>
      %swap3A_1240 = vector.shape_cast %add3A_1233 : vector<16xi32> to vector<1x1x16xi32>
      tpu.vector_store %arg8[%swap3A_1235, %swap3A_1236, %swap3A_1237], %swap3A_1240 {strides = array<i32>} : memref<39x128x16xi32, #tpu.memory_space<vmem>>, vector<1x1x16xi32>,
      %mul3A_1241 = arith.constant 128 : i32
      %mul3A_1242 = arith.muli %add3A_38, %mul3A_1241 : i32
      %add3A_1243 = arith.addi %mul3A_2, %mul3A_1242 : i32
      %add3A_1244 = arith.constant 75 : i32
      %add3A_1245 = arith.addi %add3A_1243, %add3A_1244 : i32
      %add3A_1246 = vector.broadcast %add3A_1245 : i32 to vector<16xi32>
      %add3A_1247 = arith.addi %broadcast_in_dim3A_3, %add3A_1246 : vector<16xi32>
      %swap3A_1248 = arith.constant 75 : i32
      %swap3A_1249 = arith.index_cast %add3A_38 : i32 to index
      %swap3A_1250 = arith.index_cast %swap3A_1248 : i32 to index
      %swap3A_1251 = arith.constant 0 : index
      %swap3A_1252 = tpu.vector_load %arg8[%swap3A_1249, %swap3A_1250, %swap3A_1251] {strides = array<i32>} : memref<39x128x16xi32, #tpu.memory_space<vmem>>, vector<1x1x16xi32>,
      %swap3A_1253 = vector.shape_cast %swap3A_1252 : vector<1x1x16xi32> to vector<16xi32>
      %swap3A_1254 = vector.shape_cast %add3A_1247 : vector<16xi32> to vector<1x1x16xi32>
      tpu.vector_store %arg8[%swap3A_1249, %swap3A_1250, %swap3A_1251], %swap3A_1254 {strides = array<i32>} : memref<39x128x16xi32, #tpu.memory_space<vmem>>, vector<1x1x16xi32>,
      %mul3A_1255 = arith.constant 128 : i32
      %mul3A_1256 = arith.muli %add3A_38, %mul3A_1255 : i32
      %add3A_1257 = arith.addi %mul3A_2, %mul3A_1256 : i32
      %add3A_1258 = arith.constant 76 : i32
      %add3A_1259 = arith.addi %add3A_1257, %add3A_1258 : i32
      %add3A_1260 = vector.broadcast %add3A_1259 : i32 to vector<16xi32>
      %add3A_1261 = arith.addi %broadcast_in_dim3A_3, %add3A_1260 : vector<16xi32>
      %swap3A_1262 = arith.constant 76 : i32
      %swap3A_1263 = arith.index_cast %add3A_38 : i32 to index
      %swap3A_1264 = arith.index_cast %swap3A_1262 : i32 to index
      %swap3A_1265 = arith.constant 0 : index
      %swap3A_1266 = tpu.vector_load %arg8[%swap3A_1263, %swap3A_1264, %swap3A_1265] {strides = array<i32>} : memref<39x128x16xi32, #tpu.memory_space<vmem>>, vector<1x1x16xi32>,
      %swap3A_1267 = vector.shape_cast %swap3A_1266 : vector<1x1x16xi32> to vector<16xi32>
      %swap3A_1268 = vector.shape_cast %add3A_1261 : vector<16xi32> to vector<1x1x16xi32>
      tpu.vector_store %arg8[%swap3A_1263, %swap3A_1264, %swap3A_1265], %swap3A_1268 {strides = array<i32>} : memref<39x128x16xi32, #tpu.memory_space<vmem>>, vector<1x1x16xi32>,
      %mul3A_1269 = arith.constant 128 : i32
      %mul3A_1270 = arith.muli %add3A_38, %mul3A_1269 : i32
      %add3A_1271 = arith.addi %mul3A_2, %mul3A_1270 : i32
      %add3A_1272 = arith.constant 77 : i32
      %add3A_1273 = arith.addi %add3A_1271, %add3A_1272 : i32
      %add3A_1274 = vector.broadcast %add3A_1273 : i32 to vector<16xi32>
      %add3A_1275 = arith.addi %broadcast_in_dim3A_3, %add3A_1274 : vector<16xi32>
      %swap3A_1276 = arith.constant 77 : i32
      %swap3A_1277 = arith.index_cast %add3A_38 : i32 to index
      %swap3A_1278 = arith.index_cast %swap3A_1276 : i32 to index
      %swap3A_1279 = arith.constant 0 : index
      %swap3A_1280 = tpu.vector_load %arg8[%swap3A_1277, %swap3A_1278, %swap3A_1279] {strides = array<i32>} : memref<39x128x16xi32, #tpu.memory_space<vmem>>, vector<1x1x16xi32>,
      %swap3A_1281 = vector.shape_cast %swap3A_1280 : vector<1x1x16xi32> to vector<16xi32>
      %swap3A_1282 = vector.shape_cast %add3A_1275 : vector<16xi32> to vector<1x1x16xi32>
      tpu.vector_store %arg8[%swap3A_1277, %swap3A_1278, %swap3A_1279], %swap3A_1282 {strides = array<i32>} : memref<39x128x16xi32, #tpu.memory_space<vmem>>, vector<1x1x16xi32>,
      %mul3A_1283 = arith.constant 128 : i32
      %mul3A_1284 = arith.muli %add3A_38, %mul3A_1283 : i32
      %add3A_1285 = arith.addi %mul3A_2, %mul3A_1284 : i32
      %add3A_1286 = arith.constant 78 : i32
      %add3A_1287 = arith.addi %add3A_1285, %add3A_1286 : i32
      %add3A_1288 = vector.broadcast %add3A_1287 : i32 to vector<16xi32>
      %add3A_1289 = arith.addi %broadcast_in_dim3A_3, %add3A_1288 : vector<16xi32>
      %swap3A_1290 = arith.constant 78 : i32
      %swap3A_1291 = arith.index_cast %add3A_38 : i32 to index
      %swap3A_1292 = arith.index_cast %swap3A_1290 : i32 to index
      %swap3A_1293 = arith.constant 0 : index
      %swap3A_1294 = tpu.vector_load %arg8[%swap3A_1291, %swap3A_1292, %swap3A_1293] {strides = array<i32>} : memref<39x128x16xi32, #tpu.memory_space<vmem>>, vector<1x1x16xi32>,
      %swap3A_1295 = vector.shape_cast %swap3A_1294 : vector<1x1x16xi32> to vector<16xi32>
      %swap3A_1296 = vector.shape_cast %add3A_1289 : vector<16xi32> to vector<1x1x16xi32>
      tpu.vector_store %arg8[%swap3A_1291, %swap3A_1292, %swap3A_1293], %swap3A_1296 {strides = array<i32>} : memref<39x128x16xi32, #tpu.memory_space<vmem>>, vector<1x1x16xi32>,
      %mul3A_1297 = arith.constant 128 : i32
      %mul3A_1298 = arith.muli %add3A_38, %mul3A_1297 : i32
      %add3A_1299 = arith.addi %mul3A_2, %mul3A_1298 : i32
      %add3A_1300 = arith.constant 79 : i32
      %add3A_1301 = arith.addi %add3A_1299, %add3A_1300 : i32
      %add3A_1302 = vector.broadcast %add3A_1301 : i32 to vector<16xi32>
      %add3A_1303 = arith.addi %broadcast_in_dim3A_3, %add3A_1302 : vector<16xi32>
      %swap3A_1304 = arith.constant 79 : i32
      %swap3A_1305 = arith.index_cast %add3A_38 : i32 to index
      %swap3A_1306 = arith.index_cast %swap3A_1304 : i32 to index
      %swap3A_1307 = arith.constant 0 : index
      %swap3A_1308 = tpu.vector_load %arg8[%swap3A_1305, %swap3A_1306, %swap3A_1307] {strides = array<i32>} : memref<39x128x16xi32, #tpu.memory_space<vmem>>, vector<1x1x16xi32>,
      %swap3A_1309 = vector.shape_cast %swap3A_1308 : vector<1x1x16xi32> to vector<16xi32>
      %swap3A_1310 = vector.shape_cast %add3A_1303 : vector<16xi32> to vector<1x1x16xi32>
      tpu.vector_store %arg8[%swap3A_1305, %swap3A_1306, %swap3A_1307], %swap3A_1310 {strides = array<i32>} : memref<39x128x16xi32, #tpu.memory_space<vmem>>, vector<1x1x16xi32>,
      %mul3A_1311 = arith.constant 128 : i32
      %mul3A_1312 = arith.muli %add3A_38, %mul3A_1311 : i32
      %add3A_1313 = arith.addi %mul3A_2, %mul3A_1312 : i32
      %add3A_1314 = arith.constant 80 : i32
      %add3A_1315 = arith.addi %add3A_1313, %add3A_1314 : i32
      %add3A_1316 = vector.broadcast %add3A_1315 : i32 to vector<16xi32>
      %add3A_1317 = arith.addi %broadcast_in_dim3A_3, %add3A_1316 : vector<16xi32>
      %swap3A_1318 = arith.constant 80 : i32
      %swap3A_1319 = arith.index_cast %add3A_38 : i32 to index
      %swap3A_1320 = arith.index_cast %swap3A_1318 : i32 to index
      %swap3A_1321 = arith.constant 0 : index
      %swap3A_1322 = tpu.vector_load %arg8[%swap3A_1319, %swap3A_1320, %swap3A_1321] {strides = array<i32>} : memref<39x128x16xi32, #tpu.memory_space<vmem>>, vector<1x1x16xi32>,
      %swap3A_1323 = vector.shape_cast %swap3A_1322 : vector<1x1x16xi32> to vector<16xi32>
      %swap3A_1324 = vector.shape_cast %add3A_1317 : vector<16xi32> to vector<1x1x16xi32>
      tpu.vector_store %arg8[%swap3A_1319, %swap3A_1320, %swap3A_1321], %swap3A_1324 {strides = array<i32>} : memref<39x128x16xi32, #tpu.memory_space<vmem>>, vector<1x1x16xi32>,
      %mul3A_1325 = arith.constant 128 : i32
      %mul3A_1326 = arith.muli %add3A_38, %mul3A_1325 : i32
      %add3A_1327 = arith.addi %mul3A_2, %mul3A_1326 : i32
      %add3A_1328 = arith.constant 81 : i32
      %add3A_1329 = arith.addi %add3A_1327, %add3A_1328 : i32
      %add3A_1330 = vector.broadcast %add3A_1329 : i32 to vector<16xi32>
      %add3A_1331 = arith.addi %broadcast_in_dim3A_3, %add3A_1330 : vector<16xi32>
      %swap3A_1332 = arith.constant 81 : i32
      %swap3A_1333 = arith.index_cast %add3A_38 : i32 to index
      %swap3A_1334 = arith.index_cast %swap3A_1332 : i32 to index
      %swap3A_1335 = arith.constant 0 : index
      %swap3A_1336 = tpu.vector_load %arg8[%swap3A_1333, %swap3A_1334, %swap3A_1335] {strides = array<i32>} : memref<39x128x16xi32, #tpu.memory_space<vmem>>, vector<1x1x16xi32>,
      %swap3A_1337 = vector.shape_cast %swap3A_1336 : vector<1x1x16xi32> to vector<16xi32>
      %swap3A_1338 = vector.shape_cast %add3A_1331 : vector<16xi32> to vector<1x1x16xi32>
      tpu.vector_store %arg8[%swap3A_1333, %swap3A_1334, %swap3A_1335], %swap3A_1338 {strides = array<i32>} : memref<39x128x16xi32, #tpu.memory_space<vmem>>, vector<1x1x16xi32>,
      %mul3A_1339 = arith.constant 128 : i32
      %mul3A_1340 = arith.muli %add3A_38, %mul3A_1339 : i32
      %add3A_1341 = arith.addi %mul3A_2, %mul3A_1340 : i32
      %add3A_1342 = arith.constant 82 : i32
      %add3A_1343 = arith.addi %add3A_1341, %add3A_1342 : i32
      %add3A_1344 = vector.broadcast %add3A_1343 : i32 to vector<16xi32>
      %add3A_1345 = arith.addi %broadcast_in_dim3A_3, %add3A_1344 : vector<16xi32>
      %swap3A_1346 = arith.constant 82 : i32
      %swap3A_1347 = arith.index_cast %add3A_38 : i32 to index
      %swap3A_1348 = arith.index_cast %swap3A_1346 : i32 to index
      %swap3A_1349 = arith.constant 0 : index
      %swap3A_1350 = tpu.vector_load %arg8[%swap3A_1347, %swap3A_1348, %swap3A_1349] {strides = array<i32>} : memref<39x128x16xi32, #tpu.memory_space<vmem>>, vector<1x1x16xi32>,
      %swap3A_1351 = vector.shape_cast %swap3A_1350 : vector<1x1x16xi32> to vector<16xi32>
      %swap3A_1352 = vector.shape_cast %add3A_1345 : vector<16xi32> to vector<1x1x16xi32>
      tpu.vector_store %arg8[%swap3A_1347, %swap3A_1348, %swap3A_1349], %swap3A_1352 {strides = array<i32>} : memref<39x128x16xi32, #tpu.memory_space<vmem>>, vector<1x1x16xi32>,
      %mul3A_1353 = arith.constant 128 : i32
      %mul3A_1354 = arith.muli %add3A_38, %mul3A_1353 : i32
      %add3A_1355 = arith.addi %mul3A_2, %mul3A_1354 : i32
      %add3A_1356 = arith.constant 83 : i32
      %add3A_1357 = arith.addi %add3A_1355, %add3A_1356 : i32
      %add3A_1358 = vector.broadcast %add3A_1357 : i32 to vector<16xi32>
      %add3A_1359 = arith.addi %broadcast_in_dim3A_3, %add3A_1358 : vector<16xi32>
      %swap3A_1360 = arith.constant 83 : i32
      %swap3A_1361 = arith.index_cast %add3A_38 : i32 to index
      %swap3A_1362 = arith.index_cast %swap3A_1360 : i32 to index
      %swap3A_1363 = arith.constant 0 : index
      %swap3A_1364 = tpu.vector_load %arg8[%swap3A_1361, %swap3A_1362, %swap3A_1363] {strides = array<i32>} : memref<39x128x16xi32, #tpu.memory_space<vmem>>, vector<1x1x16xi32>,
      %swap3A_1365 = vector.shape_cast %swap3A_1364 : vector<1x1x16xi32> to vector<16xi32>
      %swap3A_1366 = vector.shape_cast %add3A_1359 : vector<16xi32> to vector<1x1x16xi32>
      tpu.vector_store %arg8[%swap3A_1361, %swap3A_1362, %swap3A_1363], %swap3A_1366 {strides = array<i32>} : memref<39x128x16xi32, #tpu.memory_space<vmem>>, vector<1x1x16xi32>,
      %mul3A_1367 = arith.constant 128 : i32
      %mul3A_1368 = arith.muli %add3A_38, %mul3A_1367 : i32
      %add3A_1369 = arith.addi %mul3A_2, %mul3A_1368 : i32
      %add3A_1370 = arith.constant 84 : i32
      %add3A_1371 = arith.addi %add3A_1369, %add3A_1370 : i32
      %add3A_1372 = vector.broadcast %add3A_1371 : i32 to vector<16xi32>
      %add3A_1373 = arith.addi %broadcast_in_dim3A_3, %add3A_1372 : vector<16xi32>
      %swap3A_1374 = arith.constant 84 : i32
      %swap3A_1375 = arith.index_cast %add3A_38 : i32 to index
      %swap3A_1376 = arith.index_cast %swap3A_1374 : i32 to index
      %swap3A_1377 = arith.constant 0 : index
      %swap3A_1378 = tpu.vector_load %arg8[%swap3A_1375, %swap3A_1376, %swap3A_1377] {strides = array<i32>} : memref<39x128x16xi32, #tpu.memory_space<vmem>>, vector<1x1x16xi32>,
      %swap3A_1379 = vector.shape_cast %swap3A_1378 : vector<1x1x16xi32> to vector<16xi32>
      %swap3A_1380 = vector.shape_cast %add3A_1373 : vector<16xi32> to vector<1x1x16xi32>
      tpu.vector_store %arg8[%swap3A_1375, %swap3A_1376, %swap3A_1377], %swap3A_1380 {strides = array<i32>} : memref<39x128x16xi32, #tpu.memory_space<vmem>>, vector<1x1x16xi32>,
      %mul3A_1381 = arith.constant 128 : i32
      %mul3A_1382 = arith.muli %add3A_38, %mul3A_1381 : i32
      %add3A_1383 = arith.addi %mul3A_2, %mul3A_1382 : i32
      %add3A_1384 = arith.constant 85 : i32
      %add3A_1385 = arith.addi %add3A_1383, %add3A_1384 : i32
      %add3A_1386 = vector.broadcast %add3A_1385 : i32 to vector<16xi32>
      %add3A_1387 = arith.addi %broadcast_in_dim3A_3, %add3A_1386 : vector<16xi32>
      %swap3A_1388 = arith.constant 85 : i32
      %swap3A_1389 = arith.index_cast %add3A_38 : i32 to index
      %swap3A_1390 = arith.index_cast %swap3A_1388 : i32 to index
      %swap3A_1391 = arith.constant 0 : index
      %swap3A_1392 = tpu.vector_load %arg8[%swap3A_1389, %swap3A_1390, %swap3A_1391] {strides = array<i32>} : memref<39x128x16xi32, #tpu.memory_space<vmem>>, vector<1x1x16xi32>,
      %swap3A_1393 = vector.shape_cast %swap3A_1392 : vector<1x1x16xi32> to vector<16xi32>
      %swap3A_1394 = vector.shape_cast %add3A_1387 : vector<16xi32> to vector<1x1x16xi32>
      tpu.vector_store %arg8[%swap3A_1389, %swap3A_1390, %swap3A_1391], %swap3A_1394 {strides = array<i32>} : memref<39x128x16xi32, #tpu.memory_space<vmem>>, vector<1x1x16xi32>,
      %mul3A_1395 = arith.constant 128 : i32
      %mul3A_1396 = arith.muli %add3A_38, %mul3A_1395 : i32
      %add3A_1397 = arith.addi %mul3A_2, %mul3A_1396 : i32
      %add3A_1398 = arith.constant 86 : i32
      %add3A_1399 = arith.addi %add3A_1397, %add3A_1398 : i32
      %add3A_1400 = vector.broadcast %add3A_1399 : i32 to vector<16xi32>
      %add3A_1401 = arith.addi %broadcast_in_dim3A_3, %add3A_1400 : vector<16xi32>
      %swap3A_1402 = arith.constant 86 : i32
      %swap3A_1403 = arith.index_cast %add3A_38 : i32 to index
      %swap3A_1404 = arith.index_cast %swap3A_1402 : i32 to index
      %swap3A_1405 = arith.constant 0 : index
      %swap3A_1406 = tpu.vector_load %arg8[%swap3A_1403, %swap3A_1404, %swap3A_1405] {strides = array<i32>} : memref<39x128x16xi32, #tpu.memory_space<vmem>>, vector<1x1x16xi32>,
      %swap3A_1407 = vector.shape_cast %swap3A_1406 : vector<1x1x16xi32> to vector<16xi32>
      %swap3A_1408 = vector.shape_cast %add3A_1401 : vector<16xi32> to vector<1x1x16xi32>
      tpu.vector_store %arg8[%swap3A_1403, %swap3A_1404, %swap3A_1405], %swap3A_1408 {strides = array<i32>} : memref<39x128x16xi32, #tpu.memory_space<vmem>>, vector<1x1x16xi32>,
      %mul3A_1409 = arith.constant 128 : i32
      %mul3A_1410 = arith.muli %add3A_38, %mul3A_1409 : i32
      %add3A_1411 = arith.addi %mul3A_2, %mul3A_1410 : i32
      %add3A_1412 = arith.constant 87 : i32
      %add3A_1413 = arith.addi %add3A_1411, %add3A_1412 : i32
      %add3A_1414 = vector.broadcast %add3A_1413 : i32 to vector<16xi32>
      %add3A_1415 = arith.addi %broadcast_in_dim3A_3, %add3A_1414 : vector<16xi32>
      %swap3A_1416 = arith.constant 87 : i32
      %swap3A_1417 = arith.index_cast %add3A_38 : i32 to index
      %swap3A_1418 = arith.index_cast %swap3A_1416 : i32 to index
      %swap3A_1419 = arith.constant 0 : index
      %swap3A_1420 = tpu.vector_load %arg8[%swap3A_1417, %swap3A_1418, %swap3A_1419] {strides = array<i32>} : memref<39x128x16xi32, #tpu.memory_space<vmem>>, vector<1x1x16xi32>,
      %swap3A_1421 = vector.shape_cast %swap3A_1420 : vector<1x1x16xi32> to vector<16xi32>
      %swap3A_1422 = vector.shape_cast %add3A_1415 : vector<16xi32> to vector<1x1x16xi32>
      tpu.vector_store %arg8[%swap3A_1417, %swap3A_1418, %swap3A_1419], %swap3A_1422 {strides = array<i32>} : memref<39x128x16xi32, #tpu.memory_space<vmem>>, vector<1x1x16xi32>,
      %mul3A_1423 = arith.constant 128 : i32
      %mul3A_1424 = arith.muli %add3A_38, %mul3A_1423 : i32
      %add3A_1425 = arith.addi %mul3A_2, %mul3A_1424 : i32
      %add3A_1426 = arith.constant 88 : i32
      %add3A_1427 = arith.addi %add3A_1425, %add3A_1426 : i32
      %add3A_1428 = vector.broadcast %add3A_1427 : i32 to vector<16xi32>
      %add3A_1429 = arith.addi %broadcast_in_dim3A_3, %add3A_1428 : vector<16xi32>
      %swap3A_1430 = arith.constant 88 : i32
      %swap3A_1431 = arith.index_cast %add3A_38 : i32 to index
      %swap3A_1432 = arith.index_cast %swap3A_1430 : i32 to index
      %swap3A_1433 = arith.constant 0 : index
      %swap3A_1434 = tpu.vector_load %arg8[%swap3A_1431, %swap3A_1432, %swap3A_1433] {strides = array<i32>} : memref<39x128x16xi32, #tpu.memory_space<vmem>>, vector<1x1x16xi32>,
      %swap3A_1435 = vector.shape_cast %swap3A_1434 : vector<1x1x16xi32> to vector<16xi32>
      %swap3A_1436 = vector.shape_cast %add3A_1429 : vector<16xi32> to vector<1x1x16xi32>
      tpu.vector_store %arg8[%swap3A_1431, %swap3A_1432, %swap3A_1433], %swap3A_1436 {strides = array<i32>} : memref<39x128x16xi32, #tpu.memory_space<vmem>>, vector<1x1x16xi32>,
      %mul3A_1437 = arith.constant 128 : i32
      %mul3A_1438 = arith.muli %add3A_38, %mul3A_1437 : i32
      %add3A_1439 = arith.addi %mul3A_2, %mul3A_1438 : i32
      %add3A_1440 = arith.constant 89 : i32
      %add3A_1441 = arith.addi %add3A_1439, %add3A_1440 : i32
      %add3A_1442 = vector.broadcast %add3A_1441 : i32 to vector<16xi32>
      %add3A_1443 = arith.addi %broadcast_in_dim3A_3, %add3A_1442 : vector<16xi32>
      %swap3A_1444 = arith.constant 89 : i32
      %swap3A_1445 = arith.index_cast %add3A_38 : i32 to index
      %swap3A_1446 = arith.index_cast %swap3A_1444 : i32 to index
      %swap3A_1447 = arith.constant 0 : index
      %swap3A_1448 = tpu.vector_load %arg8[%swap3A_1445, %swap3A_1446, %swap3A_1447] {strides = array<i32>} : memref<39x128x16xi32, #tpu.memory_space<vmem>>, vector<1x1x16xi32>,
      %swap3A_1449 = vector.shape_cast %swap3A_1448 : vector<1x1x16xi32> to vector<16xi32>
      %swap3A_1450 = vector.shape_cast %add3A_1443 : vector<16xi32> to vector<1x1x16xi32>
      tpu.vector_store %arg8[%swap3A_1445, %swap3A_1446, %swap3A_1447], %swap3A_1450 {strides = array<i32>} : memref<39x128x16xi32, #tpu.memory_space<vmem>>, vector<1x1x16xi32>,
      %mul3A_1451 = arith.constant 128 : i32
      %mul3A_1452 = arith.muli %add3A_38, %mul3A_1451 : i32
      %add3A_1453 = arith.addi %mul3A_2, %mul3A_1452 : i32
      %add3A_1454 = arith.constant 90 : i32
      %add3A_1455 = arith.addi %add3A_1453, %add3A_1454 : i32
      %add3A_1456 = vector.broadcast %add3A_1455 : i32 to vector<16xi32>
      %add3A_1457 = arith.addi %broadcast_in_dim3A_3, %add3A_1456 : vector<16xi32>
      %swap3A_1458 = arith.constant 90 : i32
      %swap3A_1459 = arith.index_cast %add3A_38 : i32 to index
      %swap3A_1460 = arith.index_cast %swap3A_1458 : i32 to index
      %swap3A_1461 = arith.constant 0 : index
      %swap3A_1462 = tpu.vector_load %arg8[%swap3A_1459, %swap3A_1460, %swap3A_1461] {strides = array<i32>} : memref<39x128x16xi32, #tpu.memory_space<vmem>>, vector<1x1x16xi32>,
      %swap3A_1463 = vector.shape_cast %swap3A_1462 : vector<1x1x16xi32> to vector<16xi32>
      %swap3A_1464 = vector.shape_cast %add3A_1457 : vector<16xi32> to vector<1x1x16xi32>
      tpu.vector_store %arg8[%swap3A_1459, %swap3A_1460, %swap3A_1461], %swap3A_1464 {strides = array<i32>} : memref<39x128x16xi32, #tpu.memory_space<vmem>>, vector<1x1x16xi32>,
      %mul3A_1465 = arith.constant 128 : i32
      %mul3A_1466 = arith.muli %add3A_38, %mul3A_1465 : i32
      %add3A_1467 = arith.addi %mul3A_2, %mul3A_1466 : i32
      %add3A_1468 = arith.constant 91 : i32
      %add3A_1469 = arith.addi %add3A_1467, %add3A_1468 : i32
      %add3A_1470 = vector.broadcast %add3A_1469 : i32 to vector<16xi32>
      %add3A_1471 = arith.addi %broadcast_in_dim3A_3, %add3A_1470 : vector<16xi32>
      %swap3A_1472 = arith.constant 91 : i32
      %swap3A_1473 = arith.index_cast %add3A_38 : i32 to index
      %swap3A_1474 = arith.index_cast %swap3A_1472 : i32 to index
      %swap3A_1475 = arith.constant 0 : index
      %swap3A_1476 = tpu.vector_load %arg8[%swap3A_1473, %swap3A_1474, %swap3A_1475] {strides = array<i32>} : memref<39x128x16xi32, #tpu.memory_space<vmem>>, vector<1x1x16xi32>,
      %swap3A_1477 = vector.shape_cast %swap3A_1476 : vector<1x1x16xi32> to vector<16xi32>
      %swap3A_1478 = vector.shape_cast %add3A_1471 : vector<16xi32> to vector<1x1x16xi32>
      tpu.vector_store %arg8[%swap3A_1473, %swap3A_1474, %swap3A_1475], %swap3A_1478 {strides = array<i32>} : memref<39x128x16xi32, #tpu.memory_space<vmem>>, vector<1x1x16xi32>,
      %mul3A_1479 = arith.constant 128 : i32
      %mul3A_1480 = arith.muli %add3A_38, %mul3A_1479 : i32
      %add3A_1481 = arith.addi %mul3A_2, %mul3A_1480 : i32
      %add3A_1482 = arith.constant 92 : i32
      %add3A_1483 = arith.addi %add3A_1481, %add3A_1482 : i32
      %add3A_1484 = vector.broadcast %add3A_1483 : i32 to vector<16xi32>
      %add3A_1485 = arith.addi %broadcast_in_dim3A_3, %add3A_1484 : vector<16xi32>
      %swap3A_1486 = arith.constant 92 : i32
      %swap3A_1487 = arith.index_cast %add3A_38 : i32 to index
      %swap3A_1488 = arith.index_cast %swap3A_1486 : i32 to index
      %swap3A_1489 = arith.constant 0 : index
      %swap3A_1490 = tpu.vector_load %arg8[%swap3A_1487, %swap3A_1488, %swap3A_1489] {strides = array<i32>} : memref<39x128x16xi32, #tpu.memory_space<vmem>>, vector<1x1x16xi32>,
      %swap3A_1491 = vector.shape_cast %swap3A_1490 : vector<1x1x16xi32> to vector<16xi32>
      %swap3A_1492 = vector.shape_cast %add3A_1485 : vector<16xi32> to vector<1x1x16xi32>
      tpu.vector_store %arg8[%swap3A_1487, %swap3A_1488, %swap3A_1489], %swap3A_1492 {strides = array<i32>} : memref<39x128x16xi32, #tpu.memory_space<vmem>>, vector<1x1x16xi32>,
      %mul3A_1493 = arith.constant 128 : i32
      %mul3A_1494 = arith.muli %add3A_38, %mul3A_1493 : i32
      %add3A_1495 = arith.addi %mul3A_2, %mul3A_1494 : i32
      %add3A_1496 = arith.constant 93 : i32
      %add3A_1497 = arith.addi %add3A_1495, %add3A_1496 : i32
      %add3A_1498 = vector.broadcast %add3A_1497 : i32 to vector<16xi32>
      %add3A_1499 = arith.addi %broadcast_in_dim3A_3, %add3A_1498 : vector<16xi32>
      %swap3A_1500 = arith.constant 93 : i32
      %swap3A_1501 = arith.index_cast %add3A_38 : i32 to index
      %swap3A_1502 = arith.index_cast %swap3A_1500 : i32 to index
      %swap3A_1503 = arith.constant 0 : index
      %swap3A_1504 = tpu.vector_load %arg8[%swap3A_1501, %swap3A_1502, %swap3A_1503] {strides = array<i32>} : memref<39x128x16xi32, #tpu.memory_space<vmem>>, vector<1x1x16xi32>,
      %swap3A_1505 = vector.shape_cast %swap3A_1504 : vector<1x1x16xi32> to vector<16xi32>
      %swap3A_1506 = vector.shape_cast %add3A_1499 : vector<16xi32> to vector<1x1x16xi32>
      tpu.vector_store %arg8[%swap3A_1501, %swap3A_1502, %swap3A_1503], %swap3A_1506 {strides = array<i32>} : memref<39x128x16xi32, #tpu.memory_space<vmem>>, vector<1x1x16xi32>,
      %mul3A_1507 = arith.constant 128 : i32
      %mul3A_1508 = arith.muli %add3A_38, %mul3A_1507 : i32
      %add3A_1509 = arith.addi %mul3A_2, %mul3A_1508 : i32
      %add3A_1510 = arith.constant 94 : i32
      %add3A_1511 = arith.addi %add3A_1509, %add3A_1510 : i32
      %add3A_1512 = vector.broadcast %add3A_1511 : i32 to vector<16xi32>
      %add3A_1513 = arith.addi %broadcast_in_dim3A_3, %add3A_1512 : vector<16xi32>
      %swap3A_1514 = arith.constant 94 : i32
      %swap3A_1515 = arith.index_cast %add3A_38 : i32 to index
      %swap3A_1516 = arith.index_cast %swap3A_1514 : i32 to index
      %swap3A_1517 = arith.constant 0 : index
      %swap3A_1518 = tpu.vector_load %arg8[%swap3A_1515, %swap3A_1516, %swap3A_1517] {strides = array<i32>} : memref<39x128x16xi32, #tpu.memory_space<vmem>>, vector<1x1x16xi32>,
      %swap3A_1519 = vector.shape_cast %swap3A_1518 : vector<1x1x16xi32> to vector<16xi32>
      %swap3A_1520 = vector.shape_cast %add3A_1513 : vector<16xi32> to vector<1x1x16xi32>
      tpu.vector_store %arg8[%swap3A_1515, %swap3A_1516, %swap3A_1517], %swap3A_1520 {strides = array<i32>} : memref<39x128x16xi32, #tpu.memory_space<vmem>>, vector<1x1x16xi32>,
      %mul3A_1521 = arith.constant 128 : i32
      %mul3A_1522 = arith.muli %add3A_38, %mul3A_1521 : i32
      %add3A_1523 = arith.addi %mul3A_2, %mul3A_1522 : i32
      %add3A_1524 = arith.constant 95 : i32
      %add3A_1525 = arith.addi %add3A_1523, %add3A_1524 : i32
      %add3A_1526 = vector.broadcast %add3A_1525 : i32 to vector<16xi32>
      %add3A_1527 = arith.addi %broadcast_in_dim3A_3, %add3A_1526 : vector<16xi32>
      %swap3A_1528 = arith.constant 95 : i32
      %swap3A_1529 = arith.index_cast %add3A_38 : i32 to index
      %swap3A_1530 = arith.index_cast %swap3A_1528 : i32 to index
      %swap3A_1531 = arith.constant 0 : index
      %swap3A_1532 = tpu.vector_load %arg8[%swap3A_1529, %swap3A_1530, %swap3A_1531] {strides = array<i32>} : memref<39x128x16xi32, #tpu.memory_space<vmem>>, vector<1x1x16xi32>,
      %swap3A_1533 = vector.shape_cast %swap3A_1532 : vector<1x1x16xi32> to vector<16xi32>
      %swap3A_1534 = vector.shape_cast %add3A_1527 : vector<16xi32> to vector<1x1x16xi32>
      tpu.vector_store %arg8[%swap3A_1529, %swap3A_1530, %swap3A_1531], %swap3A_1534 {strides = array<i32>} : memref<39x128x16xi32, #tpu.memory_space<vmem>>, vector<1x1x16xi32>,
      %mul3A_1535 = arith.constant 128 : i32
      %mul3A_1536 = arith.muli %add3A_38, %mul3A_1535 : i32
      %add3A_1537 = arith.addi %mul3A_2, %mul3A_1536 : i32
      %add3A_1538 = arith.constant 96 : i32
      %add3A_1539 = arith.addi %add3A_1537, %add3A_1538 : i32
      %add3A_1540 = vector.broadcast %add3A_1539 : i32 to vector<16xi32>
      %add3A_1541 = arith.addi %broadcast_in_dim3A_3, %add3A_1540 : vector<16xi32>
      %swap3A_1542 = arith.constant 96 : i32
      %swap3A_1543 = arith.index_cast %add3A_38 : i32 to index
      %swap3A_1544 = arith.index_cast %swap3A_1542 : i32 to index
      %swap3A_1545 = arith.constant 0 : index
      %swap3A_1546 = tpu.vector_load %arg8[%swap3A_1543, %swap3A_1544, %swap3A_1545] {strides = array<i32>} : memref<39x128x16xi32, #tpu.memory_space<vmem>>, vector<1x1x16xi32>,
      %swap3A_1547 = vector.shape_cast %swap3A_1546 : vector<1x1x16xi32> to vector<16xi32>
      %swap3A_1548 = vector.shape_cast %add3A_1541 : vector<16xi32> to vector<1x1x16xi32>
      tpu.vector_store %arg8[%swap3A_1543, %swap3A_1544, %swap3A_1545], %swap3A_1548 {strides = array<i32>} : memref<39x128x16xi32, #tpu.memory_space<vmem>>, vector<1x1x16xi32>,
      %mul3A_1549 = arith.constant 128 : i32
      %mul3A_1550 = arith.muli %add3A_38, %mul3A_1549 : i32
      %add3A_1551 = arith.addi %mul3A_2, %mul3A_1550 : i32
      %add3A_1552 = arith.constant 97 : i32
      %add3A_1553 = arith.addi %add3A_1551, %add3A_1552 : i32
      %add3A_1554 = vector.broadcast %add3A_1553 : i32 to vector<16xi32>
      %add3A_1555 = arith.addi %broadcast_in_dim3A_3, %add3A_1554 : vector<16xi32>
      %swap3A_1556 = arith.constant 97 : i32
      %swap3A_1557 = arith.index_cast %add3A_38 : i32 to index
      %swap3A_1558 = arith.index_cast %swap3A_1556 : i32 to index
      %swap3A_1559 = arith.constant 0 : index
      %swap3A_1560 = tpu.vector_load %arg8[%swap3A_1557, %swap3A_1558, %swap3A_1559] {strides = array<i32>} : memref<39x128x16xi32, #tpu.memory_space<vmem>>, vector<1x1x16xi32>,
      %swap3A_1561 = vector.shape_cast %swap3A_1560 : vector<1x1x16xi32> to vector<16xi32>
      %swap3A_1562 = vector.shape_cast %add3A_1555 : vector<16xi32> to vector<1x1x16xi32>
      tpu.vector_store %arg8[%swap3A_1557, %swap3A_1558, %swap3A_1559], %swap3A_1562 {strides = array<i32>} : memref<39x128x16xi32, #tpu.memory_space<vmem>>, vector<1x1x16xi32>,
      %mul3A_1563 = arith.constant 128 : i32
      %mul3A_1564 = arith.muli %add3A_38, %mul3A_1563 : i32
      %add3A_1565 = arith.addi %mul3A_2, %mul3A_1564 : i32
      %add3A_1566 = arith.constant 98 : i32
      %add3A_1567 = arith.addi %add3A_1565, %add3A_1566 : i32
      %add3A_1568 = vector.broadcast %add3A_1567 : i32 to vector<16xi32>
      %add3A_1569 = arith.addi %broadcast_in_dim3A_3, %add3A_1568 : vector<16xi32>
      %swap3A_1570 = arith.constant 98 : i32
      %swap3A_1571 = arith.index_cast %add3A_38 : i32 to index
      %swap3A_1572 = arith.index_cast %swap3A_1570 : i32 to index
      %swap3A_1573 = arith.constant 0 : index
      %swap3A_1574 = tpu.vector_load %arg8[%swap3A_1571, %swap3A_1572, %swap3A_1573] {strides = array<i32>} : memref<39x128x16xi32, #tpu.memory_space<vmem>>, vector<1x1x16xi32>,
      %swap3A_1575 = vector.shape_cast %swap3A_1574 : vector<1x1x16xi32> to vector<16xi32>
      %swap3A_1576 = vector.shape_cast %add3A_1569 : vector<16xi32> to vector<1x1x16xi32>
      tpu.vector_store %arg8[%swap3A_1571, %swap3A_1572, %swap3A_1573], %swap3A_1576 {strides = array<i32>} : memref<39x128x16xi32, #tpu.memory_space<vmem>>, vector<1x1x16xi32>,
      %mul3A_1577 = arith.constant 128 : i32
      %mul3A_1578 = arith.muli %add3A_38, %mul3A_1577 : i32
      %add3A_1579 = arith.addi %mul3A_2, %mul3A_1578 : i32
      %add3A_1580 = arith.constant 99 : i32
      %add3A_1581 = arith.addi %add3A_1579, %add3A_1580 : i32
      %add3A_1582 = vector.broadcast %add3A_1581 : i32 to vector<16xi32>
      %add3A_1583 = arith.addi %broadcast_in_dim3A_3, %add3A_1582 : vector<16xi32>
      %swap3A_1584 = arith.constant 99 : i32
      %swap3A_1585 = arith.index_cast %add3A_38 : i32 to index
      %swap3A_1586 = arith.index_cast %swap3A_1584 : i32 to index
      %swap3A_1587 = arith.constant 0 : index
      %swap3A_1588 = tpu.vector_load %arg8[%swap3A_1585, %swap3A_1586, %swap3A_1587] {strides = array<i32>} : memref<39x128x16xi32, #tpu.memory_space<vmem>>, vector<1x1x16xi32>,
      %swap3A_1589 = vector.shape_cast %swap3A_1588 : vector<1x1x16xi32> to vector<16xi32>
      %swap3A_1590 = vector.shape_cast %add3A_1583 : vector<16xi32> to vector<1x1x16xi32>
      tpu.vector_store %arg8[%swap3A_1585, %swap3A_1586, %swap3A_1587], %swap3A_1590 {strides = array<i32>} : memref<39x128x16xi32, #tpu.memory_space<vmem>>, vector<1x1x16xi32>,
      %mul3A_1591 = arith.constant 128 : i32
      %mul3A_1592 = arith.muli %add3A_38, %mul3A_1591 : i32
      %add3A_1593 = arith.addi %mul3A_2, %mul3A_1592 : i32
      %add3A_1594 = arith.constant 100 : i32
      %add3A_1595 = arith.addi %add3A_1593, %add3A_1594 : i32
      %add3A_1596 = vector.broadcast %add3A_1595 : i32 to vector<16xi32>
      %add3A_1597 = arith.addi %broadcast_in_dim3A_3, %add3A_1596 : vector<16xi32>
      %swap3A_1598 = arith.constant 100 : i32
      %swap3A_1599 = arith.index_cast %add3A_38 : i32 to index
      %swap3A_1600 = arith.index_cast %swap3A_1598 : i32 to index
      %swap3A_1601 = arith.constant 0 : index
      %swap3A_1602 = tpu.vector_load %arg8[%swap3A_1599, %swap3A_1600, %swap3A_1601] {strides = array<i32>} : memref<39x128x16xi32, #tpu.memory_space<vmem>>, vector<1x1x16xi32>,
      %swap3A_1603 = vector.shape_cast %swap3A_1602 : vector<1x1x16xi32> to vector<16xi32>
      %swap3A_1604 = vector.shape_cast %add3A_1597 : vector<16xi32> to vector<1x1x16xi32>
      tpu.vector_store %arg8[%swap3A_1599, %swap3A_1600, %swap3A_1601], %swap3A_1604 {strides = array<i32>} : memref<39x128x16xi32, #tpu.memory_space<vmem>>, vector<1x1x16xi32>,
      %mul3A_1605 = arith.constant 128 : i32
      %mul3A_1606 = arith.muli %add3A_38, %mul3A_1605 : i32
      %add3A_1607 = arith.addi %mul3A_2, %mul3A_1606 : i32
      %add3A_1608 = arith.constant 101 : i32
      %add3A_1609 = arith.addi %add3A_1607, %add3A_1608 : i32
      %add3A_1610 = vector.broadcast %add3A_1609 : i32 to vector<16xi32>
      %add3A_1611 = arith.addi %broadcast_in_dim3A_3, %add3A_1610 : vector<16xi32>
      %swap3A_1612 = arith.constant 101 : i32
      %swap3A_1613 = arith.index_cast %add3A_38 : i32 to index
      %swap3A_1614 = arith.index_cast %swap3A_1612 : i32 to index
      %swap3A_1615 = arith.constant 0 : index
      %swap3A_1616 = tpu.vector_load %arg8[%swap3A_1613, %swap3A_1614, %swap3A_1615] {strides = array<i32>} : memref<39x128x16xi32, #tpu.memory_space<vmem>>, vector<1x1x16xi32>,
      %swap3A_1617 = vector.shape_cast %swap3A_1616 : vector<1x1x16xi32> to vector<16xi32>
      %swap3A_1618 = vector.shape_cast %add3A_1611 : vector<16xi32> to vector<1x1x16xi32>
      tpu.vector_store %arg8[%swap3A_1613, %swap3A_1614, %swap3A_1615], %swap3A_1618 {strides = array<i32>} : memref<39x128x16xi32, #tpu.memory_space<vmem>>, vector<1x1x16xi32>,
      %mul3A_1619 = arith.constant 128 : i32
      %mul3A_1620 = arith.muli %add3A_38, %mul3A_1619 : i32
      %add3A_1621 = arith.addi %mul3A_2, %mul3A_1620 : i32
      %add3A_1622 = arith.constant 102 : i32
      %add3A_1623 = arith.addi %add3A_1621, %add3A_1622 : i32
      %add3A_1624 = vector.broadcast %add3A_1623 : i32 to vector<16xi32>
      %add3A_1625 = arith.addi %broadcast_in_dim3A_3, %add3A_1624 : vector<16xi32>
      %swap3A_1626 = arith.constant 102 : i32
      %swap3A_1627 = arith.index_cast %add3A_38 : i32 to index
      %swap3A_1628 = arith.index_cast %swap3A_1626 : i32 to index
      %swap3A_1629 = arith.constant 0 : index
      %swap3A_1630 = tpu.vector_load %arg8[%swap3A_1627, %swap3A_1628, %swap3A_1629] {strides = array<i32>} : memref<39x128x16xi32, #tpu.memory_space<vmem>>, vector<1x1x16xi32>,
      %swap3A_1631 = vector.shape_cast %swap3A_1630 : vector<1x1x16xi32> to vector<16xi32>
      %swap3A_1632 = vector.shape_cast %add3A_1625 : vector<16xi32> to vector<1x1x16xi32>
      tpu.vector_store %arg8[%swap3A_1627, %swap3A_1628, %swap3A_1629], %swap3A_1632 {strides = array<i32>} : memref<39x128x16xi32, #tpu.memory_space<vmem>>, vector<1x1x16xi32>,
      %mul3A_1633 = arith.constant 128 : i32
      %mul3A_1634 = arith.muli %add3A_38, %mul3A_1633 : i32
      %add3A_1635 = arith.addi %mul3A_2, %mul3A_1634 : i32
      %add3A_1636 = arith.constant 103 : i32
      %add3A_1637 = arith.addi %add3A_1635, %add3A_1636 : i32
      %add3A_1638 = vector.broadcast %add3A_1637 : i32 to vector<16xi32>
      %add3A_1639 = arith.addi %broadcast_in_dim3A_3, %add3A_1638 : vector<16xi32>
      %swap3A_1640 = arith.constant 103 : i32
      %swap3A_1641 = arith.index_cast %add3A_38 : i32 to index
      %swap3A_1642 = arith.index_cast %swap3A_1640 : i32 to index
      %swap3A_1643 = arith.constant 0 : index
      %swap3A_1644 = tpu.vector_load %arg8[%swap3A_1641, %swap3A_1642, %swap3A_1643] {strides = array<i32>} : memref<39x128x16xi32, #tpu.memory_space<vmem>>, vector<1x1x16xi32>,
      %swap3A_1645 = vector.shape_cast %swap3A_1644 : vector<1x1x16xi32> to vector<16xi32>
      %swap3A_1646 = vector.shape_cast %add3A_1639 : vector<16xi32> to vector<1x1x16xi32>
      tpu.vector_store %arg8[%swap3A_1641, %swap3A_1642, %swap3A_1643], %swap3A_1646 {strides = array<i32>} : memref<39x128x16xi32, #tpu.memory_space<vmem>>, vector<1x1x16xi32>,
      %mul3A_1647 = arith.constant 128 : i32
      %mul3A_1648 = arith.muli %add3A_38, %mul3A_1647 : i32
      %add3A_1649 = arith.addi %mul3A_2, %mul3A_1648 : i32
      %add3A_1650 = arith.constant 104 : i32
      %add3A_1651 = arith.addi %add3A_1649, %add3A_1650 : i32
      %add3A_1652 = vector.broadcast %add3A_1651 : i32 to vector<16xi32>
      %add3A_1653 = arith.addi %broadcast_in_dim3A_3, %add3A_1652 : vector<16xi32>
      %swap3A_1654 = arith.constant 104 : i32
      %swap3A_1655 = arith.index_cast %add3A_38 : i32 to index
      %swap3A_1656 = arith.index_cast %swap3A_1654 : i32 to index
      %swap3A_1657 = arith.constant 0 : index
      %swap3A_1658 = tpu.vector_load %arg8[%swap3A_1655, %swap3A_1656, %swap3A_1657] {strides = array<i32>} : memref<39x128x16xi32, #tpu.memory_space<vmem>>, vector<1x1x16xi32>,
      %swap3A_1659 = vector.shape_cast %swap3A_1658 : vector<1x1x16xi32> to vector<16xi32>
      %swap3A_1660 = vector.shape_cast %add3A_1653 : vector<16xi32> to vector<1x1x16xi32>
      tpu.vector_store %arg8[%swap3A_1655, %swap3A_1656, %swap3A_1657], %swap3A_1660 {strides = array<i32>} : memref<39x128x16xi32, #tpu.memory_space<vmem>>, vector<1x1x16xi32>,
      %mul3A_1661 = arith.constant 128 : i32
      %mul3A_1662 = arith.muli %add3A_38, %mul3A_1661 : i32
      %add3A_1663 = arith.addi %mul3A_2, %mul3A_1662 : i32
      %add3A_1664 = arith.constant 105 : i32
      %add3A_1665 = arith.addi %add3A_1663, %add3A_1664 : i32
      %add3A_1666 = vector.broadcast %add3A_1665 : i32 to vector<16xi32>
      %add3A_1667 = arith.addi %broadcast_in_dim3A_3, %add3A_1666 : vector<16xi32>
      %swap3A_1668 = arith.constant 105 : i32
      %swap3A_1669 = arith.index_cast %add3A_38 : i32 to index
      %swap3A_1670 = arith.index_cast %swap3A_1668 : i32 to index
      %swap3A_1671 = arith.constant 0 : index
      %swap3A_1672 = tpu.vector_load %arg8[%swap3A_1669, %swap3A_1670, %swap3A_1671] {strides = array<i32>} : memref<39x128x16xi32, #tpu.memory_space<vmem>>, vector<1x1x16xi32>,
      %swap3A_1673 = vector.shape_cast %swap3A_1672 : vector<1x1x16xi32> to vector<16xi32>
      %swap3A_1674 = vector.shape_cast %add3A_1667 : vector<16xi32> to vector<1x1x16xi32>
      tpu.vector_store %arg8[%swap3A_1669, %swap3A_1670, %swap3A_1671], %swap3A_1674 {strides = array<i32>} : memref<39x128x16xi32, #tpu.memory_space<vmem>>, vector<1x1x16xi32>,
      %mul3A_1675 = arith.constant 128 : i32
      %mul3A_1676 = arith.muli %add3A_38, %mul3A_1675 : i32
      %add3A_1677 = arith.addi %mul3A_2, %mul3A_1676 : i32
      %add3A_1678 = arith.constant 106 : i32
      %add3A_1679 = arith.addi %add3A_1677, %add3A_1678 : i32
      %add3A_1680 = vector.broadcast %add3A_1679 : i32 to vector<16xi32>
      %add3A_1681 = arith.addi %broadcast_in_dim3A_3, %add3A_1680 : vector<16xi32>
      %swap3A_1682 = arith.constant 106 : i32
      %swap3A_1683 = arith.index_cast %add3A_38 : i32 to index
      %swap3A_1684 = arith.index_cast %swap3A_1682 : i32 to index
      %swap3A_1685 = arith.constant 0 : index
      %swap3A_1686 = tpu.vector_load %arg8[%swap3A_1683, %swap3A_1684, %swap3A_1685] {strides = array<i32>} : memref<39x128x16xi32, #tpu.memory_space<vmem>>, vector<1x1x16xi32>,
      %swap3A_1687 = vector.shape_cast %swap3A_1686 : vector<1x1x16xi32> to vector<16xi32>
      %swap3A_1688 = vector.shape_cast %add3A_1681 : vector<16xi32> to vector<1x1x16xi32>
      tpu.vector_store %arg8[%swap3A_1683, %swap3A_1684, %swap3A_1685], %swap3A_1688 {strides = array<i32>} : memref<39x128x16xi32, #tpu.memory_space<vmem>>, vector<1x1x16xi32>,
      %mul3A_1689 = arith.constant 128 : i32
      %mul3A_1690 = arith.muli %add3A_38, %mul3A_1689 : i32
      %add3A_1691 = arith.addi %mul3A_2, %mul3A_1690 : i32
      %add3A_1692 = arith.constant 107 : i32
      %add3A_1693 = arith.addi %add3A_1691, %add3A_1692 : i32
      %add3A_1694 = vector.broadcast %add3A_1693 : i32 to vector<16xi32>
      %add3A_1695 = arith.addi %broadcast_in_dim3A_3, %add3A_1694 : vector<16xi32>
      %swap3A_1696 = arith.constant 107 : i32
      %swap3A_1697 = arith.index_cast %add3A_38 : i32 to index
      %swap3A_1698 = arith.index_cast %swap3A_1696 : i32 to index
      %swap3A_1699 = arith.constant 0 : index
      %swap3A_1700 = tpu.vector_load %arg8[%swap3A_1697, %swap3A_1698, %swap3A_1699] {strides = array<i32>} : memref<39x128x16xi32, #tpu.memory_space<vmem>>, vector<1x1x16xi32>,
      %swap3A_1701 = vector.shape_cast %swap3A_1700 : vector<1x1x16xi32> to vector<16xi32>
      %swap3A_1702 = vector.shape_cast %add3A_1695 : vector<16xi32> to vector<1x1x16xi32>
      tpu.vector_store %arg8[%swap3A_1697, %swap3A_1698, %swap3A_1699], %swap3A_1702 {strides = array<i32>} : memref<39x128x16xi32, #tpu.memory_space<vmem>>, vector<1x1x16xi32>,
      %mul3A_1703 = arith.constant 128 : i32
      %mul3A_1704 = arith.muli %add3A_38, %mul3A_1703 : i32
      %add3A_1705 = arith.addi %mul3A_2, %mul3A_1704 : i32
      %add3A_1706 = arith.constant 108 : i32
      %add3A_1707 = arith.addi %add3A_1705, %add3A_1706 : i32
      %add3A_1708 = vector.broadcast %add3A_1707 : i32 to vector<16xi32>
      %add3A_1709 = arith.addi %broadcast_in_dim3A_3, %add3A_1708 : vector<16xi32>
      %swap3A_1710 = arith.constant 108 : i32
      %swap3A_1711 = arith.index_cast %add3A_38 : i32 to index
      %swap3A_1712 = arith.index_cast %swap3A_1710 : i32 to index
      %swap3A_1713 = arith.constant 0 : index
      %swap3A_1714 = tpu.vector_load %arg8[%swap3A_1711, %swap3A_1712, %swap3A_1713] {strides = array<i32>} : memref<39x128x16xi32, #tpu.memory_space<vmem>>, vector<1x1x16xi32>,
      %swap3A_1715 = vector.shape_cast %swap3A_1714 : vector<1x1x16xi32> to vector<16xi32>
      %swap3A_1716 = vector.shape_cast %add3A_1709 : vector<16xi32> to vector<1x1x16xi32>
      tpu.vector_store %arg8[%swap3A_1711, %swap3A_1712, %swap3A_1713], %swap3A_1716 {strides = array<i32>} : memref<39x128x16xi32, #tpu.memory_space<vmem>>, vector<1x1x16xi32>,
      %mul3A_1717 = arith.constant 128 : i32
      %mul3A_1718 = arith.muli %add3A_38, %mul3A_1717 : i32
      %add3A_1719 = arith.addi %mul3A_2, %mul3A_1718 : i32
      %add3A_1720 = arith.constant 109 : i32
      %add3A_1721 = arith.addi %add3A_1719, %add3A_1720 : i32
      %add3A_1722 = vector.broadcast %add3A_1721 : i32 to vector<16xi32>
      %add3A_1723 = arith.addi %broadcast_in_dim3A_3, %add3A_1722 : vector<16xi32>
      %swap3A_1724 = arith.constant 109 : i32
      %swap3A_1725 = arith.index_cast %add3A_38 : i32 to index
      %swap3A_1726 = arith.index_cast %swap3A_1724 : i32 to index
      %swap3A_1727 = arith.constant 0 : index
      %swap3A_1728 = tpu.vector_load %arg8[%swap3A_1725, %swap3A_1726, %swap3A_1727] {strides = array<i32>} : memref<39x128x16xi32, #tpu.memory_space<vmem>>, vector<1x1x16xi32>,
      %swap3A_1729 = vector.shape_cast %swap3A_1728 : vector<1x1x16xi32> to vector<16xi32>
      %swap3A_1730 = vector.shape_cast %add3A_1723 : vector<16xi32> to vector<1x1x16xi32>
      tpu.vector_store %arg8[%swap3A_1725, %swap3A_1726, %swap3A_1727], %swap3A_1730 {strides = array<i32>} : memref<39x128x16xi32, #tpu.memory_space<vmem>>, vector<1x1x16xi32>,
      %mul3A_1731 = arith.constant 128 : i32
      %mul3A_1732 = arith.muli %add3A_38, %mul3A_1731 : i32
      %add3A_1733 = arith.addi %mul3A_2, %mul3A_1732 : i32
      %add3A_1734 = arith.constant 110 : i32
      %add3A_1735 = arith.addi %add3A_1733, %add3A_1734 : i32
      %add3A_1736 = vector.broadcast %add3A_1735 : i32 to vector<16xi32>
      %add3A_1737 = arith.addi %broadcast_in_dim3A_3, %add3A_1736 : vector<16xi32>
      %swap3A_1738 = arith.constant 110 : i32
      %swap3A_1739 = arith.index_cast %add3A_38 : i32 to index
      %swap3A_1740 = arith.index_cast %swap3A_1738 : i32 to index
      %swap3A_1741 = arith.constant 0 : index
      %swap3A_1742 = tpu.vector_load %arg8[%swap3A_1739, %swap3A_1740, %swap3A_1741] {strides = array<i32>} : memref<39x128x16xi32, #tpu.memory_space<vmem>>, vector<1x1x16xi32>,
      %swap3A_1743 = vector.shape_cast %swap3A_1742 : vector<1x1x16xi32> to vector<16xi32>
      %swap3A_1744 = vector.shape_cast %add3A_1737 : vector<16xi32> to vector<1x1x16xi32>
      tpu.vector_store %arg8[%swap3A_1739, %swap3A_1740, %swap3A_1741], %swap3A_1744 {strides = array<i32>} : memref<39x128x16xi32, #tpu.memory_space<vmem>>, vector<1x1x16xi32>,
      %mul3A_1745 = arith.constant 128 : i32
      %mul3A_1746 = arith.muli %add3A_38, %mul3A_1745 : i32
      %add3A_1747 = arith.addi %mul3A_2, %mul3A_1746 : i32
      %add3A_1748 = arith.constant 111 : i32
      %add3A_1749 = arith.addi %add3A_1747, %add3A_1748 : i32
      %add3A_1750 = vector.broadcast %add3A_1749 : i32 to vector<16xi32>
      %add3A_1751 = arith.addi %broadcast_in_dim3A_3, %add3A_1750 : vector<16xi32>
      %swap3A_1752 = arith.constant 111 : i32
      %swap3A_1753 = arith.index_cast %add3A_38 : i32 to index
      %swap3A_1754 = arith.index_cast %swap3A_1752 : i32 to index
      %swap3A_1755 = arith.constant 0 : index
      %swap3A_1756 = tpu.vector_load %arg8[%swap3A_1753, %swap3A_1754, %swap3A_1755] {strides = array<i32>} : memref<39x128x16xi32, #tpu.memory_space<vmem>>, vector<1x1x16xi32>,
      %swap3A_1757 = vector.shape_cast %swap3A_1756 : vector<1x1x16xi32> to vector<16xi32>
      %swap3A_1758 = vector.shape_cast %add3A_1751 : vector<16xi32> to vector<1x1x16xi32>
      tpu.vector_store %arg8[%swap3A_1753, %swap3A_1754, %swap3A_1755], %swap3A_1758 {strides = array<i32>} : memref<39x128x16xi32, #tpu.memory_space<vmem>>, vector<1x1x16xi32>,
      %mul3A_1759 = arith.constant 128 : i32
      %mul3A_1760 = arith.muli %add3A_38, %mul3A_1759 : i32
      %add3A_1761 = arith.addi %mul3A_2, %mul3A_1760 : i32
      %add3A_1762 = arith.constant 112 : i32
      %add3A_1763 = arith.addi %add3A_1761, %add3A_1762 : i32
      %add3A_1764 = vector.broadcast %add3A_1763 : i32 to vector<16xi32>
      %add3A_1765 = arith.addi %broadcast_in_dim3A_3, %add3A_1764 : vector<16xi32>
      %swap3A_1766 = arith.constant 112 : i32
      %swap3A_1767 = arith.index_cast %add3A_38 : i32 to index
      %swap3A_1768 = arith.index_cast %swap3A_1766 : i32 to index
      %swap3A_1769 = arith.constant 0 : index
      %swap3A_1770 = tpu.vector_load %arg8[%swap3A_1767, %swap3A_1768, %swap3A_1769] {strides = array<i32>} : memref<39x128x16xi32, #tpu.memory_space<vmem>>, vector<1x1x16xi32>,
      %swap3A_1771 = vector.shape_cast %swap3A_1770 : vector<1x1x16xi32> to vector<16xi32>
      %swap3A_1772 = vector.shape_cast %add3A_1765 : vector<16xi32> to vector<1x1x16xi32>
      tpu.vector_store %arg8[%swap3A_1767, %swap3A_1768, %swap3A_1769], %swap3A_1772 {strides = array<i32>} : memref<39x128x16xi32, #tpu.memory_space<vmem>>, vector<1x1x16xi32>,
      %mul3A_1773 = arith.constant 128 : i32
      %mul3A_1774 = arith.muli %add3A_38, %mul3A_1773 : i32
      %add3A_1775 = arith.addi %mul3A_2, %mul3A_1774 : i32
      %add3A_1776 = arith.constant 113 : i32
      %add3A_1777 = arith.addi %add3A_1775, %add3A_1776 : i32
      %add3A_1778 = vector.broadcast %add3A_1777 : i32 to vector<16xi32>
      %add3A_1779 = arith.addi %broadcast_in_dim3A_3, %add3A_1778 : vector<16xi32>
      %swap3A_1780 = arith.constant 113 : i32
      %swap3A_1781 = arith.index_cast %add3A_38 : i32 to index
      %swap3A_1782 = arith.index_cast %swap3A_1780 : i32 to index
      %swap3A_1783 = arith.constant 0 : index
      %swap3A_1784 = tpu.vector_load %arg8[%swap3A_1781, %swap3A_1782, %swap3A_1783] {strides = array<i32>} : memref<39x128x16xi32, #tpu.memory_space<vmem>>, vector<1x1x16xi32>,
      %swap3A_1785 = vector.shape_cast %swap3A_1784 : vector<1x1x16xi32> to vector<16xi32>
      %swap3A_1786 = vector.shape_cast %add3A_1779 : vector<16xi32> to vector<1x1x16xi32>
      tpu.vector_store %arg8[%swap3A_1781, %swap3A_1782, %swap3A_1783], %swap3A_1786 {strides = array<i32>} : memref<39x128x16xi32, #tpu.memory_space<vmem>>, vector<1x1x16xi32>,
      %mul3A_1787 = arith.constant 128 : i32
      %mul3A_1788 = arith.muli %add3A_38, %mul3A_1787 : i32
      %add3A_1789 = arith.addi %mul3A_2, %mul3A_1788 : i32
      %add3A_1790 = arith.constant 114 : i32
      %add3A_1791 = arith.addi %add3A_1789, %add3A_1790 : i32
      %add3A_1792 = vector.broadcast %add3A_1791 : i32 to vector<16xi32>
      %add3A_1793 = arith.addi %broadcast_in_dim3A_3, %add3A_1792 : vector<16xi32>
      %swap3A_1794 = arith.constant 114 : i32
      %swap3A_1795 = arith.index_cast %add3A_38 : i32 to index
      %swap3A_1796 = arith.index_cast %swap3A_1794 : i32 to index
      %swap3A_1797 = arith.constant 0 : index
      %swap3A_1798 = tpu.vector_load %arg8[%swap3A_1795, %swap3A_1796, %swap3A_1797] {strides = array<i32>} : memref<39x128x16xi32, #tpu.memory_space<vmem>>, vector<1x1x16xi32>,
      %swap3A_1799 = vector.shape_cast %swap3A_1798 : vector<1x1x16xi32> to vector<16xi32>
      %swap3A_1800 = vector.shape_cast %add3A_1793 : vector<16xi32> to vector<1x1x16xi32>
      tpu.vector_store %arg8[%swap3A_1795, %swap3A_1796, %swap3A_1797], %swap3A_1800 {strides = array<i32>} : memref<39x128x16xi32, #tpu.memory_space<vmem>>, vector<1x1x16xi32>,
      %mul3A_1801 = arith.constant 128 : i32
      %mul3A_1802 = arith.muli %add3A_38, %mul3A_1801 : i32
      %add3A_1803 = arith.addi %mul3A_2, %mul3A_1802 : i32
      %add3A_1804 = arith.constant 115 : i32
      %add3A_1805 = arith.addi %add3A_1803, %add3A_1804 : i32
      %add3A_1806 = vector.broadcast %add3A_1805 : i32 to vector<16xi32>
      %add3A_1807 = arith.addi %broadcast_in_dim3A_3, %add3A_1806 : vector<16xi32>
      %swap3A_1808 = arith.constant 115 : i32
      %swap3A_1809 = arith.index_cast %add3A_38 : i32 to index
      %swap3A_1810 = arith.index_cast %swap3A_1808 : i32 to index
      %swap3A_1811 = arith.constant 0 : index
      %swap3A_1812 = tpu.vector_load %arg8[%swap3A_1809, %swap3A_1810, %swap3A_1811] {strides = array<i32>} : memref<39x128x16xi32, #tpu.memory_space<vmem>>, vector<1x1x16xi32>,
      %swap3A_1813 = vector.shape_cast %swap3A_1812 : vector<1x1x16xi32> to vector<16xi32>
      %swap3A_1814 = vector.shape_cast %add3A_1807 : vector<16xi32> to vector<1x1x16xi32>
      tpu.vector_store %arg8[%swap3A_1809, %swap3A_1810, %swap3A_1811], %swap3A_1814 {strides = array<i32>} : memref<39x128x16xi32, #tpu.memory_space<vmem>>, vector<1x1x16xi32>,
      %mul3A_1815 = arith.constant 128 : i32
      %mul3A_1816 = arith.muli %add3A_38, %mul3A_1815 : i32
      %add3A_1817 = arith.addi %mul3A_2, %mul3A_1816 : i32
      %add3A_1818 = arith.constant 116 : i32
      %add3A_1819 = arith.addi %add3A_1817, %add3A_1818 : i32
      %add3A_1820 = vector.broadcast %add3A_1819 : i32 to vector<16xi32>
      %add3A_1821 = arith.addi %broadcast_in_dim3A_3, %add3A_1820 : vector<16xi32>
      %swap3A_1822 = arith.constant 116 : i32
      %swap3A_1823 = arith.index_cast %add3A_38 : i32 to index
      %swap3A_1824 = arith.index_cast %swap3A_1822 : i32 to index
      %swap3A_1825 = arith.constant 0 : index
      %swap3A_1826 = tpu.vector_load %arg8[%swap3A_1823, %swap3A_1824, %swap3A_1825] {strides = array<i32>} : memref<39x128x16xi32, #tpu.memory_space<vmem>>, vector<1x1x16xi32>,
      %swap3A_1827 = vector.shape_cast %swap3A_1826 : vector<1x1x16xi32> to vector<16xi32>
      %swap3A_1828 = vector.shape_cast %add3A_1821 : vector<16xi32> to vector<1x1x16xi32>
      tpu.vector_store %arg8[%swap3A_1823, %swap3A_1824, %swap3A_1825], %swap3A_1828 {strides = array<i32>} : memref<39x128x16xi32, #tpu.memory_space<vmem>>, vector<1x1x16xi32>,
      %mul3A_1829 = arith.constant 128 : i32
      %mul3A_1830 = arith.muli %add3A_38, %mul3A_1829 : i32
      %add3A_1831 = arith.addi %mul3A_2, %mul3A_1830 : i32
      %add3A_1832 = arith.constant 117 : i32
      %add3A_1833 = arith.addi %add3A_1831, %add3A_1832 : i32
      %add3A_1834 = vector.broadcast %add3A_1833 : i32 to vector<16xi32>
      %add3A_1835 = arith.addi %broadcast_in_dim3A_3, %add3A_1834 : vector<16xi32>
      %swap3A_1836 = arith.constant 117 : i32
      %swap3A_1837 = arith.index_cast %add3A_38 : i32 to index
      %swap3A_1838 = arith.index_cast %swap3A_1836 : i32 to index
      %swap3A_1839 = arith.constant 0 : index
      %swap3A_1840 = tpu.vector_load %arg8[%swap3A_1837, %swap3A_1838, %swap3A_1839] {strides = array<i32>} : memref<39x128x16xi32, #tpu.memory_space<vmem>>, vector<1x1x16xi32>,
      %swap3A_1841 = vector.shape_cast %swap3A_1840 : vector<1x1x16xi32> to vector<16xi32>
      %swap3A_1842 = vector.shape_cast %add3A_1835 : vector<16xi32> to vector<1x1x16xi32>
      tpu.vector_store %arg8[%swap3A_1837, %swap3A_1838, %swap3A_1839], %swap3A_1842 {strides = array<i32>} : memref<39x128x16xi32, #tpu.memory_space<vmem>>, vector<1x1x16xi32>,
      %mul3A_1843 = arith.constant 128 : i32
      %mul3A_1844 = arith.muli %add3A_38, %mul3A_1843 : i32
      %add3A_1845 = arith.addi %mul3A_2, %mul3A_1844 : i32
      %add3A_1846 = arith.constant 118 : i32
      %add3A_1847 = arith.addi %add3A_1845, %add3A_1846 : i32
      %add3A_1848 = vector.broadcast %add3A_1847 : i32 to vector<16xi32>
      %add3A_1849 = arith.addi %broadcast_in_dim3A_3, %add3A_1848 : vector<16xi32>
      %swap3A_1850 = arith.constant 118 : i32
      %swap3A_1851 = arith.index_cast %add3A_38 : i32 to index
      %swap3A_1852 = arith.index_cast %swap3A_1850 : i32 to index
      %swap3A_1853 = arith.constant 0 : index
      %swap3A_1854 = tpu.vector_load %arg8[%swap3A_1851, %swap3A_1852, %swap3A_1853] {strides = array<i32>} : memref<39x128x16xi32, #tpu.memory_space<vmem>>, vector<1x1x16xi32>,
      %swap3A_1855 = vector.shape_cast %swap3A_1854 : vector<1x1x16xi32> to vector<16xi32>
      %swap3A_1856 = vector.shape_cast %add3A_1849 : vector<16xi32> to vector<1x1x16xi32>
      tpu.vector_store %arg8[%swap3A_1851, %swap3A_1852, %swap3A_1853], %swap3A_1856 {strides = array<i32>} : memref<39x128x16xi32, #tpu.memory_space<vmem>>, vector<1x1x16xi32>,
      %mul3A_1857 = arith.constant 128 : i32
      %mul3A_1858 = arith.muli %add3A_38, %mul3A_1857 : i32
      %add3A_1859 = arith.addi %mul3A_2, %mul3A_1858 : i32
      %add3A_1860 = arith.constant 119 : i32
      %add3A_1861 = arith.addi %add3A_1859, %add3A_1860 : i32
      %add3A_1862 = vector.broadcast %add3A_1861 : i32 to vector<16xi32>
      %add3A_1863 = arith.addi %broadcast_in_dim3A_3, %add3A_1862 : vector<16xi32>
      %swap3A_1864 = arith.constant 119 : i32
      %swap3A_1865 = arith.index_cast %add3A_38 : i32 to index
      %swap3A_1866 = arith.index_cast %swap3A_1864 : i32 to index
      %swap3A_1867 = arith.constant 0 : index
      %swap3A_1868 = tpu.vector_load %arg8[%swap3A_1865, %swap3A_1866, %swap3A_1867] {strides = array<i32>} : memref<39x128x16xi32, #tpu.memory_space<vmem>>, vector<1x1x16xi32>,
      %swap3A_1869 = vector.shape_cast %swap3A_1868 : vector<1x1x16xi32> to vector<16xi32>
      %swap3A_1870 = vector.shape_cast %add3A_1863 : vector<16xi32> to vector<1x1x16xi32>
      tpu.vector_store %arg8[%swap3A_1865, %swap3A_1866, %swap3A_1867], %swap3A_1870 {strides = array<i32>} : memref<39x128x16xi32, #tpu.memory_space<vmem>>, vector<1x1x16xi32>,
      %mul3A_1871 = arith.constant 128 : i32
      %mul3A_1872 = arith.muli %add3A_38, %mul3A_1871 : i32
      %add3A_1873 = arith.addi %mul3A_2, %mul3A_1872 : i32
      %add3A_1874 = arith.constant 120 : i32
      %add3A_1875 = arith.addi %add3A_1873, %add3A_1874 : i32
      %add3A_1876 = vector.broadcast %add3A_1875 : i32 to vector<16xi32>
      %add3A_1877 = arith.addi %broadcast_in_dim3A_3, %add3A_1876 : vector<16xi32>
      %swap3A_1878 = arith.constant 120 : i32
      %swap3A_1879 = arith.index_cast %add3A_38 : i32 to index
      %swap3A_1880 = arith.index_cast %swap3A_1878 : i32 to index
      %swap3A_1881 = arith.constant 0 : index
      %swap3A_1882 = tpu.vector_load %arg8[%swap3A_1879, %swap3A_1880, %swap3A_1881] {strides = array<i32>} : memref<39x128x16xi32, #tpu.memory_space<vmem>>, vector<1x1x16xi32>,
      %swap3A_1883 = vector.shape_cast %swap3A_1882 : vector<1x1x16xi32> to vector<16xi32>
      %swap3A_1884 = vector.shape_cast %add3A_1877 : vector<16xi32> to vector<1x1x16xi32>
      tpu.vector_store %arg8[%swap3A_1879, %swap3A_1880, %swap3A_1881], %swap3A_1884 {strides = array<i32>} : memref<39x128x16xi32, #tpu.memory_space<vmem>>, vector<1x1x16xi32>,
      %mul3A_1885 = arith.constant 128 : i32
      %mul3A_1886 = arith.muli %add3A_38, %mul3A_1885 : i32
      %add3A_1887 = arith.addi %mul3A_2, %mul3A_1886 : i32
      %add3A_1888 = arith.constant 121 : i32
      %add3A_1889 = arith.addi %add3A_1887, %add3A_1888 : i32
      %add3A_1890 = vector.broadcast %add3A_1889 : i32 to vector<16xi32>
      %add3A_1891 = arith.addi %broadcast_in_dim3A_3, %add3A_1890 : vector<16xi32>
      %swap3A_1892 = arith.constant 121 : i32
      %swap3A_1893 = arith.index_cast %add3A_38 : i32 to index
      %swap3A_1894 = arith.index_cast %swap3A_1892 : i32 to index
      %swap3A_1895 = arith.constant 0 : index
      %swap3A_1896 = tpu.vector_load %arg8[%swap3A_1893, %swap3A_1894, %swap3A_1895] {strides = array<i32>} : memref<39x128x16xi32, #tpu.memory_space<vmem>>, vector<1x1x16xi32>,
      %swap3A_1897 = vector.shape_cast %swap3A_1896 : vector<1x1x16xi32> to vector<16xi32>
      %swap3A_1898 = vector.shape_cast %add3A_1891 : vector<16xi32> to vector<1x1x16xi32>
      tpu.vector_store %arg8[%swap3A_1893, %swap3A_1894, %swap3A_1895], %swap3A_1898 {strides = array<i32>} : memref<39x128x16xi32, #tpu.memory_space<vmem>>, vector<1x1x16xi32>,
      %mul3A_1899 = arith.constant 128 : i32
      %mul3A_1900 = arith.muli %add3A_38, %mul3A_1899 : i32
      %add3A_1901 = arith.addi %mul3A_2, %mul3A_1900 : i32
      %add3A_1902 = arith.constant 122 : i32
      %add3A_1903 = arith.addi %add3A_1901, %add3A_1902 : i32
      %add3A_1904 = vector.broadcast %add3A_1903 : i32 to vector<16xi32>
      %add3A_1905 = arith.addi %broadcast_in_dim3A_3, %add3A_1904 : vector<16xi32>
      %swap3A_1906 = arith.constant 122 : i32
      %swap3A_1907 = arith.index_cast %add3A_38 : i32 to index
      %swap3A_1908 = arith.index_cast %swap3A_1906 : i32 to index
      %swap3A_1909 = arith.constant 0 : index
      %swap3A_1910 = tpu.vector_load %arg8[%swap3A_1907, %swap3A_1908, %swap3A_1909] {strides = array<i32>} : memref<39x128x16xi32, #tpu.memory_space<vmem>>, vector<1x1x16xi32>,
      %swap3A_1911 = vector.shape_cast %swap3A_1910 : vector<1x1x16xi32> to vector<16xi32>
      %swap3A_1912 = vector.shape_cast %add3A_1905 : vector<16xi32> to vector<1x1x16xi32>
      tpu.vector_store %arg8[%swap3A_1907, %swap3A_1908, %swap3A_1909], %swap3A_1912 {strides = array<i32>} : memref<39x128x16xi32, #tpu.memory_space<vmem>>, vector<1x1x16xi32>,
      %mul3A_1913 = arith.constant 128 : i32
      %mul3A_1914 = arith.muli %add3A_38, %mul3A_1913 : i32
      %add3A_1915 = arith.addi %mul3A_2, %mul3A_1914 : i32
      %add3A_1916 = arith.constant 123 : i32
      %add3A_1917 = arith.addi %add3A_1915, %add3A_1916 : i32
      %add3A_1918 = vector.broadcast %add3A_1917 : i32 to vector<16xi32>
      %add3A_1919 = arith.addi %broadcast_in_dim3A_3, %add3A_1918 : vector<16xi32>
      %swap3A_1920 = arith.constant 123 : i32
      %swap3A_1921 = arith.index_cast %add3A_38 : i32 to index
      %swap3A_1922 = arith.index_cast %swap3A_1920 : i32 to index
      %swap3A_1923 = arith.constant 0 : index
      %swap3A_1924 = tpu.vector_load %arg8[%swap3A_1921, %swap3A_1922, %swap3A_1923] {strides = array<i32>} : memref<39x128x16xi32, #tpu.memory_space<vmem>>, vector<1x1x16xi32>,
      %swap3A_1925 = vector.shape_cast %swap3A_1924 : vector<1x1x16xi32> to vector<16xi32>
      %swap3A_1926 = vector.shape_cast %add3A_1919 : vector<16xi32> to vector<1x1x16xi32>
      tpu.vector_store %arg8[%swap3A_1921, %swap3A_1922, %swap3A_1923], %swap3A_1926 {strides = array<i32>} : memref<39x128x16xi32, #tpu.memory_space<vmem>>, vector<1x1x16xi32>,
      %mul3A_1927 = arith.constant 128 : i32
      %mul3A_1928 = arith.muli %add3A_38, %mul3A_1927 : i32
      %add3A_1929 = arith.addi %mul3A_2, %mul3A_1928 : i32
      %add3A_1930 = arith.constant 124 : i32
      %add3A_1931 = arith.addi %add3A_1929, %add3A_1930 : i32
      %add3A_1932 = vector.broadcast %add3A_1931 : i32 to vector<16xi32>
      %add3A_1933 = arith.addi %broadcast_in_dim3A_3, %add3A_1932 : vector<16xi32>
      %swap3A_1934 = arith.constant 124 : i32
      %swap3A_1935 = arith.index_cast %add3A_38 : i32 to index
      %swap3A_1936 = arith.index_cast %swap3A_1934 : i32 to index
      %swap3A_1937 = arith.constant 0 : index
      %swap3A_1938 = tpu.vector_load %arg8[%swap3A_1935, %swap3A_1936, %swap3A_1937] {strides = array<i32>} : memref<39x128x16xi32, #tpu.memory_space<vmem>>, vector<1x1x16xi32>,
      %swap3A_1939 = vector.shape_cast %swap3A_1938 : vector<1x1x16xi32> to vector<16xi32>
      %swap3A_1940 = vector.shape_cast %add3A_1933 : vector<16xi32> to vector<1x1x16xi32>
      tpu.vector_store %arg8[%swap3A_1935, %swap3A_1936, %swap3A_1937], %swap3A_1940 {strides = array<i32>} : memref<39x128x16xi32, #tpu.memory_space<vmem>>, vector<1x1x16xi32>,
      %mul3A_1941 = arith.constant 128 : i32
      %mul3A_1942 = arith.muli %add3A_38, %mul3A_1941 : i32
      %add3A_1943 = arith.addi %mul3A_2, %mul3A_1942 : i32
      %add3A_1944 = arith.constant 125 : i32
      %add3A_1945 = arith.addi %add3A_1943, %add3A_1944 : i32
      %add3A_1946 = vector.broadcast %add3A_1945 : i32 to vector<16xi32>
      %add3A_1947 = arith.addi %broadcast_in_dim3A_3, %add3A_1946 : vector<16xi32>
      %swap3A_1948 = arith.constant 125 : i32
      %swap3A_1949 = arith.index_cast %add3A_38 : i32 to index
      %swap3A_1950 = arith.index_cast %swap3A_1948 : i32 to index
      %swap3A_1951 = arith.constant 0 : index
      %swap3A_1952 = tpu.vector_load %arg8[%swap3A_1949, %swap3A_1950, %swap3A_1951] {strides = array<i32>} : memref<39x128x16xi32, #tpu.memory_space<vmem>>, vector<1x1x16xi32>,
      %swap3A_1953 = vector.shape_cast %swap3A_1952 : vector<1x1x16xi32> to vector<16xi32>
      %swap3A_1954 = vector.shape_cast %add3A_1947 : vector<16xi32> to vector<1x1x16xi32>
      tpu.vector_store %arg8[%swap3A_1949, %swap3A_1950, %swap3A_1951], %swap3A_1954 {strides = array<i32>} : memref<39x128x16xi32, #tpu.memory_space<vmem>>, vector<1x1x16xi32>,
      %mul3A_1955 = arith.constant 128 : i32
      %mul3A_1956 = arith.muli %add3A_38, %mul3A_1955 : i32
      %add3A_1957 = arith.addi %mul3A_2, %mul3A_1956 : i32
      %add3A_1958 = arith.constant 126 : i32
      %add3A_1959 = arith.addi %add3A_1957, %add3A_1958 : i32
      %add3A_1960 = vector.broadcast %add3A_1959 : i32 to vector<16xi32>
      %add3A_1961 = arith.addi %broadcast_in_dim3A_3, %add3A_1960 : vector<16xi32>
      %swap3A_1962 = arith.constant 126 : i32
      %swap3A_1963 = arith.index_cast %add3A_38 : i32 to index
      %swap3A_1964 = arith.index_cast %swap3A_1962 : i32 to index
      %swap3A_1965 = arith.constant 0 : index
      %swap3A_1966 = tpu.vector_load %arg8[%swap3A_1963, %swap3A_1964, %swap3A_1965] {strides = array<i32>} : memref<39x128x16xi32, #tpu.memory_space<vmem>>, vector<1x1x16xi32>,
      %swap3A_1967 = vector.shape_cast %swap3A_1966 : vector<1x1x16xi32> to vector<16xi32>
      %swap3A_1968 = vector.shape_cast %add3A_1961 : vector<16xi32> to vector<1x1x16xi32>
      tpu.vector_store %arg8[%swap3A_1963, %swap3A_1964, %swap3A_1965], %swap3A_1968 {strides = array<i32>} : memref<39x128x16xi32, #tpu.memory_space<vmem>>, vector<1x1x16xi32>,
      %mul3A_1969 = arith.constant 128 : i32
      %mul3A_1970 = arith.muli %add3A_38, %mul3A_1969 : i32
      %add3A_1971 = arith.addi %mul3A_2, %mul3A_1970 : i32
      %add3A_1972 = arith.constant 127 : i32
      %add3A_1973 = arith.addi %add3A_1971, %add3A_1972 : i32
      %add3A_1974 = vector.broadcast %add3A_1973 : i32 to vector<16xi32>
      %add3A_1975 = arith.addi %broadcast_in_dim3A_3, %add3A_1974 : vector<16xi32>
      %swap3A_1976 = arith.constant 127 : i32
      %swap3A_1977 = arith.index_cast %add3A_38 : i32 to index
      %swap3A_1978 = arith.index_cast %swap3A_1976 : i32 to index
      %swap3A_1979 = arith.constant 0 : index
      %swap3A_1980 = tpu.vector_load %arg8[%swap3A_1977, %swap3A_1978, %swap3A_1979] {strides = array<i32>} : memref<39x128x16xi32, #tpu.memory_space<vmem>>, vector<1x1x16xi32>,
      %swap3A_1981 = vector.shape_cast %swap3A_1980 : vector<1x1x16xi32> to vector<16xi32>
      %swap3A_1982 = vector.shape_cast %add3A_1975 : vector<16xi32> to vector<1x1x16xi32>
      tpu.vector_store %arg8[%swap3A_1977, %swap3A_1978, %swap3A_1979], %swap3A_1982 {strides = array<i32>} : memref<39x128x16xi32, #tpu.memory_space<vmem>>, vector<1x1x16xi32>,
      %dma_start3A_1983 = arith.constant 0 : i32
      %dma_start3A_1984 = arith.constant 0 : i32
      %dma_start3A_1985 = tpu.memref_slice %arg8[%add3A_38, %dma_start3A_1983, %dma_start3A_1984] : memref<39x128x16xi32, #tpu.memory_space<vmem>> -> memref<1x128x16xi32, #tpu.memory_space<vmem>>
      %dma_start3A_1986 = tpu.memref_squeeze %dma_start3A_1985 : memref<1x128x16xi32, #tpu.memory_space<vmem>> -> memref<128x16xi32, #tpu.memory_space<vmem>>
      %dma_start3A_1987 = arith.constant 0 : i32
      %dma_start3A_1988 = tpu.memref_slice %arg7[%add3A_38, %dma_start3A_1987] : memref<39x128xi32, #tpu.memory_space<vmem>> -> memref<1x128xi32, #tpu.memory_space<vmem>>
      %dma_start3A_1989 = tpu.memref_squeeze %dma_start3A_1988 : memref<1x128xi32, #tpu.memory_space<vmem>> -> memref<128xi32, #tpu.memory_space<vmem>>
      %dma_start3A_1990 = arith.constant 0 : i32
      %dma_start3A_1991 = arith.constant 0 : i32
      %dma_start3A_1992 = tpu.memref_slice %arg4[%dma_start3A_1990, %dma_start3A_1991] : memref<100000000x16xi32, #tpu.memory_space<hbm>> -> memref<100000000x16xi32, #tpu.memory_space<hbm>>
      tpu.enqueue_indirect_dma source(%dma_start3A_1986 : memref<128x16xi32, #tpu.memory_space<vmem>>) target(%dma_start3A_1992 : memref<100000000x16xi32, #tpu.memory_space<hbm>>) offsets(%dma_start3A_1989 : memref<128xi32, #tpu.memory_space<vmem>>) semaphore(%arg11 : memref<!tpu.dma_semaphore, #tpu.memory_space<semaphore_mem>>)
    }
    %scan3A_7 = arith.constant 39 : i32
    %get3A = arith.constant 4984 : index
    %get3A_8 = tpu.vector_load %arg5[%get3A] {strides = array<i32>} : memref<5000xi32, #tpu.memory_space<vmem>>, vector<16xi32>,
    %get3A_9 = vector.shape_cast %get3A_8 : vector<16xi32> to vector<16xi32>
    %mul3A_10 = arith.constant 10000 : i32
    %mul3A_11 = vector.broadcast %mul3A_10 : i32 to vector<16xi32>
    %mul3A_12 = arith.muli %get3A_9, %mul3A_11 : vector<16xi32>
    %get3A_13 = arith.constant 4984 : index
    %get3A_14 = tpu.vector_load %arg6[%get3A_13] {strides = array<i32>} : memref<5000xi32, #tpu.memory_space<vmem>>, vector<16xi32>,
    %get3A_15 = vector.shape_cast %get3A_14 : vector<16xi32> to vector<16xi32>
    %add3A_16 = arith.addi %mul3A_12, %get3A_15 : vector<16xi32>
    %swap3A = arith.constant 0 : index
    %swap3A_17 = tpu.vector_load %arg9[%swap3A] {strides = array<i32>} : memref<16xi32, #tpu.memory_space<vmem>>, vector<16xi32>,
    %swap3A_18 = vector.shape_cast %swap3A_17 : vector<16xi32> to vector<16xi32>
    %swap3A_19 = vector.shape_cast %add3A_16 : vector<16xi32> to vector<16xi32>
    tpu.vector_store %arg9[%swap3A], %swap3A_19 {strides = array<i32>} : memref<16xi32, #tpu.memory_space<vmem>>, vector<16xi32>,
    %scan3A_20 = arith.constant 0 : i32
    %scan3A_21 = arith.constant 16 : i32
    %scan3A_22 = arith.addi %scan3A_20, %scan3A_21 : i32
    %scan3A_23 = arith.constant 1 : i32
    scf.for %scan3A_34 = %scan3A_20 to %scan3A_22 step %scan3A_23  : i32 {
      %mul3A_35 = arith.constant 1 : i32
      %mul3A_36 = arith.muli %scan3A_34, %mul3A_35 : i32
      %add3A_37 = arith.constant 0 : i32
      %add3A_38 = arith.addi %add3A_37, %mul3A_36 : i32
      %add3A_39 = arith.constant 4984 : i32
      %add3A_40 = arith.addi %mul3A_2, %add3A_39 : i32
      %add3A_41 = arith.addi %add3A_40, %add3A_38 : i32
      %add3A_42 = vector.broadcast %add3A_41 : i32 to vector<16xi32>
      %add3A_43 = arith.addi %broadcast_in_dim3A_3, %add3A_42 : vector<16xi32>
      %swap3A_44 = arith.index_cast %add3A_38 : i32 to index
      %swap3A_45 = arith.constant 0 : index
      %swap3A_46 = tpu.vector_load %arg10[%swap3A_44, %swap3A_45] {strides = array<i32>} : memref<16x16xi32, #tpu.memory_space<vmem>>, vector<1x16xi32>,
      %swap3A_47 = vector.shape_cast %swap3A_46 : vector<1x16xi32> to vector<16xi32>
      %swap3A_48 = vector.shape_cast %add3A_43 : vector<16xi32> to vector<1x16xi32>
      tpu.vector_store %arg10[%swap3A_44, %swap3A_45], %swap3A_48 {strides = array<i32>} : memref<16x16xi32, #tpu.memory_space<vmem>>, vector<1x16xi32>,
    }
    %scan3A_24 = arith.constant 16 : i32
    %dma_start3A = arith.constant 0 : i32
    %dma_start3A_25 = arith.constant 0 : i32
    %dma_start3A_26 = tpu.memref_slice %arg4[%dma_start3A, %dma_start3A_25] : memref<100000000x16xi32, #tpu.memory_space<hbm>> -> memref<100000000x16xi32, #tpu.memory_space<hbm>>
    tpu.enqueue_indirect_dma source(%arg10 : memref<16x16xi32, #tpu.memory_space<vmem>>) target(%dma_start3A_26 : memref<100000000x16xi32, #tpu.memory_space<hbm>>) offsets(%arg9 : memref<16xi32, #tpu.memory_space<vmem>>) semaphore(%arg11 : memref<!tpu.dma_semaphore, #tpu.memory_space<semaphore_mem>>)
    %scan3A_27 = arith.constant 0 : i32
    %scan3A_28 = arith.constant 39 : i32
    %scan3A_29 = arith.addi %scan3A_27, %scan3A_28 : i32
    %scan3A_30 = arith.constant 1 : i32
    scf.for %scan3A_34 = %scan3A_27 to %scan3A_29 step %scan3A_30  : i32 {
      %mul3A_35 = arith.constant 1 : i32
      %mul3A_36 = arith.muli %scan3A_34, %mul3A_35 : i32
      %add3A_37 = arith.constant 0 : i32
      %add3A_38 = arith.addi %add3A_37, %mul3A_36 : i32
      %dma_wait3A_39 = arith.constant 0 : i32
      %dma_wait3A_40 = arith.constant 0 : i32
      %dma_wait3A_41 = tpu.memref_slice %arg8[%add3A_38, %dma_wait3A_39, %dma_wait3A_40] : memref<39x128x16xi32, #tpu.memory_space<vmem>> -> memref<1x128x16xi32, #tpu.memory_space<vmem>>
      %dma_wait3A_42 = tpu.memref_squeeze %dma_wait3A_41 : memref<1x128x16xi32, #tpu.memory_space<vmem>> -> memref<128x16xi32, #tpu.memory_space<vmem>>
      %dma_wait3A_43 = arith.constant 0 : i32
      %dma_wait3A_44 = tpu.memref_slice %arg7[%add3A_38, %dma_wait3A_43] : memref<39x128xi32, #tpu.memory_space<vmem>> -> memref<1x128xi32, #tpu.memory_space<vmem>>
      %dma_wait3A_45 = tpu.memref_squeeze %dma_wait3A_44 : memref<1x128xi32, #tpu.memory_space<vmem>> -> memref<128xi32, #tpu.memory_space<vmem>>
      %dma_wait3A_46 = arith.constant 0 : i32
      %dma_wait3A_47 = arith.constant 0 : i32
      %dma_wait3A_48 = tpu.memref_slice %arg4[%dma_wait3A_46, %dma_wait3A_47] : memref<100000000x16xi32, #tpu.memory_space<hbm>> -> memref<100000000x16xi32, #tpu.memory_space<hbm>>
      tpu.wait_indirect_dma semaphore(%arg11 : memref<!tpu.dma_semaphore, #tpu.memory_space<semaphore_mem>>) src(%dma_wait3A_42 : memref<128x16xi32, #tpu.memory_space<vmem>>) dst(%dma_wait3A_48 : memref<100000000x16xi32, #tpu.memory_space<hbm>>)
    }
    %scan3A_31 = arith.constant 39 : i32
    %dma_wait3A = arith.constant 0 : i32
    %dma_wait3A_32 = arith.constant 0 : i32
    %dma_wait3A_33 = tpu.memref_slice %arg4[%dma_wait3A, %dma_wait3A_32] : memref<100000000x16xi32, #tpu.memory_space<hbm>> -> memref<100000000x16xi32, #tpu.memory_space<hbm>>
    tpu.wait_indirect_dma semaphore(%arg11 : memref<!tpu.dma_semaphore, #tpu.memory_space<semaphore_mem>>) src(%arg10 : memref<16x16xi32, #tpu.memory_space<vmem>>) dst(%dma_wait3A_33 : memref<100000000x16xi32, #tpu.memory_space<hbm>>)
    return
  }
}

</mosaic_0001>

<sc_bundles>
// kernel: _scatter_ids.3.cloned.1.call-start
scs
__scs_entry_jumppad:
0x0: {  	(pc) =	sbr.rel $0x88, $3  }
0x1: {  	(tag) =	ssettag $0x0;
	lr =	simm.s32 $0x1  }
0x2: {  	[smem:$0x3F9F] =	sst lr;
	_ =	strace $0xD0000000  }
0x3: {  	_ = 	snop  }
0x4: {  	_ = 	snop  }
0x5: {  	_ = 	snop  }
0x6: {  	_ = 	snop  }
0x7: {  	_ = 	snop  }
__scs_overlays_trampoline_lowered:
0x8: {  	[smem:$0x3FAE] =	sst s0  }
0x9: {  	[smem:$0x3FAF] =	sst s1  }
0xa: {  	[smem:$0x3FB0] =	sst s2  }
0xb: {  	[smem:$0x3FB1] =	sst s3  }
0xc: {  	[smem:$0x3FB2] =	sst s4  }
0xd: {  	[smem:$0x3FB3] =	sst s5  }
0xe: {  	[smem:$0x3FB4] =	sst s6  }
0xf: {  	[smem:$0x3FB5] =	sst s7  }
0x10: {  	[smem:$0x3FB6] =	sst s8  }
0x11: {  	[smem:$0x3FB7] =	sst s9;
	s0 =	simm.s32 @!p0 $0x0  }
0x12: {  	s1 =	sld [smem:$0x3F9D];
	s0 =	simm.s32 @p0 $0x1  }
0x13: {  	[smem:$0x3FB8] =	sst s0;
	s0 =	simm.s32 @!p1 $0x0  }
0x14: {  	s2 =	sld [smem:$0x3F9C];
	s0 =	simm.s32 @p1 $0x1  }
0x15: {  	[smem:$0x3FB9] =	sst s0;
	s0 =	simm.s32 @!p2 $0x0  }
0x16: {  	s3 =	sld [smem:$0x3FDB];
	s0 =	simm.s32 @p2 $0x1  }
0x17: {  	s4 =	simm.s32 $0x1BF5;
	[smem:$0x3FBB] =	sst s0  }
0x18: {  	s0 =	sld [smem:$0x3F9E];
	_ =	swait.ge [sflag:s4], $0x0  }
0x19: {  	s7 =	sld [smem:$0x3F9F]  }
0x1a: {  	s8 =	sadd.s32 $0xFFFFE003, lr  }
0x1b: {  	s9 =	sadd.s32 $0xFFFFFEF7, lr;
	s5 =	simm.s32 $0xFFFFFFFF;
	p2 =	slt.u32 s8, $0xFFFFF086  }
0x1c: {  	p1 =	slt.u32 s9, $0xF7A;
	s5 =	simm.s32 @!p2 $0x0  }
0x1d: {  	s5 =	simm.s32 @p1 $0x1;
	p0 =	seq.s32 s7, s2  }
0x1e: {  	s7 =	smul.u32 @!p0 $0xF7A, s2;
	p2 =	seq.s32 @!p0 s5, $0x0  }
0x1f: {  	s9 =	smul.u32 $0xF7A, s1;
	s8 =	simm.s32 @!p0 $0x1BF5;
	p2 =	por !p2, p0  }
0x20: {  	[sflag:s8] =	ssyncset.s32 @!p0 $0xFFFFF086;
	s6 =	sadd.s32 @!p0 s3, s7;
	s7 =	simm.s32 @!p0 $0x108  }
0x21: {  	s3 =	sadd.s32 s3, s9;
	s6 =	sadd.s32 @!p0 $0x88, s6;
	s7 =	simm.s32 @p2 $0x1082  }
0x22: {  	[simem:s7], [sflag:s8] =	dma.local @!p0 [hbm:s6], $0xF7A  }
0x23: {  	s9 =	sor.u32 $0xD0000000, s2;
	s6 =	simm.s32 $0x108;
	_ =	swait.ge @!p0 [sflag:s8], $0x0  }
0x24: {  	s3 =	sadd.s32 $0x88, s3;
	s6 =	simm.s32 @!p1 $0x1082;
	[sflag:s4] =	ssyncset.s32 $0xFFFFF086  }
0x25: {  	[simem:s6], [sflag:s4] =	dma.local [hbm:s3], $0xF7A  }
0x26: {  	[smem:$0x3F9F] =	sst s1;
	(tag) =	ssettag s2;
	_ =	strace s9  }
0x27: {  	s1 =	sld [smem:$0x3FAF]  }
0x28: {  	s2 =	sld [smem:$0x3FB0]  }
0x29: {  	s4 =	sld [smem:$0x3FB2]  }
0x2a: {  	p0 =	seq.s32 s5, $0x0;
	s5 =	sld [smem:$0x3FB3]  }
0x2b: {  	s6 =	sld [smem:$0x3FB4]  }
0x2c: {  	s7 =	sld [smem:$0x3FB5]  }
0x2d: {  	s3 =	simm.s32 $0x108;
	s8 =	sld [smem:$0x3FB6]  }
0x2e: {  	s3 =	simm.s32 @!p0 $0x1082;
	s9 =	sld [smem:$0x3FB7]  }
0x2f: {  	lr =	sadd.s32 s0, s3;
	s0 =	sld [smem:$0x3FAE]  }
0x30: {  	s3 =	sld [smem:$0x3FB1]  }
0x31: {  	[smem:$0x3FBA] =	sst s10  }
0x32: {  	s10 =	sld [smem:$0x3FB8];
	_ =	sdelay $0x3  }
0x33: {  	p0 =	seq.s32 s10, $0x1;
	s10 =	sld [smem:$0x3FBA];
	_ =	sdelay $0x3  }
0x34: {  	[smem:$0x3FBA] =	sst s10  }
0x35: {  	s10 =	sld [smem:$0x3FB9];
	_ =	sdelay $0x3  }
0x36: {  	p1 =	seq.s32 s10, $0x1;
	s10 =	sld [smem:$0x3FBA];
	_ =	sdelay $0x3  }
0x37: {  	[smem:$0x3FBA] =	sst s10  }
0x38: {  	s10 =	sld [smem:$0x3FBB]  }
0x39: {  	_ = 	snop;
	(pc) =	sbr.ind lr, $3  }
0x3a: {  	_ = 	snop  }
0x3b: {  	_ = 	snop  }
0x3c: {  	p2 =	seq.s32 s10, $0x1;
	s10 =	sld [smem:$0x3FBA]  }
0x3d: {  	_ =	shalt  }
0x3e: {  	_ =	shalt  }
0x3f: {  	_ =	shalt  }
0x40: {  	_ =	shalt  }
0x41: {  	_ =	shalt  }
0x42: {  	_ =	shalt  }
0x43: {  	_ =	shalt  }
0x44: {  	_ =	shalt  }
0x45: {  	_ =	shalt  }
0x46: {  	_ =	shalt  }
0x47: {  	_ =	shalt  }
0x48: {  	_ =	shalt  }
0x49: {  	_ =	shalt  }
0x4a: {  	_ =	shalt  }
0x4b: {  	_ =	shalt  }
0x4c: {  	_ =	shalt  }
0x4d: {  	_ =	shalt  }
0x4e: {  	_ =	shalt  }
0x4f: {  	_ =	shalt  }
0x50: {  	_ =	shalt  }
0x51: {  	_ =	shalt  }
0x52: {  	_ =	shalt  }
0x53: {  	_ =	shalt  }
0x54: {  	_ =	shalt  }
0x55: {  	_ =	shalt  }
0x56: {  	_ =	shalt  }
0x57: {  	_ =	shalt  }
0x58: {  	_ =	shalt  }
0x59: {  	_ =	shalt  }
0x5a: {  	_ =	shalt  }
0x5b: {  	_ =	shalt  }
0x5c: {  	_ =	shalt  }
0x5d: {  	_ =	shalt  }
0x5e: {  	_ =	shalt  }
0x5f: {  	_ =	shalt  }
0x60: {  	_ =	shalt  }
0x61: {  	_ =	shalt  }
0x62: {  	_ =	shalt  }
0x63: {  	_ =	shalt  }
0x64: {  	_ =	shalt  }
0x65: {  	_ =	shalt  }
0x66: {  	_ =	shalt  }
0x67: {  	_ =	shalt  }
0x68: {  	_ =	shalt  }
0x69: {  	_ =	shalt  }
0x6a: {  	_ =	shalt  }
0x6b: {  	_ =	shalt  }
0x6c: {  	_ =	shalt  }
0x6d: {  	_ =	shalt  }
0x6e: {  	_ =	shalt  }
0x6f: {  	_ =	shalt  }
0x70: {  	_ =	shalt  }
0x71: {  	_ =	shalt  }
0x72: {  	_ =	shalt  }
0x73: {  	_ =	shalt  }
0x74: {  	_ =	shalt  }
0x75: {  	_ =	shalt  }
0x76: {  	_ =	shalt  }
0x77: {  	_ =	shalt  }
0x78: {  	_ =	shalt  }
0x79: {  	_ =	shalt  }
0x7a: {  	_ =	shalt  }
0x7b: {  	_ =	shalt  }
0x7c: {  	_ =	shalt  }
0x7d: {  	_ =	shalt  }
0x7e: {  	_ =	shalt  }
0x7f: {  	_ =	shalt  }
0x80: {  	_ =	shalt  }
0x81: {  	_ =	shalt  }
0x82: {  	_ =	shalt  }
0x83: {  	_ =	shalt  }
0x84: {  	_ =	shalt  }
0x85: {  	_ =	shalt  }
0x86: {  	_ =	shalt  }
0x87: {  	_ =	shalt  }
.Lfunc_end0:
.L_simem_size_0:
called_computation_lowered:
.L_overlay_start_0:
0x88: {  	s2 =	sld [smem:$0x3FD9]  }
0x89: {  	s3 =	sld [smem:$0x3FFE];
	_ =	sdelay $0x1  }
0x8a: {  	s1 =	srdreg.scid  }
0x8b: {  	s0 =	sand.u32 $0x1, s1  }
0x8c: {  	s18 =	sshll.u32 s0, $0xA;
	s2 =	sadd.s32 s3, s2  }
0x8d: {  	s2 =	sadd.s32 s2, s18  }
0x8e: {  	[smem:$0x3FC6] =	sst s2  }
0x8f: {  	_ = 	snop  }
0x90: {  	s2 =	sld [smem:$0x3FC9]  }
0x91: {  	s19 =	sld [smem:$0x3FC8]  }
0x92: {  	s4 =	sld [smem:$0x3FD0];
	(tm) =	ssettm $0x1  }
0x93: {  	s5 =	sld [smem:$0x3FFB];
	_ =	sdelay $0x3  }
0x94: {  	_ =	strace s5  }
0x95: {  	s5 =	sld [smem:$0x3FFC];
	_ =	sdelay $0x3  }
0x96: {  	_ =	strace s5  }
0x97: {  	s5 =	sld [smem:$0x3FFD];
	_ =	sdelay $0x3  }
0x98: {  	_ =	strace s5  }
0x99: {  	_ =	strace $0x8FFFFFFF  }
0x9a: {  	s20 =	sld [smem:$0x3FDB];
	_ =	sdelay $0x1  }
0x9b: {  	s6 =	simm.s32 $_scs_section_size  }
0x9c: {  	s7 =	simm.s32 $_size__tile_overlayer_lowered;
	s8 =	simm.s32 $_tile_overlayer_lowered  }
0x9d: {  	s23 =	simm.s32 $0x1BFF;
	s22 =	sshll.u32 s8, $0x1;
	s5 =	sadd.s32 s6, s20  }
0x9e: {  	s9 =	simm.s32 $0x0;
	s21 =	sshll.u32 s7, $0x1;
	s7 =	sadd.s32 s22, s5  }
0x9f: {  	[timem:s9], [sflag:s23] =	dma.local [hbm:s7], s21  }
0xa0: {  	_ =	swait.ge [sflag:s23], s21  }
0xa1: {  	s6 =	ssub.s32 $0x0, s21;
	[sflag:s23] =	ssyncset.done $0x0  }
0xa2: {  	[sflag:s23] =	ssyncadd.s32 s6;
	_ =	sdelay $0x1  }
0xa3: {  	s24 =	simm.s32 $0x1B8B  }
0xa4: {  	_ =	swait.ge [sflag:s24], $0x1  }
0xa5: {  	[sflag:s24] =	ssyncset.done $0x0  }
0xa6: {  	s25 =	simm.s32 $0x1B8E;
	[sflag:s24] =	ssyncadd.s32 $0xFFFFFFFF  }
0xa7: {  	s26 =	simm.s32 $execute0_lowered;
	[smem:$0x3FD2] =	sst s25  }
0xa8: {  	s6 =	sshll.u32 s26, $0x1;
	_ =	strace $0x80000046;
	[dreg:$0x1] =	wrdreg $0xFFFFFFFF  }
0xa9: {  	s28 =	simm.s32 $_size_execute0_lowered;
	s5 =	sadd.s32 s5, s6;
	[dreg:$0x0] =	wrdreg $0x0  }
0xaa: {  	s6 =	sshll.u32 s28, $0x1;
	[dreg:$0x2] =	wrdreg s5  }
0xab: {  	[dreg:$0x3] =	wrdreg s6  }
0xac: {  	[dreg:$0x4] =	wrdreg $0xC0  }
0xad: {  	_ =	task [dreg:s9], $0x5FFFF  }
0xae: {  	[dreg:$0x1] =	wrdreg $0xFFFFFFFF  }
0xaf: {  	[dreg:$0x0] =	wrdreg $0x60  }
0xb0: {  	[dreg:$0x2] =	wrdreg s2  }
0xb1: {  	[dreg:$0x3] =	wrdreg s19  }
0xb2: {  	[dreg:$0x4] =	wrdreg s4  }
0xb3: {  	[dreg:$0x5] =	wrdreg $0x9  }
0xb4: {  	_ =	task.clear_ibuf [dreg:s9], $0x6FFFF;
	_ =	strace $0x90000046  }
0xb5: {  	s29 =	simm.s32 $0x9;
	_ =	strace $0x80000048  }
0xb6: {  	_ =	swait.ge [sflag:s29], $0x1  }
0xb7: {  	[sflag:s29] =	ssyncadd.s32 $0xFFFFFFFF  }
0xb8: {  	_ =	strace $0x90000048  }
0xb9: {  	_ =	sfence  }
0xba: {  	s30 =	sld [smem:$0x0];
	_ =	sdelay $0x2  }
0xbb: {  	s31 =	sshll.u32 s1, $0xD;
	s1 =	sshrl.u32 s1, $0x2  }
0xbc: {  	s3 =	sand.u32 $0x4000, s31;
	s1 =	sadd.s32 s1, s30  }
0xbd: {  	s0 =	sor.u32 s3, s0;
	s1 =	sshll.u32 s1, $0x11  }
0xbe: {  	s0 =	sor.u32 s1, s0  }
0xbf: {  	s0 =	sadd.s32 $0x8F2B, s0  }
0xc0: {  	[sflag:s0] =	ssyncadd.remote.s32 $0x1  }
0xc1: {  	_ =	sfence.sel $0xFFFF  }
0xc2: {  	[dreg:$0x0] =	wrdreg $0xFFFFFFFF;
	(pc) =	sbr.abs _section_cstart, $3  }
0xc3: {  	[dreg:$0x1] =	wrdreg $0xFFFFFFFF  }
0xc4: {  	_ =	task.clear_ibuf [dreg:s9], $0x2FFFF;
	_ =	strace $0x9FFFFFFF  }
0xc5: {  	(tm) =	ssettm $0x7FFFFFFF  }
tec
execute0_lowered:
.L_overlay_start_1:
0x0: {  	(tag) =	ssettag $0x1  }
0x1: {  	s6 =	rddreg [dreg:$0x0]  }
0x2: {  	s0 =	srdreg.scid;
	s7 =	rddreg [dreg:$0x1]  }
0x3: {  	s2 =	rddreg [dreg:$0x2];
	s4 =	simm.s32 $0x0;
	s31 =	simm.s32 $0x80  }
0x4: {  	s12 =	simm.s32 $0x17290;
	s13 =	simm.s32 $0x172A0;
	s14 =	simm.s32 $0x1  }
0x5: {  	s15 =	simm.s32 $0x0;
	s5 =	sand.u32 $0x1, s0;
	s0 =	stileid.u32  }
0x6: {  	[smem:$0x7FF] =	sst s4;
	s1 =	sshll.u32 s5, $0x4;
	s8 =	smul.u32 $0x13880, s5  }
0x7: {  	s5 =	ssub.s32 $0x2, s5;
	s9 =	smul.u32 $0x1388, s0;
	s1 =	sor.u32 s0, s1  }
0x8: {  	s10 =	sshrl.u32 s5, $0x1;
	s3 =	smul.u32 $0x1388, s1;
	s1 =	rddreg [dreg:$0x3]  }
0x9: {  	_ =	strace $0x80000047;
	s10 =	ssub.s32 s5, s10;
	s8 =	sadd.s32 s9, s8  }
0xa: {  	s9 =	simm.s32 $0x2;
	[dreg:$0x4] =	wrdreg s31;
	s11 =	sshrl.u32 s3, $0x3  }
0xb: {  	s8 =	sadd.s32 $0x1378, s8;
	s5 =	sadd.s32 s6, s11;
	s6 =	sadd.s32 s7, s11  }
0xc: {  	s7 =	smax.u32 s10, $0x1;
	s10 =	simm.s32 $0x1388;
	s11 =	simm.s32 $0x10  }
.LBB2_1:
0xd: {  	[tilespmem:s4], [sflag:$0x2] =	stream.linear.gather [hbm4b:s5+s4], $0x1388, $0x38;
	[tilespmem:$0x173A0] =	vst v63  }
0xe: {  	_ =	swait.ge [sflag:s9], $0x1388  }
0xf: {  	[sflag:s9] =	ssyncset.done $0x0  }
0x10: {  	[sflag:s9] =	ssyncadd.s32 $0xFFFFEC78  }
0x11: {  	[tilespmem:s10], [sflag:$0x2] =	stream.linear.gather [hbm4b:s6+s4], $0x1388, $0x38;
	[tilespmem:$0x173A0] =	vst v63  }
0x12: {  	_ =	swait.ge [sflag:s9], $0x1388  }
0x13: {  	[sflag:s9] =	ssyncset.done $0x0  }
0x14: {  	s16 =	simm.s32 $0x0;
	[sflag:s9] =	ssyncadd.s32 $0xFFFFEC78  }
.LBB2_2:
0x15: {  	s17 =	sshll.u32 s16, $0x7  }
0x16: {  	v0 =	vld [tilespmem:s17+$0x0]  }
0x17: {  	v1 =	vld [tilespmem:s17+$0x1388]  }
0x18: {  	v2 =	vld [tilespmem:s17+$0x10]  }
0x19: {  	v3 =	vld [tilespmem:s17+$0x1398]  }
0x1a: {  	v4 =	vld [tilespmem:s17+$0x20]  }
0x1b: {  	v5 =	vld [tilespmem:s17+$0x13A8]  }
0x1c: {  	v6 =	vld [tilespmem:s17+$0x30]  }
0x1d: {  	v7 =	vld [tilespmem:s17+$0x13B8]  }
0x1e: {  	v8 =	vld [tilespmem:s17+$0x40]  }
0x1f: {  	v9 =	vld [tilespmem:s17+$0x13C8]  }
0x20: {  	v10 =	vld [tilespmem:s17+$0x50]  }
0x21: {  	v11 =	vld [tilespmem:s17+$0x13D8];
	v0 =	vmul.u32 $0x2710, v0  }
0x22: {  	v12 =	vld [tilespmem:s17+$0x60];
	v2 =	vmul.u32 $0x2710, v2  }
0x23: {  	v41 =	vld [tilespmem:s17+$0x70];
	v40 =	vmul.u32 $0x2710, v4;
	v0 =	vadd.s32 v1, v0  }
0x24: {  	v44 =	vld [tilespmem:s17+$0x13E8];
	v43 =	vmul.u32 $0x2710, v6;
	v42 =	vadd.s32 v3, v2;
	[tilespmem:s17+$0x2710] =	vst v0  }
0x25: {  	v47 =	vld [tilespmem:s17+$0x13F8];
	v46 =	vmul.u32 $0x2710, v8;
	v45 =	vadd.s32 v5, v40;
	[tilespmem:s17+$0x2720] =	vst v42  }
0x26: {  	v49 =	vmul.u32 $0x2710, v10;
	v48 =	vadd.s32 v7, v43;
	[tilespmem:s17+$0x2730] =	vst v45  }
0x27: {  	v51 =	vmul.u32 $0x2710, v12;
	v50 =	vadd.s32 v9, v46;
	[tilespmem:s17+$0x2740] =	vst v48  }
0x28: {  	v53 =	vmul.u32 $0x2710, v41;
	v52 =	vadd.s32 v11, v49;
	[tilespmem:s17+$0x2750] =	vst v50  }
0x29: {  	v54 =	vadd.s32 v44, v51;
	[tilespmem:s17+$0x2760] =	vst v52  }
0x2a: {  	s18 =	sshll.u32 s16, $0xB;
	s19 =	sadd.s32 s3, s17;
	v55 =	vadd.s32 v47, v53;
	[tilespmem:s17+$0x2770] =	vst v54  }
0x2b: {  	s18 =	sand.u32 $0x3FFFF800, s18;
	v56 =	vmov s19;
	s20 =	sor.u32 $0x1, s19;
	[tilespmem:s17+$0x2780] =	vst v55  }
0x2c: {  	s24 =	sor.u32 $0x2, s19;
	v57 =	vmov s20;
	[tilespmem:s18+$0x3A90] =	vst v56  }
0x2d: {  	s25 =	sor.u32 $0x3, s19;
	v58 =	vmov s24;
	[tilespmem:s18+$0x3AA0] =	vst v57  }
0x2e: {  	s26 =	sor.u32 $0x4, s19;
	v59 =	vmov s25;
	[tilespmem:s18+$0x3AB0] =	vst v58  }
0x2f: {  	s28 =	sor.u32 $0x5, s19;
	v60 =	vmov s26;
	[tilespmem:s18+$0x3AC0] =	vst v59  }
0x30: {  	s29 =	sor.u32 $0x6, s19;
	v61 =	vmov s28;
	[tilespmem:s18+$0x3AD0] =	vst v60  }
0x31: {  	s30 =	sor.u32 $0x7, s19;
	v62 =	vmov s29;
	[tilespmem:s18+$0x3AE0] =	vst v61  }
0x32: {  	s31 =	sadd.s32 $0x8, s19;
	v63 =	vmov s30;
	[tilespmem:s18+$0x3AF0] =	vst v62  }
0x33: {  	s21 =	sadd.s32 $0x9, s19;
	v4 =	vmov s31;
	[tilespmem:s18+$0x3B00] =	vst v63  }
0x34: {  	s22 =	sadd.s32 $0xA, s19;
	v5 =	vmov s21;
	[tilespmem:s18+$0x3B10] =	vst v4  }
0x35: {  	s23 =	sadd.s32 $0xB, s19;
	v6 =	vmov s22;
	[tilespmem:s18+$0x3B20] =	vst v5  }
0x36: {  	s24 =	sadd.s32 $0xC, s19;
	v7 =	vmov s23;
	[tilespmem:s18+$0x3B30] =	vst v6  }
0x37: {  	s25 =	sadd.s32 $0xD, s19;
	v8 =	vmov s24;
	[tilespmem:s18+$0x3B40] =	vst v7  }
0x38: {  	s26 =	sadd.s32 $0xE, s19;
	v9 =	vmov s25;
	[tilespmem:s18+$0x3B50] =	vst v8  }
0x39: {  	s28 =	sadd.s32 $0xF, s19;
	v10 =	vmov s26;
	[tilespmem:s18+$0x3B60] =	vst v9  }
0x3a: {  	s29 =	sadd.s32 $0x10, s19;
	v11 =	vmov s28;
	[tilespmem:s18+$0x3B70] =	vst v10  }
0x3b: {  	s30 =	sadd.s32 $0x11, s19;
	v12 =	vmov s29;
	[tilespmem:s18+$0x3B80] =	vst v11  }
0x3c: {  	v13 =	vmov s30;
	s31 =	sadd.s32 $0x12, s19;
	[tilespmem:s18+$0x3B90] =	vst v12  }
0x3d: {  	v14 =	vmov s31;
	s21 =	sadd.s32 $0x13, s19;
	[tilespmem:s18+$0x3BA0] =	vst v13  }
0x3e: {  	s22 =	sadd.s32 $0x14, s19;
	v15 =	vmov s21;
	[tilespmem:s18+$0x3BB0] =	vst v14  }
0x3f: {  	v16 =	vmov s22;
	s23 =	sadd.s32 $0x15, s19;
	[tilespmem:s18+$0x3BC0] =	vst v15  }
0x40: {  	s24 =	sadd.s32 $0x16, s19;
	v17 =	vmov s23;
	[tilespmem:s18+$0x3BD0] =	vst v16  }
0x41: {  	v18 =	vmov s24;
	s25 =	sadd.s32 $0x17, s19;
	[tilespmem:s18+$0x3BE0] =	vst v17  }
0x42: {  	s26 =	sadd.s32 $0x18, s19;
	v19 =	vmov s25;
	[tilespmem:s18+$0x3BF0] =	vst v18  }
0x43: {  	v20 =	vmov s26;
	s28 =	sadd.s32 $0x19, s19;
	[tilespmem:s18+$0x3C00] =	vst v19  }
0x44: {  	s29 =	sadd.s32 $0x1A, s19;
	v21 =	vmov s28;
	[tilespmem:s18+$0x3C10] =	vst v20  }
0x45: {  	s30 =	sadd.s32 $0x1B, s19;
	v22 =	vmov s29;
	[tilespmem:s18+$0x3C20] =	vst v21  }
0x46: {  	v23 =	vmov s30;
	s31 =	sadd.s32 $0x1C, s19;
	[tilespmem:s18+$0x3C30] =	vst v22  }
0x47: {  	s22 =	sadd.s32 $0x1E, s19;
	v24 =	vmov s31;
	[tilespmem:s18+$0x3C40] =	vst v23  }
0x48: {  	s24 =	sadd.s32 $0x20, s19;
	v26 =	vmov s22;
	[tilespmem:s18+$0x3C50] =	vst v24  }
0x49: {  	s26 =	sadd.s32 $0x22, s19;
	v28 =	vmov s24;
	[tilespmem:s18+$0x3C70] =	vst v26  }
0x4a: {  	s29 =	sadd.s32 $0x24, s19;
	v30 =	vmov s26;
	[tilespmem:s18+$0x3C90] =	vst v28  }
0x4b: {  	s30 =	sadd.s32 $0x25, s19;
	v32 =	vmov s29;
	[tilespmem:s18+$0x3CB0] =	vst v30  }
0x4c: {  	v33 =	vmov s30;
	s31 =	sadd.s32 $0x26, s19;
	[tilespmem:s18+$0x3CD0] =	vst v32  }
0x4d: {  	s22 =	sadd.s32 $0x28, s19;
	v34 =	vmov s31;
	[tilespmem:s18+$0x3CE0] =	vst v33  }
0x4e: {  	s24 =	sadd.s32 $0x2A, s19;
	v36 =	vmov s22;
	[tilespmem:s18+$0x3CF0] =	vst v34  }
0x4f: {  	s26 =	sadd.s32 $0x2C, s19;
	v38 =	vmov s24;
	[tilespmem:s18+$0x3D10] =	vst v36  }
0x50: {  	s29 =	sadd.s32 $0x2E, s19;
	v40 =	vmov s26;
	[tilespmem:s18+$0x3D30] =	vst v38  }
0x51: {  	s30 =	sadd.s32 $0x2F, s19;
	v42 =	vmov s29;
	[tilespmem:s18+$0x3D50] =	vst v40  }
0x52: {  	v43 =	vmov s30;
	s30 =	sadd.s32 $0x39, s19;
	[tilespmem:s18+$0x3D70] =	vst v42  }
0x53: {  	s21 =	sadd.s32 $0x1D, s19;
	v53 =	vmov s30;
	[tilespmem:s18+$0x3D80] =	vst v43  }
0x54: {  	s23 =	sadd.s32 $0x1F, s19;
	v25 =	vmov s21;
	[tilespmem:s18+$0x3E20] =	vst v53  }
0x55: {  	s25 =	sadd.s32 $0x21, s19;
	v27 =	vmov s23;
	[tilespmem:s18+$0x3C60] =	vst v25  }
0x56: {  	s28 =	sadd.s32 $0x23, s19;
	v29 =	vmov s25;
	[tilespmem:s18+$0x3C80] =	vst v27  }
0x57: {  	s31 =	sadd.s32 $0x30, s19;
	v31 =	vmov s28;
	[tilespmem:s18+$0x3CA0] =	vst v29  }
0x58: {  	s22 =	sadd.s32 $0x32, s19;
	v44 =	vmov s31;
	[tilespmem:s18+$0x3CC0] =	vst v31  }
0x59: {  	s24 =	sadd.s32 $0x34, s19;
	v46 =	vmov s22;
	[tilespmem:s18+$0x3D90] =	vst v44  }
0x5a: {  	s26 =	sadd.s32 $0x36, s19;
	v48 =	vmov s24;
	[tilespmem:s18+$0x3DB0] =	vst v46  }
0x5b: {  	s29 =	sadd.s32 $0x38, s19;
	v50 =	vmov s26;
	[tilespmem:s18+$0x3DD0] =	vst v48  }
0x5c: {  	s30 =	sadd.s32 $0x43, s19;
	v52 =	vmov s29;
	[tilespmem:s18+$0x3DF0] =	vst v50  }
0x5d: {  	s21 =	sadd.s32 $0x27, s19;
	v63 =	vmov s30;
	[tilespmem:s18+$0x3E10] =	vst v52  }
0x5e: {  	s23 =	sadd.s32 $0x29, s19;
	v35 =	vmov s21;
	[tilespmem:s18+$0x3EC0] =	vst v63  }
0x5f: {  	s25 =	sadd.s32 $0x2B, s19;
	v37 =	vmov s23;
	[tilespmem:s18+$0x3D00] =	vst v35  }
0x60: {  	s28 =	sadd.s32 $0x2D, s19;
	v39 =	vmov s25;
	[tilespmem:s18+$0x3D20] =	vst v37  }
0x61: {  	s31 =	sadd.s32 $0x3A, s19;
	v41 =	vmov s28;
	[tilespmem:s18+$0x3D40] =	vst v39  }
0x62: {  	s22 =	sadd.s32 $0x3C, s19;
	v54 =	vmov s31;
	[tilespmem:s18+$0x3D60] =	vst v41  }
0x63: {  	s24 =	sadd.s32 $0x3E, s19;
	v56 =	vmov s22;
	[tilespmem:s18+$0x3E30] =	vst v54  }
0x64: {  	s26 =	sadd.s32 $0x40, s19;
	v58 =	vmov s24;
	[tilespmem:s18+$0x3E50] =	vst v56  }
0x65: {  	s29 =	sadd.s32 $0x42, s19;
	v60 =	vmov s26;
	[tilespmem:s18+$0x3E70] =	vst v58  }
0x66: {  	s30 =	sadd.s32 $0x4D, s19;
	v62 =	vmov s29;
	[tilespmem:s18+$0x3E90] =	vst v60  }
0x67: {  	s21 =	sadd.s32 $0x31, s19;
	v13 =	vmov s30;
	[tilespmem:s18+$0x3EB0] =	vst v62  }
0x68: {  	s23 =	sadd.s32 $0x33, s19;
	v45 =	vmov s21;
	[tilespmem:s18+$0x3F60] =	vst v13  }
0x69: {  	s25 =	sadd.s32 $0x35, s19;
	v47 =	vmov s23;
	[tilespmem:s18+$0x3DA0] =	vst v45  }
0x6a: {  	s28 =	sadd.s32 $0x37, s19;
	v49 =	vmov s25;
	[tilespmem:s18+$0x3DC0] =	vst v47  }
0x6b: {  	s31 =	sadd.s32 $0x44, s19;
	v51 =	vmov s28;
	[tilespmem:s18+$0x3DE0] =	vst v49  }
0x6c: {  	s22 =	sadd.s32 $0x46, s19;
	v4 =	vmov s31;
	[tilespmem:s18+$0x3E00] =	vst v51  }
0x6d: {  	s24 =	sadd.s32 $0x48, s19;
	v6 =	vmov s22;
	[tilespmem:s18+$0x3ED0] =	vst v4  }
0x6e: {  	s26 =	sadd.s32 $0x4A, s19;
	v8 =	vmov s24;
	[tilespmem:s18+$0x3EF0] =	vst v6  }
0x6f: {  	s29 =	sadd.s32 $0x4C, s19;
	v10 =	vmov s26;
	[tilespmem:s18+$0x3F10] =	vst v8  }
0x70: {  	s30 =	sadd.s32 $0x57, s19;
	v12 =	vmov s29;
	[tilespmem:s18+$0x3F30] =	vst v10  }
0x71: {  	s21 =	sadd.s32 $0x3B, s19;
	v23 =	vmov s30;
	[tilespmem:s18+$0x3F50] =	vst v12  }
0x72: {  	s23 =	sadd.s32 $0x3D, s19;
	v55 =	vmov s21;
	[tilespmem:s18+$0x4000] =	vst v23  }
0x73: {  	s25 =	sadd.s32 $0x3F, s19;
	v57 =	vmov s23;
	[tilespmem:s18+$0x3E40] =	vst v55  }
0x74: {  	s28 =	sadd.s32 $0x41, s19;
	v59 =	vmov s25;
	[tilespmem:s18+$0x3E60] =	vst v57  }
0x75: {  	s31 =	sadd.s32 $0x4E, s19;
	v61 =	vmov s28;
	[tilespmem:s18+$0x3E80] =	vst v59  }
0x76: {  	s22 =	sadd.s32 $0x50, s19;
	v14 =	vmov s31;
	[tilespmem:s18+$0x3EA0] =	vst v61  }
0x77: {  	s24 =	sadd.s32 $0x52, s19;
	v16 =	vmov s22;
	[tilespmem:s18+$0x3F70] =	vst v14  }
0x78: {  	s26 =	sadd.s32 $0x54, s19;
	v18 =	vmov s24;
	[tilespmem:s18+$0x3F90] =	vst v16  }
0x79: {  	s29 =	sadd.s32 $0x56, s19;
	v20 =	vmov s26;
	[tilespmem:s18+$0x3FB0] =	vst v18  }
0x7a: {  	s30 =	sadd.s32 $0x61, s19;
	v22 =	vmov s29;
	[tilespmem:s18+$0x3FD0] =	vst v20  }
0x7b: {  	s21 =	sadd.s32 $0x45, s19;
	v33 =	vmov s30;
	[tilespmem:s18+$0x3FF0] =	vst v22  }
0x7c: {  	s23 =	sadd.s32 $0x47, s19;
	v5 =	vmov s21;
	[tilespmem:s18+$0x40A0] =	vst v33  }
0x7d: {  	s25 =	sadd.s32 $0x49, s19;
	v7 =	vmov s23;
	[tilespmem:s18+$0x3EE0] =	vst v5  }
0x7e: {  	s28 =	sadd.s32 $0x4B, s19;
	v9 =	vmov s25;
	[tilespmem:s18+$0x3F00] =	vst v7  }
0x7f: {  	s31 =	sadd.s32 $0x58, s19;
	v11 =	vmov s28;
	[tilespmem:s18+$0x3F20] =	vst v9  }
0x80: {  	s22 =	sadd.s32 $0x5A, s19;
	v24 =	vmov s31;
	[tilespmem:s18+$0x3F40] =	vst v11  }
0x81: {  	s24 =	sadd.s32 $0x5C, s19;
	v26 =	vmov s22;
	[tilespmem:s18+$0x4010] =	vst v24  }
0x82: {  	s26 =	sadd.s32 $0x5E, s19;
	v28 =	vmov s24;
	[tilespmem:s18+$0x4030] =	vst v26  }
0x83: {  	s29 =	sadd.s32 $0x60, s19;
	v30 =	vmov s26;
	[tilespmem:s18+$0x4050] =	vst v28  }
0x84: {  	s30 =	sadd.s32 $0x6B, s19;
	v32 =	vmov s29;
	[tilespmem:s18+$0x4070] =	vst v30  }
0x85: {  	s21 =	sadd.s32 $0x4F, s19;
	v43 =	vmov s30;
	[tilespmem:s18+$0x4090] =	vst v32  }
0x86: {  	s23 =	sadd.s32 $0x51, s19;
	v15 =	vmov s21;
	[tilespmem:s18+$0x4140] =	vst v43  }
0x87: {  	s25 =	sadd.s32 $0x53, s19;
	v17 =	vmov s23;
	[tilespmem:s18+$0x3F80] =	vst v15  }
0x88: {  	s28 =	sadd.s32 $0x55, s19;
	v19 =	vmov s25;
	[tilespmem:s18+$0x3FA0] =	vst v17  }
0x89: {  	s31 =	sadd.s32 $0x62, s19;
	v21 =	vmov s28;
	[tilespmem:s18+$0x3FC0] =	vst v19  }
0x8a: {  	s22 =	sadd.s32 $0x64, s19;
	v34 =	vmov s31;
	[tilespmem:s18+$0x3FE0] =	vst v21  }
0x8b: {  	s24 =	sadd.s32 $0x66, s19;
	v36 =	vmov s22;
	[tilespmem:s18+$0x40B0] =	vst v34  }
0x8c: {  	s26 =	sadd.s32 $0x68, s19;
	v38 =	vmov s24;
	[tilespmem:s18+$0x40D0] =	vst v36  }
0x8d: {  	s29 =	sadd.s32 $0x6A, s19;
	v40 =	vmov s26;
	[tilespmem:s18+$0x40F0] =	vst v38  }
0x8e: {  	s30 =	sadd.s32 $0x75, s19;
	v42 =	vmov s29;
	[tilespmem:s18+$0x4110] =	vst v40  }
0x8f: {  	s21 =	sadd.s32 $0x59, s19;
	v53 =	vmov s30;
	[tilespmem:s18+$0x4130] =	vst v42  }
0x90: {  	s23 =	sadd.s32 $0x5B, s19;
	v25 =	vmov s21;
	[tilespmem:s18+$0x41E0] =	vst v53  }
0x91: {  	s25 =	sadd.s32 $0x5D, s19;
	v27 =	vmov s23;
	[tilespmem:s18+$0x4020] =	vst v25  }
0x92: {  	s28 =	sadd.s32 $0x5F, s19;
	v29 =	vmov s25;
	[tilespmem:s18+$0x4040] =	vst v27  }
0x93: {  	s31 =	sadd.s32 $0x6C, s19;
	v31 =	vmov s28;
	[tilespmem:s18+$0x4060] =	vst v29  }
0x94: {  	s22 =	sadd.s32 $0x6E, s19;
	v44 =	vmov s31;
	[tilespmem:s18+$0x4080] =	vst v31  }
0x95: {  	s24 =	sadd.s32 $0x70, s19;
	v46 =	vmov s22;
	[tilespmem:s18+$0x4150] =	vst v44  }
0x96: {  	s26 =	sadd.s32 $0x72, s19;
	v48 =	vmov s24;
	[tilespmem:s18+$0x4170] =	vst v46  }
0x97: {  	s29 =	sadd.s32 $0x74, s19;
	v50 =	vmov s26;
	[tilespmem:s18+$0x4190] =	vst v48  }
0x98: {  	s21 =	sadd.s32 $0x63, s19;
	v52 =	vmov s29;
	[tilespmem:s18+$0x41B0] =	vst v50  }
0x99: {  	s23 =	sadd.s32 $0x65, s19;
	v35 =	vmov s21;
	[tilespmem:s18+$0x41D0] =	vst v52  }
0x9a: {  	s25 =	sadd.s32 $0x67, s19;
	v37 =	vmov s23;
	[tilespmem:s18+$0x40C0] =	vst v35  }
0x9b: {  	s28 =	sadd.s32 $0x69, s19;
	v39 =	vmov s25;
	[tilespmem:s18+$0x40E0] =	vst v37  }
0x9c: {  	s31 =	sadd.s32 $0x76, s19;
	v41 =	vmov s28;
	[tilespmem:s18+$0x4100] =	vst v39  }
0x9d: {  	s22 =	sadd.s32 $0x78, s19;
	v54 =	vmov s31;
	[tilespmem:s18+$0x4120] =	vst v41  }
0x9e: {  	s24 =	sadd.s32 $0x7A, s19;
	v56 =	vmov s22;
	[tilespmem:s18+$0x41F0] =	vst v54  }
0x9f: {  	s26 =	sadd.s32 $0x7C, s19;
	v58 =	vmov s24;
	[tilespmem:s18+$0x4210] =	vst v56  }
0xa0: {  	s29 =	sadd.s32 $0x7E, s19;
	v60 =	vmov s26;
	[tilespmem:s18+$0x4230] =	vst v58  }
0xa1: {  	s21 =	sadd.s32 $0x6D, s19;
	v62 =	vmov s29;
	[tilespmem:s18+$0x4250] =	vst v60  }
0xa2: {  	s23 =	sadd.s32 $0x6F, s19;
	v45 =	vmov s21;
	[tilespmem:s18+$0x4270] =	vst v62  }
0xa3: {  	s25 =	sadd.s32 $0x71, s19;
	v47 =	vmov s23;
	[tilespmem:s18+$0x4160] =	vst v45  }
0xa4: {  	s28 =	sadd.s32 $0x73, s19;
	v49 =	vmov s25;
	[tilespmem:s18+$0x4180] =	vst v47  }
0xa5: {  	v51 =	vmov s28;
	s21 =	sadd.s32 $0x77, s19;
	[tilespmem:s18+$0x41A0] =	vst v49  }
0xa6: {  	s23 =	sadd.s32 $0x79, s19;
	[tilespmem:s18+$0x41C0] =	vst v51;
	v55 =	vmov s21  }
0xa7: {  	p0 =	sne.s32 s16, $0x26;
	s25 =	sadd.s32 $0x7B, s19;
	v57 =	vmov s23;
	[tilespmem:s18+$0x4200] =	vst v55  }
.Ltmp0:
0xa8: {  	s28 =	sadd.s32 $0x7D, s19;
	v59 =	vmov s25;
	[tilespmem:s18+$0x4220] =	vst v57;
	(pc) =	sbr.rel @p0 .LBB2_2-.Ltmp0, $4  }
0xa9: {  	s19 =	sadd.s32 $0x7F, s19;
	v61 =	vmov s28;
	[tilespmem:s18+$0x4240] =	vst v59  }
0xaa: {  	s16 =	sadd.s32 $0x1, s16;
	v63 =	vmov s19;
	[tilespmem:s18+$0x4260] =	vst v61  }
0xab: {  	s17 =	sadd.s32 $0x2710, s17;
	s30 =	rddreg [dreg:$0x4];
	s31 =	sadd.s32 $0x3A90, s18;
	[tilespmem:s18+$0x4280] =	vst v63  }
0xac: {  	[hbm4b:s2+s30] =	stream.indirect.scatter [tilespmem:s31], [sflag:$0x1], $0x10, s17, s30, $0xb8;
	[tilespmem:$0x173A0] =	vst v63  }
0xad: {  	v0 =	vld [tilespmem:$0x1378];
	_ =	sdelay $0x1  }
0xae: {  	v1 =	vld [tilespmem:$0x2700];
	_ =	sdelay $0x2  }
0xaf: {  	v0 =	vmul.u32 $0x2710, v0;
	_ =	sdelay $0x1  }
0xb0: {  	v0 =	vadd.s32 v1, v0  }
0xb1: {  	s16 =	simm.s32 $0x40;
	s18 =	simm.s32 $0x0;
	s17 =	smov.u32 s8;
	[tilespmem:$0x17290] =	vst v0;
	v0 =	vmov s8  }
.LBB2_4:
0xb2: {  	p0 =	sne.s32 s16, $0x3C0  }
0xb3: {  	[tilespmem:s18+$0x172A0] =	vst v0;
	s17 =	sadd.s32 $0x1, s17;
	s18 =	smov.u32 s16;
	s16 =	sadd.s32 $0x40, s16  }
.Ltmp1:
0xb4: {  	(pc) =	sbr.rel @p0 .LBB2_4-.Ltmp1, $2  }
0xb5: {  	_ =	sdelay $0x2  }
0xb6: {  	v0 =	vmov s17;
	s18 =	sshra.s32 s18, $0x2  }
0xb7: {  	[tilespmem:s18+$0x172A0] =	vst v0  }
0xb8: {  	[hbm4b:s2+s11] =	stream.indirect.scatter [tilespmem:s13], [sflag:$0x1], $0x10, s12, s11, $0xb8;
	[tilespmem:$0x173A0] =	vst v63  }
0xb9: {  	_ =	swait.ge [sflag:s14], $0x800  }
0xba: {  	s16 =	simm.s32 $0x26;
	[sflag:s14] =	ssyncset.done $0x0  }
.LBB2_6:
0xbb: {  	p0 =	sne.s32 s16, $0x1;
	s16 =	sadd.s32 $0xFFFFFFFF, s16;
	[sflag:s14] =	ssyncadd.s32 $0xFFFFF800  }
.Ltmp2:
0xbc: {  	(pc) =	sbr.rel @p0 .LBB2_6-.Ltmp2, $3  }
0xbd: {  	_ =	sdelay $0x1  }
0xbe: {  	_ =	swait.ge [sflag:s14], $0x800  }
0xbf: {  	[sflag:s14] =	ssyncset.done $0x0  }
0xc0: {  	s15 =	sadd.s32 $0x1, s15  }
0xc1: {  	p0 =	sne.s32 s15, s7  }
.Ltmp3:
0xc2: {  	_ = 	snop;
	(pc) =	sbr.rel @p0 .LBB2_1-.Ltmp3, $4  }
0xc3: {  	[sflag:s14] =	ssyncadd.s32 $0xFFFFF800  }
0xc4: {  	_ =	swait.ge [sflag:s14], $0x100  }
0xc5: {  	[sflag:s14] =	ssyncset.done $0x0  }
0xc6: {  	[sflag:s14] =	ssyncadd.s32 $0xFFFFFF00  }
0xc7: {  	_ =	sfence.sel $0x180000  }
0xc8: {  	[bflag:$0x0] =	sbarrier.arrive $0xFFFF  }
0xc9: {  	p0 =	sne.s32 s0, $0x0;
	_ =	strace $0x90000047  }
0xca: {  	s0 =	sadd.s32 @!p0 $0x100000, s1;
	[bflag:$0x2] =	sbarrier.arrive $0xFFFF  }
0xcb: {  	[sflag:s0] =	ssyncadd.tile.s32 @!p0 $0x1;
	_ =	shalt  }
.Lfunc_end2:
_tile_overlayer_lowered:
.L_overlay_start_2:
0xcc: {  	(tag) =	ssettag $0x2  }
0xcd: {  	s0 =	rddreg [dreg:$0x0];
	s2 =	stileid.u32  }
0xce: {  	s1 =	rddreg [dreg:$0x1];
	p0 =	sne.s32 s2, $0x0  }
0xcf: {  	s3 =	rddreg [dreg:$0x2];
	[bflag:$0x3] =	sbarrier.arrive $0xFFFF;
	s2 =	simm.s32 @!p0 $0x1C02  }
0xd0: {  	[timem:s3], [sflag:s2] =	dma.local @!p0 [hbm:s0], s1  }
0xd1: {  	s0 =	simm.s32 @!p0 $0x2  }
0xd2: {  	_ =	swait.ge @!p0 [sflag:s0], s1  }
0xd3: {  	s1 =	ssub.s32 @!p0 $0x0, s1;
	[sflag:s0] =	ssyncset.done @!p0 $0x0  }
0xd4: {  	[sflag:s0] =	ssyncadd.s32 @!p0 s1  }
0xd5: {  	[bflag:$0x3] =	sbarrier.arrive $0xFFFF  }
0xd6: {  	_ =	shalt  }

</sc_bundles>
